<compile_context>
chip_gen: v7x
topology: tpu7x:2x2x1
jax: 0.10.2.dev20260603
libtpu: 0.0.44.dev20260713+nightly
codegen_flags: <defaults>
</compile_context>

<pallas_src>
import functools

import jax
import jax.numpy as jnp
from jax import lax
from jax.experimental import pallas as pl
from jax.experimental.pallas import tpu as pltpu
from jax.experimental.pallas import tpu_sc as plsc

N = 10000
E = 320000
EMB = 128
OUT = 256
NDENSE = 3
NT = 12
RBF = 6

NC = 2
NS = 16
L = 16
CH = 128

ROWS = E // CH
WORKERS = NC * NS
RPW = ROWS // WORKERS
ROWS_MAIN = RPW * WORKERS
TAIL = ROWS - ROWS_MAIN
N_PAD = 10240
NPT = N_PAD // NS


def _sc_pool(x, rbf_flat, idx_flat, wrbf_flat, zeros):
    mesh = plsc.VectorSubcoreMesh(core_axis_name="c", subcore_axis_name="s")

    @functools.partial(
        pl.kernel,
        mesh=mesh,
        out_type=jax.ShapeDtypeStruct((NC, N_PAD, EMB), jnp.float32),
        scratch_types=[
            pltpu.VMEM((2, CH, EMB), jnp.float32),
            pltpu.VMEM((CH * RBF + L,), jnp.float32),
            pltpu.VMEM((CH * RBF + L,), jnp.float32),
            pltpu.VMEM((RBF * EMB,), jnp.float32),
            pltpu.VMEM((2, CH), jnp.int32),
            pltpu.VMEM_SHARED((N_PAD, EMB), jnp.float32),
            pltpu.SemaphoreType.DMA,
            pltpu.SemaphoreType.DMA,
        ],
    )
    def k(x_hbm, rbf_hbm, idx_hbm, w_hbm, z_hbm, out_hbm,
          xbuf, rbfbuf0, rbfbuf1, wbuf, idxbuf,
          acc, sem_ld0, sem_ld1):
        c = lax.axis_index("c")
        s = lax.axis_index("s")
        w = c * NS + s
        r_base = w * RPW
        sem_ld = (sem_ld0, sem_ld1)
        rbfb = (rbfbuf0, rbfbuf1)

        pltpu.sync_copy(z_hbm, acc.at[pl.ds(s * NPT, NPT)])
        pltpu.sync_copy(w_hbm, wbuf)
        plsc.subcore_barrier()

        def load_descs(r, b):
            return (
                pltpu.make_async_copy(
                    x_hbm.at[pl.ds(r * CH, CH)], xbuf.at[b], sem_ld[b]),
                pltpu.make_async_copy(
                    rbf_hbm.at[pl.ds(r * (CH * RBF), CH * RBF)],
                    rbfb[b].at[pl.ds(0, CH * RBF)], sem_ld[b]),
                pltpu.make_async_copy(
                    idx_hbm.at[pl.ds(r * CH, CH)], idxbuf.at[b], sem_ld[b]),
            )

        def start_loads(r, b):
            for d in load_descs(r, b):
                d.start()

        def wait_loads(r, b):
            for d in load_descs(r, b):
                d.wait()

        wv = [
            [wbuf[pl.ds(j * EMB + blk * L, L)] for j in range(RBF)]
            for blk in range(EMB // L)
        ]

        def compute(b):
            @plsc.parallel_loop(0, CH, 1, unroll=4)
            def edge_body(e):
                base = e * RBF
                coeffs = rbfb[b][pl.ds(base, L)]
                rr = [
                    jnp.full((L,), coeffs[j], jnp.float32)
                    for j in range(RBF)
                ]
                for blk in range(EMB // L):
                    g = rr[0] * wv[blk][0]
                    for j in range(1, RBF):
                        g = g + rr[j] * wv[blk][j]
                    xbuf[b, e, pl.ds(blk * L, L)] = (
                        g * xbuf[b, e, pl.ds(blk * L, L)])

        def half_iter(k_it, b, r):
            wait_loads(r, b)
            compute(b)
            pltpu.sync_copy(xbuf.at[b], acc.at[idxbuf.at[b]], add=True)

            @pl.when(k_it < (RPW // 2) - 1)
            def _():
                start_loads(r + 2, b)

        start_loads(r_base, 0)
        start_loads(r_base + 1, 1)

        def outer(k_it, carry):
            r0 = r_base + 2 * k_it
            half_iter(k_it, 0, r0)
            half_iter(k_it, 1, r0 + 1)
            return carry

        lax.fori_loop(0, RPW // 2, outer, 0)

        @pl.when(s < TAIL // NC)
        def _():
            r = ROWS_MAIN + c * (TAIL // NC) + s
            start_loads(r, 0)
            wait_loads(r, 0)
            compute(0)
            pltpu.sync_copy(xbuf.at[0], acc.at[idxbuf.at[0]], add=True)

        plsc.subcore_barrier()
        pltpu.sync_copy(acc.at[pl.ds(s * NPT, NPT)],
                        out_hbm.at[c, pl.ds(s * NPT, NPT)])

    return k(x, rbf_flat, idx_flat, wrbf_flat, zeros)


def _tc_mlp(partials, W_up, W_mlp, b_mlp, W_out):
    RB = 1000

    def body(p_ref, wu_ref, wm_ref, bm_ref, wo_ref, o_ref):
        p = p_ref[0] + p_ref[1]
        h = jnp.dot(p, wu_ref[...], preferred_element_type=jnp.float32)
        for i in range(NDENSE):
            v = jnp.dot(h, wm_ref[i], preferred_element_type=jnp.float32)
            v = v + bm_ref[i][None, :]
            h = v * jax.nn.sigmoid(v)
        o_ref[...] = jnp.dot(h, wo_ref[...],
                             preferred_element_type=jnp.float32)

    return pl.pallas_call(
        body,
        grid=(N // RB,),
        in_specs=[
            pl.BlockSpec((NC, RB, EMB), lambda i: (0, i, 0)),
            pl.BlockSpec((EMB, OUT), lambda i: (0, 0)),
            pl.BlockSpec((NDENSE, OUT, OUT), lambda i: (0, 0, 0)),
            pl.BlockSpec((NDENSE, OUT), lambda i: (0, 0)),
            pl.BlockSpec((OUT, NT), lambda i: (0, 0)),
        ],
        out_specs=pl.BlockSpec((RB, NT), lambda i: (i, 0)),
        out_shape=jax.ShapeDtypeStruct((N, NT), jnp.float32),
    )(partials, W_up, W_mlp, b_mlp, W_out)


def kernel(n_atoms, x, rbf, tensor_index, W_rbf, W_up, W_mlp, b_mlp, W_out):
    idx_flat = tensor_index.astype(jnp.int32)
    rbf_flat = rbf.reshape(E * RBF)
    wrbf_flat = W_rbf.reshape(RBF * EMB)
    zeros = jnp.zeros((NPT, EMB), jnp.float32)
    partials = _sc_pool(x, rbf_flat, idx_flat, wrbf_flat, zeros)
    return _tc_mlp(partials, W_up, W_mlp, b_mlp, W_out)

# --- scband reference (transcript-rebuilt; emitter-appended) ---
"""Pipeline reference for scband-dim-net-output-block-24953759989851 (READ-ONLY COPY).

The authoritative reference and input builder live on the scoring server;
editing this copy changes nothing except your own understanding.
"""

import jax, jax.numpy as jnp
import numpy as np

N = 10000
E = 320000
EMB = 128
OUT = 256
NDENSE = 3
NT = 12
RBF = 6


def swish(v):
    return v * jax.nn.sigmoid(v)


def setup_inputs(seed: int = 0) -> dict:
    key = jax.random.key(seed)
    ks = jax.random.split(key, 10)
    n_atoms = jax.random.normal(ks[0], (N, EMB), dtype=jnp.float32)
    x = jax.random.normal(ks[1], (E, EMB), dtype=jnp.float32)
    rbf = jax.random.uniform(ks[2], (E, RBF), dtype=jnp.float32)
    tensor_index = jax.random.randint(ks[3], (E,), 0, N, dtype=jnp.int64)
    W_rbf = jax.random.normal(ks[4], (RBF, EMB), dtype=jnp.float32) * 0.1
    W_up = jax.random.normal(ks[5], (EMB, OUT), dtype=jnp.float32) * 0.05
    W_mlp = jax.random.normal(ks[6], (NDENSE, OUT, OUT), dtype=jnp.float32) * 0.05
    b_mlp = jnp.zeros((NDENSE, OUT), dtype=jnp.float32)
    W_out = jax.random.normal(ks[7], (OUT, NT), dtype=jnp.float32) * 0.05
    return {"n_atoms": n_atoms, "x": x, "rbf": rbf, "tensor_index": tensor_index,
            "W_rbf": W_rbf, "W_up": W_up, "W_mlp": W_mlp, "b_mlp": b_mlp, "W_out": W_out}


def reference(n_atoms, x, rbf, tensor_index, W_rbf, W_up, W_mlp, b_mlp, W_out):
    # dense_rbf: Dense(emb_size, use_bias=False)
    g = rbf @ W_rbf                                  # [E, EMB]
    # dimnet_mult
    xg = g * x                                       # [E, EMB]
    # AggregateLocalEdges pooling_method='sum' over receiving node index
    pooled = jnp.zeros((n_atoms.shape[0], xg.shape[1]), dtype=xg.dtype).at[tensor_index].add(xg)  # [N, EMB]
    # up_projection: Dense(out_emb_size, use_bias=False)
    h = pooled @ W_up                                # [N, OUT]
    # GraphMLP: num_dense dense layers with swish + bias
    for i in range(NDENSE):
        h = swish(h @ W_mlp[i] + b_mlp[i])
    # dense_final: Dense(num_targets, use_bias=False)
    out = h @ W_out                                  # [N, NT]
    return out

if __name__ == "__main__":
    import jax
    _d = setup_inputs()
    print(jax.jit(kernel)(*tuple(_d.values())))

</pallas_src>

<mosaic_0001>
#map = affine_map<(d0, d1) -> (0, 0)>
#map1 = affine_map<(d0, d1) -> (0)>
#map2 = affine_map<(d0, d1) -> (0, 0, 0)>
module attributes {stable_mosaic.version = 14 : i64} {
  func.func @k(%arg0: i32, %arg1: i32, %arg2: memref<320000x128xf32, #tpu.memory_space<hbm>>, %arg3: memref<1920000xf32, #tpu.memory_space<hbm>>, %arg4: memref<320000xi32, #tpu.memory_space<hbm>>, %arg5: memref<768xf32, #tpu.memory_space<hbm>>, %arg6: memref<640x128xf32, #tpu.memory_space<hbm>>, %arg7: memref<2x10240x128xf32, #tpu.memory_space<hbm>>, %arg8: memref<2x128x128xf32, #tpu.memory_space<vmem>>, %arg9: memref<784xf32, #tpu.memory_space<vmem>>, %arg10: memref<784xf32, #tpu.memory_space<vmem>>, %arg11: memref<768xf32, #tpu.memory_space<vmem>>, %arg12: memref<2x128xi32, #tpu.memory_space<vmem>>, %arg13: memref<10240x128xf32, #tpu.memory_space<vmem_shared>>, %arg14: memref<!tpu.dma_semaphore, #tpu.memory_space<semaphore_mem>>, %arg15: memref<!tpu.dma_semaphore, #tpu.memory_space<semaphore_mem>>) attributes {dimension_semantics = [#tpu.dimension_semantics<core_parallel>, #tpu.dimension_semantics<subcore_parallel>], iteration_bounds = array<i64: 2, 16>, scalar_prefetch = 0 : i64, scratch_operands = 8 : i64, tpu.core_type = #tpu.core_type<sc_vector_subcore>, window_params = [{transform_indices = #map}, {transform_indices = #map1}, {transform_indices = #map1}, {transform_indices = #map1}, {transform_indices = #map}, {transform_indices = #map2}]} {
    %mul3A = arith.constant 16 : i32
    %mul3A_0 = arith.muli %arg0, %mul3A : i32
    %add3A = arith.addi %mul3A_0, %arg1 : i32
    %mul3A_1 = arith.constant 78 : i32
    %mul3A_2 = arith.muli %add3A, %mul3A_1 : i32
    %mul3A_3 = arith.constant 640 : i32
    %mul3A_4 = arith.muli %arg1, %mul3A_3 : i32
    "tpu.region"() ({
      %run_scoped3A = tpu.sem_alloc : memref<!tpu.dma_semaphore, #tpu.memory_space<semaphore_mem>>
      %dma_start3A_229 = arith.constant 0 : i32
      %dma_start3A_230 = tpu.memref_slice %arg13[%mul3A_4, %dma_start3A_229] : memref<10240x128xf32, #tpu.memory_space<vmem_shared>> -> memref<640x128xf32, #tpu.memory_space<vmem_shared>>
      tpu.enqueue_dma source(%arg6 : memref<640x128xf32, #tpu.memory_space<hbm>>) target(%dma_start3A_230 : memref<640x128xf32, #tpu.memory_space<vmem_shared>>) target_semaphore(%run_scoped3A : memref<!tpu.dma_semaphore, #tpu.memory_space<semaphore_mem>>)
      %dma_wait3A = arith.constant 0 : i32
      %dma_wait3A_231 = tpu.memref_slice %arg13[%mul3A_4, %dma_wait3A] : memref<10240x128xf32, #tpu.memory_space<vmem_shared>> -> memref<640x128xf32, #tpu.memory_space<vmem_shared>>
      tpu.wait_dma2 semaphore(%run_scoped3A : memref<!tpu.dma_semaphore, #tpu.memory_space<semaphore_mem>>) src(%arg6 : memref<640x128xf32, #tpu.memory_space<hbm>>) dst(%dma_wait3A_231 : memref<640x128xf32, #tpu.memory_space<vmem_shared>>)
      tpu.yield
    }) : () -> ()
    "tpu.region"() ({
      %run_scoped3A = tpu.sem_alloc : memref<!tpu.dma_semaphore, #tpu.memory_space<semaphore_mem>>
      tpu.enqueue_dma source(%arg5 : memref<768xf32, #tpu.memory_space<hbm>>) target(%arg11 : memref<768xf32, #tpu.memory_space<vmem>>) target_semaphore(%run_scoped3A : memref<!tpu.dma_semaphore, #tpu.memory_space<semaphore_mem>>)
      tpu.wait_dma2 semaphore(%run_scoped3A : memref<!tpu.dma_semaphore, #tpu.memory_space<semaphore_mem>>) src(%arg5 : memref<768xf32, #tpu.memory_space<hbm>>) dst(%arg11 : memref<768xf32, #tpu.memory_space<vmem>>)
      tpu.yield
    }) : () -> ()
    %barrier3A = arith.constant 0 : index
    tpu.barrier barrier_id(%barrier3A)
    %get3A = arith.constant 0 : index
    %get3A_5 = tpu.vector_load %arg11[%get3A] {strides = array<i32>} : memref<768xf32, #tpu.memory_space<vmem>>, vector<16xf32>,
    %get3A_6 = vector.shape_cast %get3A_5 : vector<16xf32> to vector<16xf32>
    %get3A_7 = arith.constant 128 : index
    %get3A_8 = tpu.vector_load %arg11[%get3A_7] {strides = array<i32>} : memref<768xf32, #tpu.memory_space<vmem>>, vector<16xf32>,
    %get3A_9 = vector.shape_cast %get3A_8 : vector<16xf32> to vector<16xf32>
    %get3A_10 = arith.constant 256 : index
    %get3A_11 = tpu.vector_load %arg11[%get3A_10] {strides = array<i32>} : memref<768xf32, #tpu.memory_space<vmem>>, vector<16xf32>,
    %get3A_12 = vector.shape_cast %get3A_11 : vector<16xf32> to vector<16xf32>
    %get3A_13 = arith.constant 384 : index
    %get3A_14 = tpu.vector_load %arg11[%get3A_13] {strides = array<i32>} : memref<768xf32, #tpu.memory_space<vmem>>, vector<16xf32>,
    %get3A_15 = vector.shape_cast %get3A_14 : vector<16xf32> to vector<16xf32>
    %get3A_16 = arith.constant 512 : index
    %get3A_17 = tpu.vector_load %arg11[%get3A_16] {strides = array<i32>} : memref<768xf32, #tpu.memory_space<vmem>>, vector<16xf32>,
    %get3A_18 = vector.shape_cast %get3A_17 : vector<16xf32> to vector<16xf32>
    %get3A_19 = arith.constant 640 : index
    %get3A_20 = tpu.vector_load %arg11[%get3A_19] {strides = array<i32>} : memref<768xf32, #tpu.memory_space<vmem>>, vector<16xf32>,
    %get3A_21 = vector.shape_cast %get3A_20 : vector<16xf32> to vector<16xf32>
    %get3A_22 = arith.constant 16 : index
    %get3A_23 = tpu.vector_load %arg11[%get3A_22] {strides = array<i32>} : memref<768xf32, #tpu.memory_space<vmem>>, vector<16xf32>,
    %get3A_24 = vector.shape_cast %get3A_23 : vector<16xf32> to vector<16xf32>
    %get3A_25 = arith.constant 144 : index
    %get3A_26 = tpu.vector_load %arg11[%get3A_25] {strides = array<i32>} : memref<768xf32, #tpu.memory_space<vmem>>, vector<16xf32>,
    %get3A_27 = vector.shape_cast %get3A_26 : vector<16xf32> to vector<16xf32>
    %get3A_28 = arith.constant 272 : index
    %get3A_29 = tpu.vector_load %arg11[%get3A_28] {strides = array<i32>} : memref<768xf32, #tpu.memory_space<vmem>>, vector<16xf32>,
    %get3A_30 = vector.shape_cast %get3A_29 : vector<16xf32> to vector<16xf32>
    %get3A_31 = arith.constant 400 : index
    %get3A_32 = tpu.vector_load %arg11[%get3A_31] {strides = array<i32>} : memref<768xf32, #tpu.memory_space<vmem>>, vector<16xf32>,
    %get3A_33 = vector.shape_cast %get3A_32 : vector<16xf32> to vector<16xf32>
    %get3A_34 = arith.constant 528 : index
    %get3A_35 = tpu.vector_load %arg11[%get3A_34] {strides = array<i32>} : memref<768xf32, #tpu.memory_space<vmem>>, vector<16xf32>,
    %get3A_36 = vector.shape_cast %get3A_35 : vector<16xf32> to vector<16xf32>
    %get3A_37 = arith.constant 656 : index
    %get3A_38 = tpu.vector_load %arg11[%get3A_37] {strides = array<i32>} : memref<768xf32, #tpu.memory_space<vmem>>, vector<16xf32>,
    %get3A_39 = vector.shape_cast %get3A_38 : vector<16xf32> to vector<16xf32>
    %get3A_40 = arith.constant 32 : index
    %get3A_41 = tpu.vector_load %arg11[%get3A_40] {strides = array<i32>} : memref<768xf32, #tpu.memory_space<vmem>>, vector<16xf32>,
    %get3A_42 = vector.shape_cast %get3A_41 : vector<16xf32> to vector<16xf32>
    %get3A_43 = arith.constant 160 : index
    %get3A_44 = tpu.vector_load %arg11[%get3A_43] {strides = array<i32>} : memref<768xf32, #tpu.memory_space<vmem>>, vector<16xf32>,
    %get3A_45 = vector.shape_cast %get3A_44 : vector<16xf32> to vector<16xf32>
    %get3A_46 = arith.constant 288 : index
    %get3A_47 = tpu.vector_load %arg11[%get3A_46] {strides = array<i32>} : memref<768xf32, #tpu.memory_space<vmem>>, vector<16xf32>,
    %get3A_48 = vector.shape_cast %get3A_47 : vector<16xf32> to vector<16xf32>
    %get3A_49 = arith.constant 416 : index
    %get3A_50 = tpu.vector_load %arg11[%get3A_49] {strides = array<i32>} : memref<768xf32, #tpu.memory_space<vmem>>, vector<16xf32>,
    %get3A_51 = vector.shape_cast %get3A_50 : vector<16xf32> to vector<16xf32>
    %get3A_52 = arith.constant 544 : index
    %get3A_53 = tpu.vector_load %arg11[%get3A_52] {strides = array<i32>} : memref<768xf32, #tpu.memory_space<vmem>>, vector<16xf32>,
    %get3A_54 = vector.shape_cast %get3A_53 : vector<16xf32> to vector<16xf32>
    %get3A_55 = arith.constant 672 : index
    %get3A_56 = tpu.vector_load %arg11[%get3A_55] {strides = array<i32>} : memref<768xf32, #tpu.memory_space<vmem>>, vector<16xf32>,
    %get3A_57 = vector.shape_cast %get3A_56 : vector<16xf32> to vector<16xf32>
    %get3A_58 = arith.constant 48 : index
    %get3A_59 = tpu.vector_load %arg11[%get3A_58] {strides = array<i32>} : memref<768xf32, #tpu.memory_space<vmem>>, vector<16xf32>,
    %get3A_60 = vector.shape_cast %get3A_59 : vector<16xf32> to vector<16xf32>
    %get3A_61 = arith.constant 176 : index
    %get3A_62 = tpu.vector_load %arg11[%get3A_61] {strides = array<i32>} : memref<768xf32, #tpu.memory_space<vmem>>, vector<16xf32>,
    %get3A_63 = vector.shape_cast %get3A_62 : vector<16xf32> to vector<16xf32>
    %get3A_64 = arith.constant 304 : index
    %get3A_65 = tpu.vector_load %arg11[%get3A_64] {strides = array<i32>} : memref<768xf32, #tpu.memory_space<vmem>>, vector<16xf32>,
    %get3A_66 = vector.shape_cast %get3A_65 : vector<16xf32> to vector<16xf32>
    %get3A_67 = arith.constant 432 : index
    %get3A_68 = tpu.vector_load %arg11[%get3A_67] {strides = array<i32>} : memref<768xf32, #tpu.memory_space<vmem>>, vector<16xf32>,
    %get3A_69 = vector.shape_cast %get3A_68 : vector<16xf32> to vector<16xf32>
    %get3A_70 = arith.constant 560 : index
    %get3A_71 = tpu.vector_load %arg11[%get3A_70] {strides = array<i32>} : memref<768xf32, #tpu.memory_space<vmem>>, vector<16xf32>,
    %get3A_72 = vector.shape_cast %get3A_71 : vector<16xf32> to vector<16xf32>
    %get3A_73 = arith.constant 688 : index
    %get3A_74 = tpu.vector_load %arg11[%get3A_73] {strides = array<i32>} : memref<768xf32, #tpu.memory_space<vmem>>, vector<16xf32>,
    %get3A_75 = vector.shape_cast %get3A_74 : vector<16xf32> to vector<16xf32>
    %get3A_76 = arith.constant 64 : index
    %get3A_77 = tpu.vector_load %arg11[%get3A_76] {strides = array<i32>} : memref<768xf32, #tpu.memory_space<vmem>>, vector<16xf32>,
    %get3A_78 = vector.shape_cast %get3A_77 : vector<16xf32> to vector<16xf32>
    %get3A_79 = arith.constant 192 : index
    %get3A_80 = tpu.vector_load %arg11[%get3A_79] {strides = array<i32>} : memref<768xf32, #tpu.memory_space<vmem>>, vector<16xf32>,
    %get3A_81 = vector.shape_cast %get3A_80 : vector<16xf32> to vector<16xf32>
    %get3A_82 = arith.constant 320 : index
    %get3A_83 = tpu.vector_load %arg11[%get3A_82] {strides = array<i32>} : memref<768xf32, #tpu.memory_space<vmem>>, vector<16xf32>,
    %get3A_84 = vector.shape_cast %get3A_83 : vector<16xf32> to vector<16xf32>
    %get3A_85 = arith.constant 448 : index
    %get3A_86 = tpu.vector_load %arg11[%get3A_85] {strides = array<i32>} : memref<768xf32, #tpu.memory_space<vmem>>, vector<16xf32>,
    %get3A_87 = vector.shape_cast %get3A_86 : vector<16xf32> to vector<16xf32>
    %get3A_88 = arith.constant 576 : index
    %get3A_89 = tpu.vector_load %arg11[%get3A_88] {strides = array<i32>} : memref<768xf32, #tpu.memory_space<vmem>>, vector<16xf32>,
    %get3A_90 = vector.shape_cast %get3A_89 : vector<16xf32> to vector<16xf32>
    %get3A_91 = arith.constant 704 : index
    %get3A_92 = tpu.vector_load %arg11[%get3A_91] {strides = array<i32>} : memref<768xf32, #tpu.memory_space<vmem>>, vector<16xf32>,
    %get3A_93 = vector.shape_cast %get3A_92 : vector<16xf32> to vector<16xf32>
    %get3A_94 = arith.constant 80 : index
    %get3A_95 = tpu.vector_load %arg11[%get3A_94] {strides = array<i32>} : memref<768xf32, #tpu.memory_space<vmem>>, vector<16xf32>,
    %get3A_96 = vector.shape_cast %get3A_95 : vector<16xf32> to vector<16xf32>
    %get3A_97 = arith.constant 208 : index
    %get3A_98 = tpu.vector_load %arg11[%get3A_97] {strides = array<i32>} : memref<768xf32, #tpu.memory_space<vmem>>, vector<16xf32>,
    %get3A_99 = vector.shape_cast %get3A_98 : vector<16xf32> to vector<16xf32>
    %get3A_100 = arith.constant 336 : index
    %get3A_101 = tpu.vector_load %arg11[%get3A_100] {strides = array<i32>} : memref<768xf32, #tpu.memory_space<vmem>>, vector<16xf32>,
    %get3A_102 = vector.shape_cast %get3A_101 : vector<16xf32> to vector<16xf32>
    %get3A_103 = arith.constant 464 : index
    %get3A_104 = tpu.vector_load %arg11[%get3A_103] {strides = array<i32>} : memref<768xf32, #tpu.memory_space<vmem>>, vector<16xf32>,
    %get3A_105 = vector.shape_cast %get3A_104 : vector<16xf32> to vector<16xf32>
    %get3A_106 = arith.constant 592 : index
    %get3A_107 = tpu.vector_load %arg11[%get3A_106] {strides = array<i32>} : memref<768xf32, #tpu.memory_space<vmem>>, vector<16xf32>,
    %get3A_108 = vector.shape_cast %get3A_107 : vector<16xf32> to vector<16xf32>
    %get3A_109 = arith.constant 720 : index
    %get3A_110 = tpu.vector_load %arg11[%get3A_109] {strides = array<i32>} : memref<768xf32, #tpu.memory_space<vmem>>, vector<16xf32>,
    %get3A_111 = vector.shape_cast %get3A_110 : vector<16xf32> to vector<16xf32>
    %get3A_112 = arith.constant 96 : index
    %get3A_113 = tpu.vector_load %arg11[%get3A_112] {strides = array<i32>} : memref<768xf32, #tpu.memory_space<vmem>>, vector<16xf32>,
    %get3A_114 = vector.shape_cast %get3A_113 : vector<16xf32> to vector<16xf32>
    %get3A_115 = arith.constant 224 : index
    %get3A_116 = tpu.vector_load %arg11[%get3A_115] {strides = array<i32>} : memref<768xf32, #tpu.memory_space<vmem>>, vector<16xf32>,
    %get3A_117 = vector.shape_cast %get3A_116 : vector<16xf32> to vector<16xf32>
    %get3A_118 = arith.constant 352 : index
    %get3A_119 = tpu.vector_load %arg11[%get3A_118] {strides = array<i32>} : memref<768xf32, #tpu.memory_space<vmem>>, vector<16xf32>,
    %get3A_120 = vector.shape_cast %get3A_119 : vector<16xf32> to vector<16xf32>
    %get3A_121 = arith.constant 480 : index
    %get3A_122 = tpu.vector_load %arg11[%get3A_121] {strides = array<i32>} : memref<768xf32, #tpu.memory_space<vmem>>, vector<16xf32>,
    %get3A_123 = vector.shape_cast %get3A_122 : vector<16xf32> to vector<16xf32>
    %get3A_124 = arith.constant 608 : index
    %get3A_125 = tpu.vector_load %arg11[%get3A_124] {strides = array<i32>} : memref<768xf32, #tpu.memory_space<vmem>>, vector<16xf32>,
    %get3A_126 = vector.shape_cast %get3A_125 : vector<16xf32> to vector<16xf32>
    %get3A_127 = arith.constant 736 : index
    %get3A_128 = tpu.vector_load %arg11[%get3A_127] {strides = array<i32>} : memref<768xf32, #tpu.memory_space<vmem>>, vector<16xf32>,
    %get3A_129 = vector.shape_cast %get3A_128 : vector<16xf32> to vector<16xf32>
    %get3A_130 = arith.constant 112 : index
    %get3A_131 = tpu.vector_load %arg11[%get3A_130] {strides = array<i32>} : memref<768xf32, #tpu.memory_space<vmem>>, vector<16xf32>,
    %get3A_132 = vector.shape_cast %get3A_131 : vector<16xf32> to vector<16xf32>
    %get3A_133 = arith.constant 240 : index
    %get3A_134 = tpu.vector_load %arg11[%get3A_133] {strides = array<i32>} : memref<768xf32, #tpu.memory_space<vmem>>, vector<16xf32>,
    %get3A_135 = vector.shape_cast %get3A_134 : vector<16xf32> to vector<16xf32>
    %get3A_136 = arith.constant 368 : index
    %get3A_137 = tpu.vector_load %arg11[%get3A_136] {strides = array<i32>} : memref<768xf32, #tpu.memory_space<vmem>>, vector<16xf32>,
    %get3A_138 = vector.shape_cast %get3A_137 : vector<16xf32> to vector<16xf32>
    %get3A_139 = arith.constant 496 : index
    %get3A_140 = tpu.vector_load %arg11[%get3A_139] {strides = array<i32>} : memref<768xf32, #tpu.memory_space<vmem>>, vector<16xf32>,
    %get3A_141 = vector.shape_cast %get3A_140 : vector<16xf32> to vector<16xf32>
    %get3A_142 = arith.constant 624 : index
    %get3A_143 = tpu.vector_load %arg11[%get3A_142] {strides = array<i32>} : memref<768xf32, #tpu.memory_space<vmem>>, vector<16xf32>,
    %get3A_144 = vector.shape_cast %get3A_143 : vector<16xf32> to vector<16xf32>
    %get3A_145 = arith.constant 752 : index
    %get3A_146 = tpu.vector_load %arg11[%get3A_145] {strides = array<i32>} : memref<768xf32, #tpu.memory_space<vmem>>, vector<16xf32>,
    %get3A_147 = vector.shape_cast %get3A_146 : vector<16xf32> to vector<16xf32>
    %mul3A_148 = arith.constant 128 : i32
    %mul3A_149 = arith.muli %mul3A_2, %mul3A_148 : i32
    %mul3A_150 = arith.constant 768 : i32
    %mul3A_151 = arith.muli %mul3A_2, %mul3A_150 : i32
    %mul3A_152 = arith.constant 128 : i32
    %mul3A_153 = arith.muli %mul3A_2, %mul3A_152 : i32
    %dma_start3A = arith.constant 0 : i32
    %dma_start3A_154 = arith.constant 0 : i32
    %dma_start3A_155 = arith.constant 0 : i32
    %dma_start3A_156 = tpu.memref_slice %arg8[%dma_start3A, %dma_start3A_154, %dma_start3A_155] : memref<2x128x128xf32, #tpu.memory_space<vmem>> -> memref<1x128x128xf32, #tpu.memory_space<vmem>>
    %dma_start3A_157 = tpu.memref_squeeze %dma_start3A_156 : memref<1x128x128xf32, #tpu.memory_space<vmem>> -> memref<128x128xf32, #tpu.memory_space<vmem>>
    %dma_start3A_158 = arith.constant 0 : i32
    %dma_start3A_159 = tpu.memref_slice %arg2[%mul3A_149, %dma_start3A_158] : memref<320000x128xf32, #tpu.memory_space<hbm>> -> memref<128x128xf32, #tpu.memory_space<hbm>>
    %dma_start3A_160 = arith.constant 0 : i32
    %dma_start3A_161 = arith.constant 0 : i32
    %dma_start3A_162 = tpu.memref_slice %arg8[%dma_start3A, %dma_start3A_160, %dma_start3A_161] : memref<2x128x128xf32, #tpu.memory_space<vmem>> -> memref<1x128x128xf32, #tpu.memory_space<vmem>>
    %dma_start3A_163 = tpu.memref_squeeze %dma_start3A_162 : memref<1x128x128xf32, #tpu.memory_space<vmem>> -> memref<128x128xf32, #tpu.memory_space<vmem>>
    %dma_start3A_164 = arith.constant 0 : i32
    %dma_start3A_165 = tpu.memref_slice %arg2[%mul3A_149, %dma_start3A_164] : memref<320000x128xf32, #tpu.memory_space<hbm>> -> memref<128x128xf32, #tpu.memory_space<hbm>>
    tpu.enqueue_dma source(%dma_start3A_165 : memref<128x128xf32, #tpu.memory_space<hbm>>) target(%dma_start3A_163 : memref<128x128xf32, #tpu.memory_space<vmem>>) target_semaphore(%arg14 : memref<!tpu.dma_semaphore, #tpu.memory_space<semaphore_mem>>)
    %dma_start3A_166 = arith.constant 0 : i32
    %dma_start3A_167 = tpu.memref_slice %arg9[%dma_start3A_166] : memref<784xf32, #tpu.memory_space<vmem>> -> memref<768xf32, #tpu.memory_space<vmem>>
    %dma_start3A_168 = tpu.memref_slice %arg3[%mul3A_151] : memref<1920000xf32, #tpu.memory_space<hbm>> -> memref<768xf32, #tpu.memory_space<hbm>>
    %dma_start3A_169 = arith.constant 0 : i32
    %dma_start3A_170 = tpu.memref_slice %arg9[%dma_start3A_169] : memref<784xf32, #tpu.memory_space<vmem>> -> memref<768xf32, #tpu.memory_space<vmem>>
    %dma_start3A_171 = tpu.memref_slice %arg3[%mul3A_151] : memref<1920000xf32, #tpu.memory_space<hbm>> -> memref<768xf32, #tpu.memory_space<hbm>>
    tpu.enqueue_dma source(%dma_start3A_171 : memref<768xf32, #tpu.memory_space<hbm>>) target(%dma_start3A_170 : memref<768xf32, #tpu.memory_space<vmem>>) target_semaphore(%arg14 : memref<!tpu.dma_semaphore, #tpu.memory_space<semaphore_mem>>)
    %dma_start3A_172 = arith.constant 0 : i32
    %dma_start3A_173 = arith.constant 0 : i32
    %dma_start3A_174 = tpu.memref_slice %arg12[%dma_start3A_172, %dma_start3A_173] : memref<2x128xi32, #tpu.memory_space<vmem>> -> memref<1x128xi32, #tpu.memory_space<vmem>>
    %dma_start3A_175 = tpu.memref_squeeze %dma_start3A_174 : memref<1x128xi32, #tpu.memory_space<vmem>> -> memref<128xi32, #tpu.memory_space<vmem>>
    %dma_start3A_176 = tpu.memref_slice %arg4[%mul3A_153] : memref<320000xi32, #tpu.memory_space<hbm>> -> memref<128xi32, #tpu.memory_space<hbm>>
    %dma_start3A_177 = arith.constant 0 : i32
    %dma_start3A_178 = tpu.memref_slice %arg12[%dma_start3A_172, %dma_start3A_177] : memref<2x128xi32, #tpu.memory_space<vmem>> -> memref<1x128xi32, #tpu.memory_space<vmem>>
    %dma_start3A_179 = tpu.memref_squeeze %dma_start3A_178 : memref<1x128xi32, #tpu.memory_space<vmem>> -> memref<128xi32, #tpu.memory_space<vmem>>
    %dma_start3A_180 = tpu.memref_slice %arg4[%mul3A_153] : memref<320000xi32, #tpu.memory_space<hbm>> -> memref<128xi32, #tpu.memory_space<hbm>>
    tpu.enqueue_dma source(%dma_start3A_180 : memref<128xi32, #tpu.memory_space<hbm>>) target(%dma_start3A_179 : memref<128xi32, #tpu.memory_space<vmem>>) target_semaphore(%arg14 : memref<!tpu.dma_semaphore, #tpu.memory_space<semaphore_mem>>)
    %add3A_181 = arith.constant 1 : i32
    %add3A_182 = arith.addi %mul3A_2, %add3A_181 : i32
    %mul3A_183 = arith.constant 128 : i32
    %mul3A_184 = arith.muli %add3A_182, %mul3A_183 : i32
    %mul3A_185 = arith.constant 768 : i32
    %mul3A_186 = arith.muli %add3A_182, %mul3A_185 : i32
    %mul3A_187 = arith.constant 128 : i32
    %mul3A_188 = arith.muli %add3A_182, %mul3A_187 : i32
    %dma_start3A_189 = arith.constant 1 : i32
    %dma_start3A_190 = arith.constant 0 : i32
    %dma_start3A_191 = arith.constant 0 : i32
    %dma_start3A_192 = tpu.memref_slice %arg8[%dma_start3A_189, %dma_start3A_190, %dma_start3A_191] : memref<2x128x128xf32, #tpu.memory_space<vmem>> -> memref<1x128x128xf32, #tpu.memory_space<vmem>>
    %dma_start3A_193 = tpu.memref_squeeze %dma_start3A_192 : memref<1x128x128xf32, #tpu.memory_space<vmem>> -> memref<128x128xf32, #tpu.memory_space<vmem>>
    %dma_start3A_194 = arith.constant 0 : i32
    %dma_start3A_195 = tpu.memref_slice %arg2[%mul3A_184, %dma_start3A_194] : memref<320000x128xf32, #tpu.memory_space<hbm>> -> memref<128x128xf32, #tpu.memory_space<hbm>>
    %dma_start3A_196 = arith.constant 0 : i32
    %dma_start3A_197 = arith.constant 0 : i32
    %dma_start3A_198 = tpu.memref_slice %arg8[%dma_start3A_189, %dma_start3A_196, %dma_start3A_197] : memref<2x128x128xf32, #tpu.memory_space<vmem>> -> memref<1x128x128xf32, #tpu.memory_space<vmem>>
    %dma_start3A_199 = tpu.memref_squeeze %dma_start3A_198 : memref<1x128x128xf32, #tpu.memory_space<vmem>> -> memref<128x128xf32, #tpu.memory_space<vmem>>
    %dma_start3A_200 = arith.constant 0 : i32
    %dma_start3A_201 = tpu.memref_slice %arg2[%mul3A_184, %dma_start3A_200] : memref<320000x128xf32, #tpu.memory_space<hbm>> -> memref<128x128xf32, #tpu.memory_space<hbm>>
    tpu.enqueue_dma source(%dma_start3A_201 : memref<128x128xf32, #tpu.memory_space<hbm>>) target(%dma_start3A_199 : memref<128x128xf32, #tpu.memory_space<vmem>>) target_semaphore(%arg15 : memref<!tpu.dma_semaphore, #tpu.memory_space<semaphore_mem>>)
    %dma_start3A_202 = arith.constant 0 : i32
    %dma_start3A_203 = tpu.memref_slice %arg10[%dma_start3A_202] : memref<784xf32, #tpu.memory_space<vmem>> -> memref<768xf32, #tpu.memory_space<vmem>>
    %dma_start3A_204 = tpu.memref_slice %arg3[%mul3A_186] : memref<1920000xf32, #tpu.memory_space<hbm>> -> memref<768xf32, #tpu.memory_space<hbm>>
    %dma_start3A_205 = arith.constant 0 : i32
    %dma_start3A_206 = tpu.memref_slice %arg10[%dma_start3A_205] : memref<784xf32, #tpu.memory_space<vmem>> -> memref<768xf32, #tpu.memory_space<vmem>>
    %dma_start3A_207 = tpu.memref_slice %arg3[%mul3A_186] : memref<1920000xf32, #tpu.memory_space<hbm>> -> memref<768xf32, #tpu.memory_space<hbm>>
    tpu.enqueue_dma source(%dma_start3A_207 : memref<768xf32, #tpu.memory_space<hbm>>) target(%dma_start3A_206 : memref<768xf32, #tpu.memory_space<vmem>>) target_semaphore(%arg15 : memref<!tpu.dma_semaphore, #tpu.memory_space<semaphore_mem>>)
    %dma_start3A_208 = arith.constant 1 : i32
    %dma_start3A_209 = arith.constant 0 : i32
    %dma_start3A_210 = tpu.memref_slice %arg12[%dma_start3A_208, %dma_start3A_209] : memref<2x128xi32, #tpu.memory_space<vmem>> -> memref<1x128xi32, #tpu.memory_space<vmem>>
    %dma_start3A_211 = tpu.memref_squeeze %dma_start3A_210 : memref<1x128xi32, #tpu.memory_space<vmem>> -> memref<128xi32, #tpu.memory_space<vmem>>
    %dma_start3A_212 = tpu.memref_slice %arg4[%mul3A_188] : memref<320000xi32, #tpu.memory_space<hbm>> -> memref<128xi32, #tpu.memory_space<hbm>>
    %dma_start3A_213 = arith.constant 0 : i32
    %dma_start3A_214 = tpu.memref_slice %arg12[%dma_start3A_208, %dma_start3A_213] : memref<2x128xi32, #tpu.memory_space<vmem>> -> memref<1x128xi32, #tpu.memory_space<vmem>>
    %dma_start3A_215 = tpu.memref_squeeze %dma_start3A_214 : memref<1x128xi32, #tpu.memory_space<vmem>> -> memref<128xi32, #tpu.memory_space<vmem>>
    %dma_start3A_216 = tpu.memref_slice %arg4[%mul3A_188] : memref<320000xi32, #tpu.memory_space<hbm>> -> memref<128xi32, #tpu.memory_space<hbm>>
    tpu.enqueue_dma source(%dma_start3A_216 : memref<128xi32, #tpu.memory_space<hbm>>) target(%dma_start3A_215 : memref<128xi32, #tpu.memory_space<vmem>>) target_semaphore(%arg15 : memref<!tpu.dma_semaphore, #tpu.memory_space<semaphore_mem>>)
    %scan3A = arith.constant 0 : i32
    %scan3A_217 = arith.constant 0 : i32
    %scan3A_218 = arith.constant 39 : i32
    %scan3A_219 = arith.addi %scan3A_217, %scan3A_218 : i32
    %scan3A_220 = arith.constant 1 : i32
    scf.for %scan3A_229 = %scan3A_217 to %scan3A_219 step %scan3A_220  : i32 {
      %mul3A_230 = arith.constant 2 : i32
      %mul3A_231 = arith.muli %mul3A_230, %scan3A_229 : i32
      %add3A_232 = arith.addi %mul3A_2, %mul3A_231 : i32
      %mul3A_233 = arith.constant 128 : i32
      %mul3A_234 = arith.muli %add3A_232, %mul3A_233 : i32
      %mul3A_235 = arith.constant 768 : i32
      %mul3A_236 = arith.muli %add3A_232, %mul3A_235 : i32
      %mul3A_237 = arith.constant 128 : i32
      %mul3A_238 = arith.muli %add3A_232, %mul3A_237 : i32
      %dma_wait3A = arith.constant 0 : i32
      %dma_wait3A_239 = arith.constant 0 : i32
      %dma_wait3A_240 = arith.constant 0 : i32
      %dma_wait3A_241 = tpu.memref_slice %arg8[%dma_wait3A, %dma_wait3A_239, %dma_wait3A_240] : memref<2x128x128xf32, #tpu.memory_space<vmem>> -> memref<1x128x128xf32, #tpu.memory_space<vmem>>
      %dma_wait3A_242 = tpu.memref_squeeze %dma_wait3A_241 : memref<1x128x128xf32, #tpu.memory_space<vmem>> -> memref<128x128xf32, #tpu.memory_space<vmem>>
      %dma_wait3A_243 = arith.constant 0 : i32
      %dma_wait3A_244 = tpu.memref_slice %arg2[%mul3A_234, %dma_wait3A_243] : memref<320000x128xf32, #tpu.memory_space<hbm>> -> memref<128x128xf32, #tpu.memory_space<hbm>>
      %dma_wait3A_245 = arith.constant 0 : i32
      %dma_wait3A_246 = arith.constant 0 : i32
      %dma_wait3A_247 = tpu.memref_slice %arg8[%dma_wait3A, %dma_wait3A_245, %dma_wait3A_246] : memref<2x128x128xf32, #tpu.memory_space<vmem>> -> memref<1x128x128xf32, #tpu.memory_space<vmem>>
      %dma_wait3A_248 = tpu.memref_squeeze %dma_wait3A_247 : memref<1x128x128xf32, #tpu.memory_space<vmem>> -> memref<128x128xf32, #tpu.memory_space<vmem>>
      %dma_wait3A_249 = arith.constant 0 : i32
      %dma_wait3A_250 = tpu.memref_slice %arg2[%mul3A_234, %dma_wait3A_249] : memref<320000x128xf32, #tpu.memory_space<hbm>> -> memref<128x128xf32, #tpu.memory_space<hbm>>
      tpu.wait_dma2 semaphore(%arg14 : memref<!tpu.dma_semaphore, #tpu.memory_space<semaphore_mem>>) src(%dma_wait3A_250 : memref<128x128xf32, #tpu.memory_space<hbm>>) dst(%dma_wait3A_248 : memref<128x128xf32, #tpu.memory_space<vmem>>)
      %dma_wait3A_251 = arith.constant 0 : i32
      %dma_wait3A_252 = tpu.memref_slice %arg9[%dma_wait3A_251] : memref<784xf32, #tpu.memory_space<vmem>> -> memref<768xf32, #tpu.memory_space<vmem>>
      %dma_wait3A_253 = tpu.memref_slice %arg3[%mul3A_236] : memref<1920000xf32, #tpu.memory_space<hbm>> -> memref<768xf32, #tpu.memory_space<hbm>>
      %dma_wait3A_254 = arith.constant 0 : i32
      %dma_wait3A_255 = tpu.memref_slice %arg9[%dma_wait3A_254] : memref<784xf32, #tpu.memory_space<vmem>> -> memref<768xf32, #tpu.memory_space<vmem>>
      %dma_wait3A_256 = tpu.memref_slice %arg3[%mul3A_236] : memref<1920000xf32, #tpu.memory_space<hbm>> -> memref<768xf32, #tpu.memory_space<hbm>>
      tpu.wait_dma2 semaphore(%arg14 : memref<!tpu.dma_semaphore, #tpu.memory_space<semaphore_mem>>) src(%dma_wait3A_256 : memref<768xf32, #tpu.memory_space<hbm>>) dst(%dma_wait3A_255 : memref<768xf32, #tpu.memory_space<vmem>>)
      %dma_wait3A_257 = arith.constant 0 : i32
      %dma_wait3A_258 = arith.constant 0 : i32
      %dma_wait3A_259 = tpu.memref_slice %arg12[%dma_wait3A_257, %dma_wait3A_258] : memref<2x128xi32, #tpu.memory_space<vmem>> -> memref<1x128xi32, #tpu.memory_space<vmem>>
      %dma_wait3A_260 = tpu.memref_squeeze %dma_wait3A_259 : memref<1x128xi32, #tpu.memory_space<vmem>> -> memref<128xi32, #tpu.memory_space<vmem>>
      %dma_wait3A_261 = tpu.memref_slice %arg4[%mul3A_238] : memref<320000xi32, #tpu.memory_space<hbm>> -> memref<128xi32, #tpu.memory_space<hbm>>
      %dma_wait3A_262 = arith.constant 0 : i32
      %dma_wait3A_263 = tpu.memref_slice %arg12[%dma_wait3A_257, %dma_wait3A_262] : memref<2x128xi32, #tpu.memory_space<vmem>> -> memref<1x128xi32, #tpu.memory_space<vmem>>
      %dma_wait3A_264 = tpu.memref_squeeze %dma_wait3A_263 : memref<1x128xi32, #tpu.memory_space<vmem>> -> memref<128xi32, #tpu.memory_space<vmem>>
      %dma_wait3A_265 = tpu.memref_slice %arg4[%mul3A_238] : memref<320000xi32, #tpu.memory_space<hbm>> -> memref<128xi32, #tpu.memory_space<hbm>>
      tpu.wait_dma2 semaphore(%arg14 : memref<!tpu.dma_semaphore, #tpu.memory_space<semaphore_mem>>) src(%dma_wait3A_265 : memref<128xi32, #tpu.memory_space<hbm>>) dst(%dma_wait3A_264 : memref<128xi32, #tpu.memory_space<vmem>>)
      %parallel_loop3A = arith.constant 0 : i32
      %parallel_loop3A_266 = arith.constant 128 : i32
      %parallel_loop3A_267 = arith.constant 1 : i32
      scf.for %parallel_loop3A_320 = %parallel_loop3A to %parallel_loop3A_266 step %parallel_loop3A_267  : i32 {
        %parallel_loop3A_321 = arith.constant 6 : i32
        %parallel_loop3A_322 = arith.muli %parallel_loop3A_320, %parallel_loop3A_321 : i32
        %parallel_loop3A_323 = arith.index_cast %parallel_loop3A_322 : i32 to index
        %parallel_loop3A_324 = tpu.vector_load %arg9[%parallel_loop3A_323] {strides = array<i32>} : memref<784xf32, #tpu.memory_space<vmem>>, vector<16xf32>,
        %parallel_loop3A_325 = vector.shape_cast %parallel_loop3A_324 : vector<16xf32> to vector<16xf32>
        %parallel_loop3A_326 = vector.extract_strided_slice %parallel_loop3A_325 {offsets = [0], sizes = [1], strides = [1]} : vector<16xf32> to vector<1xf32>
        %parallel_loop3A_327 = vector.extract %parallel_loop3A_326[0] : f32 from vector<1xf32>
        %parallel_loop3A_328 = vector.broadcast %parallel_loop3A_327 : f32 to vector<16xf32>
        %parallel_loop3A_329 = vector.extract_strided_slice %parallel_loop3A_325 {offsets = [1], sizes = [1], strides = [1]} : vector<16xf32> to vector<1xf32>
        %parallel_loop3A_330 = vector.extract %parallel_loop3A_329[0] : f32 from vector<1xf32>
        %parallel_loop3A_331 = vector.broadcast %parallel_loop3A_330 : f32 to vector<16xf32>
        %parallel_loop3A_332 = vector.extract_strided_slice %parallel_loop3A_325 {offsets = [2], sizes = [1], strides = [1]} : vector<16xf32> to vector<1xf32>
        %parallel_loop3A_333 = vector.extract %parallel_loop3A_332[0] : f32 from vector<1xf32>
        %parallel_loop3A_334 = vector.broadcast %parallel_loop3A_333 : f32 to vector<16xf32>
        %parallel_loop3A_335 = vector.extract_strided_slice %parallel_loop3A_325 {offsets = [3], sizes = [1], strides = [1]} : vector<16xf32> to vector<1xf32>
        %parallel_loop3A_336 = vector.extract %parallel_loop3A_335[0] : f32 from vector<1xf32>
        %parallel_loop3A_337 = vector.broadcast %parallel_loop3A_336 : f32 to vector<16xf32>
        %parallel_loop3A_338 = vector.extract_strided_slice %parallel_loop3A_325 {offsets = [4], sizes = [1], strides = [1]} : vector<16xf32> to vector<1xf32>
        %parallel_loop3A_339 = vector.extract %parallel_loop3A_338[0] : f32 from vector<1xf32>
        %parallel_loop3A_340 = vector.broadcast %parallel_loop3A_339 : f32 to vector<16xf32>
        %parallel_loop3A_341 = vector.extract_strided_slice %parallel_loop3A_325 {offsets = [5], sizes = [1], strides = [1]} : vector<16xf32> to vector<1xf32>
        %parallel_loop3A_342 = vector.extract %parallel_loop3A_341[0] : f32 from vector<1xf32>
        %parallel_loop3A_343 = vector.broadcast %parallel_loop3A_342 : f32 to vector<16xf32>
        %parallel_loop3A_344 = arith.mulf %parallel_loop3A_328, %get3A_6 : vector<16xf32>
        %parallel_loop3A_345 = arith.mulf %parallel_loop3A_331, %get3A_9 : vector<16xf32>
        %parallel_loop3A_346 = arith.addf %parallel_loop3A_344, %parallel_loop3A_345 : vector<16xf32>
        %parallel_loop3A_347 = arith.mulf %parallel_loop3A_334, %get3A_12 : vector<16xf32>
        %parallel_loop3A_348 = arith.addf %parallel_loop3A_346, %parallel_loop3A_347 : vector<16xf32>
        %parallel_loop3A_349 = arith.mulf %parallel_loop3A_337, %get3A_15 : vector<16xf32>
        %parallel_loop3A_350 = arith.addf %parallel_loop3A_348, %parallel_loop3A_349 : vector<16xf32>
        %parallel_loop3A_351 = arith.mulf %parallel_loop3A_340, %get3A_18 : vector<16xf32>
        %parallel_loop3A_352 = arith.addf %parallel_loop3A_350, %parallel_loop3A_351 : vector<16xf32>
        %parallel_loop3A_353 = arith.mulf %parallel_loop3A_343, %get3A_21 : vector<16xf32>
        %parallel_loop3A_354 = arith.addf %parallel_loop3A_352, %parallel_loop3A_353 : vector<16xf32>
        %parallel_loop3A_355 = arith.constant 0 : i32
        %parallel_loop3A_356 = arith.index_cast %parallel_loop3A_355 : i32 to index
        %parallel_loop3A_357 = arith.index_cast %parallel_loop3A_320 : i32 to index
        %parallel_loop3A_358 = arith.constant 0 : index
        %parallel_loop3A_359 = tpu.vector_load %arg8[%parallel_loop3A_356, %parallel_loop3A_357, %parallel_loop3A_358] {strides = array<i32>} : memref<2x128x128xf32, #tpu.memory_space<vmem>>, vector<1x1x16xf32>,
        %parallel_loop3A_360 = vector.shape_cast %parallel_loop3A_359 : vector<1x1x16xf32> to vector<16xf32>
        %parallel_loop3A_361 = arith.mulf %parallel_loop3A_354, %parallel_loop3A_360 : vector<16xf32>
        %parallel_loop3A_362 = arith.constant 0 : i32
        %parallel_loop3A_363 = arith.index_cast %parallel_loop3A_362 : i32 to index
        %parallel_loop3A_364 = arith.index_cast %parallel_loop3A_320 : i32 to index
        %parallel_loop3A_365 = arith.constant 0 : index
        %parallel_loop3A_366 = tpu.vector_load %arg8[%parallel_loop3A_363, %parallel_loop3A_364, %parallel_loop3A_365] {strides = array<i32>} : memref<2x128x128xf32, #tpu.memory_space<vmem>>, vector<1x1x16xf32>,
        %parallel_loop3A_367 = vector.shape_cast %parallel_loop3A_366 : vector<1x1x16xf32> to vector<16xf32>
        %parallel_loop3A_368 = vector.shape_cast %parallel_loop3A_361 : vector<16xf32> to vector<1x1x16xf32>
        tpu.vector_store %arg8[%parallel_loop3A_363, %parallel_loop3A_364, %parallel_loop3A_365], %parallel_loop3A_368 {strides = array<i32>} : memref<2x128x128xf32, #tpu.memory_space<vmem>>, vector<1x1x16xf32>,
        %parallel_loop3A_369 = arith.mulf %parallel_loop3A_328, %get3A_24 : vector<16xf32>
        %parallel_loop3A_370 = arith.mulf %parallel_loop3A_331, %get3A_27 : vector<16xf32>
        %parallel_loop3A_371 = arith.addf %parallel_loop3A_369, %parallel_loop3A_370 : vector<16xf32>
        %parallel_loop3A_372 = arith.mulf %parallel_loop3A_334, %get3A_30 : vector<16xf32>
        %parallel_loop3A_373 = arith.addf %parallel_loop3A_371, %parallel_loop3A_372 : vector<16xf32>
        %parallel_loop3A_374 = arith.mulf %parallel_loop3A_337, %get3A_33 : vector<16xf32>
        %parallel_loop3A_375 = arith.addf %parallel_loop3A_373, %parallel_loop3A_374 : vector<16xf32>
        %parallel_loop3A_376 = arith.mulf %parallel_loop3A_340, %get3A_36 : vector<16xf32>
        %parallel_loop3A_377 = arith.addf %parallel_loop3A_375, %parallel_loop3A_376 : vector<16xf32>
        %parallel_loop3A_378 = arith.mulf %parallel_loop3A_343, %get3A_39 : vector<16xf32>
        %parallel_loop3A_379 = arith.addf %parallel_loop3A_377, %parallel_loop3A_378 : vector<16xf32>
        %parallel_loop3A_380 = arith.constant 0 : i32
        %parallel_loop3A_381 = arith.index_cast %parallel_loop3A_380 : i32 to index
        %parallel_loop3A_382 = arith.index_cast %parallel_loop3A_320 : i32 to index
        %parallel_loop3A_383 = arith.constant 16 : index
        %parallel_loop3A_384 = tpu.vector_load %arg8[%parallel_loop3A_381, %parallel_loop3A_382, %parallel_loop3A_383] {strides = array<i32>} : memref<2x128x128xf32, #tpu.memory_space<vmem>>, vector<1x1x16xf32>,
        %parallel_loop3A_385 = vector.shape_cast %parallel_loop3A_384 : vector<1x1x16xf32> to vector<16xf32>
        %parallel_loop3A_386 = arith.mulf %parallel_loop3A_379, %parallel_loop3A_385 : vector<16xf32>
        %parallel_loop3A_387 = arith.constant 0 : i32
        %parallel_loop3A_388 = arith.index_cast %parallel_loop3A_387 : i32 to index
        %parallel_loop3A_389 = arith.index_cast %parallel_loop3A_320 : i32 to index
        %parallel_loop3A_390 = arith.constant 16 : index
        %parallel_loop3A_391 = tpu.vector_load %arg8[%parallel_loop3A_388, %parallel_loop3A_389, %parallel_loop3A_390] {strides = array<i32>} : memref<2x128x128xf32, #tpu.memory_space<vmem>>, vector<1x1x16xf32>,
        %parallel_loop3A_392 = vector.shape_cast %parallel_loop3A_391 : vector<1x1x16xf32> to vector<16xf32>
        %parallel_loop3A_393 = vector.shape_cast %parallel_loop3A_386 : vector<16xf32> to vector<1x1x16xf32>
        tpu.vector_store %arg8[%parallel_loop3A_388, %parallel_loop3A_389, %parallel_loop3A_390], %parallel_loop3A_393 {strides = array<i32>} : memref<2x128x128xf32, #tpu.memory_space<vmem>>, vector<1x1x16xf32>,
        %parallel_loop3A_394 = arith.mulf %parallel_loop3A_328, %get3A_42 : vector<16xf32>
        %parallel_loop3A_395 = arith.mulf %parallel_loop3A_331, %get3A_45 : vector<16xf32>
        %parallel_loop3A_396 = arith.addf %parallel_loop3A_394, %parallel_loop3A_395 : vector<16xf32>
        %parallel_loop3A_397 = arith.mulf %parallel_loop3A_334, %get3A_48 : vector<16xf32>
        %parallel_loop3A_398 = arith.addf %parallel_loop3A_396, %parallel_loop3A_397 : vector<16xf32>
        %parallel_loop3A_399 = arith.mulf %parallel_loop3A_337, %get3A_51 : vector<16xf32>
        %parallel_loop3A_400 = arith.addf %parallel_loop3A_398, %parallel_loop3A_399 : vector<16xf32>
        %parallel_loop3A_401 = arith.mulf %parallel_loop3A_340, %get3A_54 : vector<16xf32>
        %parallel_loop3A_402 = arith.addf %parallel_loop3A_400, %parallel_loop3A_401 : vector<16xf32>
        %parallel_loop3A_403 = arith.mulf %parallel_loop3A_343, %get3A_57 : vector<16xf32>
        %parallel_loop3A_404 = arith.addf %parallel_loop3A_402, %parallel_loop3A_403 : vector<16xf32>
        %parallel_loop3A_405 = arith.constant 0 : i32
        %parallel_loop3A_406 = arith.index_cast %parallel_loop3A_405 : i32 to index
        %parallel_loop3A_407 = arith.index_cast %parallel_loop3A_320 : i32 to index
        %parallel_loop3A_408 = arith.constant 32 : index
        %parallel_loop3A_409 = tpu.vector_load %arg8[%parallel_loop3A_406, %parallel_loop3A_407, %parallel_loop3A_408] {strides = array<i32>} : memref<2x128x128xf32, #tpu.memory_space<vmem>>, vector<1x1x16xf32>,
        %parallel_loop3A_410 = vector.shape_cast %parallel_loop3A_409 : vector<1x1x16xf32> to vector<16xf32>
        %parallel_loop3A_411 = arith.mulf %parallel_loop3A_404, %parallel_loop3A_410 : vector<16xf32>
        %parallel_loop3A_412 = arith.constant 0 : i32
        %parallel_loop3A_413 = arith.index_cast %parallel_loop3A_412 : i32 to index
        %parallel_loop3A_414 = arith.index_cast %parallel_loop3A_320 : i32 to index
        %parallel_loop3A_415 = arith.constant 32 : index
        %parallel_loop3A_416 = tpu.vector_load %arg8[%parallel_loop3A_413, %parallel_loop3A_414, %parallel_loop3A_415] {strides = array<i32>} : memref<2x128x128xf32, #tpu.memory_space<vmem>>, vector<1x1x16xf32>,
        %parallel_loop3A_417 = vector.shape_cast %parallel_loop3A_416 : vector<1x1x16xf32> to vector<16xf32>
        %parallel_loop3A_418 = vector.shape_cast %parallel_loop3A_411 : vector<16xf32> to vector<1x1x16xf32>
        tpu.vector_store %arg8[%parallel_loop3A_413, %parallel_loop3A_414, %parallel_loop3A_415], %parallel_loop3A_418 {strides = array<i32>} : memref<2x128x128xf32, #tpu.memory_space<vmem>>, vector<1x1x16xf32>,
        %parallel_loop3A_419 = arith.mulf %parallel_loop3A_328, %get3A_60 : vector<16xf32>
        %parallel_loop3A_420 = arith.mulf %parallel_loop3A_331, %get3A_63 : vector<16xf32>
        %parallel_loop3A_421 = arith.addf %parallel_loop3A_419, %parallel_loop3A_420 : vector<16xf32>
        %parallel_loop3A_422 = arith.mulf %parallel_loop3A_334, %get3A_66 : vector<16xf32>
        %parallel_loop3A_423 = arith.addf %parallel_loop3A_421, %parallel_loop3A_422 : vector<16xf32>
        %parallel_loop3A_424 = arith.mulf %parallel_loop3A_337, %get3A_69 : vector<16xf32>
        %parallel_loop3A_425 = arith.addf %parallel_loop3A_423, %parallel_loop3A_424 : vector<16xf32>
        %parallel_loop3A_426 = arith.mulf %parallel_loop3A_340, %get3A_72 : vector<16xf32>
        %parallel_loop3A_427 = arith.addf %parallel_loop3A_425, %parallel_loop3A_426 : vector<16xf32>
        %parallel_loop3A_428 = arith.mulf %parallel_loop3A_343, %get3A_75 : vector<16xf32>
        %parallel_loop3A_429 = arith.addf %parallel_loop3A_427, %parallel_loop3A_428 : vector<16xf32>
        %parallel_loop3A_430 = arith.constant 0 : i32
        %parallel_loop3A_431 = arith.index_cast %parallel_loop3A_430 : i32 to index
        %parallel_loop3A_432 = arith.index_cast %parallel_loop3A_320 : i32 to index
        %parallel_loop3A_433 = arith.constant 48 : index
        %parallel_loop3A_434 = tpu.vector_load %arg8[%parallel_loop3A_431, %parallel_loop3A_432, %parallel_loop3A_433] {strides = array<i32>} : memref<2x128x128xf32, #tpu.memory_space<vmem>>, vector<1x1x16xf32>,
        %parallel_loop3A_435 = vector.shape_cast %parallel_loop3A_434 : vector<1x1x16xf32> to vector<16xf32>
        %parallel_loop3A_436 = arith.mulf %parallel_loop3A_429, %parallel_loop3A_435 : vector<16xf32>
        %parallel_loop3A_437 = arith.constant 0 : i32
        %parallel_loop3A_438 = arith.index_cast %parallel_loop3A_437 : i32 to index
        %parallel_loop3A_439 = arith.index_cast %parallel_loop3A_320 : i32 to index
        %parallel_loop3A_440 = arith.constant 48 : index
        %parallel_loop3A_441 = tpu.vector_load %arg8[%parallel_loop3A_438, %parallel_loop3A_439, %parallel_loop3A_440] {strides = array<i32>} : memref<2x128x128xf32, #tpu.memory_space<vmem>>, vector<1x1x16xf32>,
        %parallel_loop3A_442 = vector.shape_cast %parallel_loop3A_441 : vector<1x1x16xf32> to vector<16xf32>
        %parallel_loop3A_443 = vector.shape_cast %parallel_loop3A_436 : vector<16xf32> to vector<1x1x16xf32>
        tpu.vector_store %arg8[%parallel_loop3A_438, %parallel_loop3A_439, %parallel_loop3A_440], %parallel_loop3A_443 {strides = array<i32>} : memref<2x128x128xf32, #tpu.memory_space<vmem>>, vector<1x1x16xf32>,
        %parallel_loop3A_444 = arith.mulf %parallel_loop3A_328, %get3A_78 : vector<16xf32>
        %parallel_loop3A_445 = arith.mulf %parallel_loop3A_331, %get3A_81 : vector<16xf32>
        %parallel_loop3A_446 = arith.addf %parallel_loop3A_444, %parallel_loop3A_445 : vector<16xf32>
        %parallel_loop3A_447 = arith.mulf %parallel_loop3A_334, %get3A_84 : vector<16xf32>
        %parallel_loop3A_448 = arith.addf %parallel_loop3A_446, %parallel_loop3A_447 : vector<16xf32>
        %parallel_loop3A_449 = arith.mulf %parallel_loop3A_337, %get3A_87 : vector<16xf32>
        %parallel_loop3A_450 = arith.addf %parallel_loop3A_448, %parallel_loop3A_449 : vector<16xf32>
        %parallel_loop3A_451 = arith.mulf %parallel_loop3A_340, %get3A_90 : vector<16xf32>
        %parallel_loop3A_452 = arith.addf %parallel_loop3A_450, %parallel_loop3A_451 : vector<16xf32>
        %parallel_loop3A_453 = arith.mulf %parallel_loop3A_343, %get3A_93 : vector<16xf32>
        %parallel_loop3A_454 = arith.addf %parallel_loop3A_452, %parallel_loop3A_453 : vector<16xf32>
        %parallel_loop3A_455 = arith.constant 0 : i32
        %parallel_loop3A_456 = arith.index_cast %parallel_loop3A_455 : i32 to index
        %parallel_loop3A_457 = arith.index_cast %parallel_loop3A_320 : i32 to index
        %parallel_loop3A_458 = arith.constant 64 : index
        %parallel_loop3A_459 = tpu.vector_load %arg8[%parallel_loop3A_456, %parallel_loop3A_457, %parallel_loop3A_458] {strides = array<i32>} : memref<2x128x128xf32, #tpu.memory_space<vmem>>, vector<1x1x16xf32>,
        %parallel_loop3A_460 = vector.shape_cast %parallel_loop3A_459 : vector<1x1x16xf32> to vector<16xf32>
        %parallel_loop3A_461 = arith.mulf %parallel_loop3A_454, %parallel_loop3A_460 : vector<16xf32>
        %parallel_loop3A_462 = arith.constant 0 : i32
        %parallel_loop3A_463 = arith.index_cast %parallel_loop3A_462 : i32 to index
        %parallel_loop3A_464 = arith.index_cast %parallel_loop3A_320 : i32 to index
        %parallel_loop3A_465 = arith.constant 64 : index
        %parallel_loop3A_466 = tpu.vector_load %arg8[%parallel_loop3A_463, %parallel_loop3A_464, %parallel_loop3A_465] {strides = array<i32>} : memref<2x128x128xf32, #tpu.memory_space<vmem>>, vector<1x1x16xf32>,
        %parallel_loop3A_467 = vector.shape_cast %parallel_loop3A_466 : vector<1x1x16xf32> to vector<16xf32>
        %parallel_loop3A_468 = vector.shape_cast %parallel_loop3A_461 : vector<16xf32> to vector<1x1x16xf32>
        tpu.vector_store %arg8[%parallel_loop3A_463, %parallel_loop3A_464, %parallel_loop3A_465], %parallel_loop3A_468 {strides = array<i32>} : memref<2x128x128xf32, #tpu.memory_space<vmem>>, vector<1x1x16xf32>,
        %parallel_loop3A_469 = arith.mulf %parallel_loop3A_328, %get3A_96 : vector<16xf32>
        %parallel_loop3A_470 = arith.mulf %parallel_loop3A_331, %get3A_99 : vector<16xf32>
        %parallel_loop3A_471 = arith.addf %parallel_loop3A_469, %parallel_loop3A_470 : vector<16xf32>
        %parallel_loop3A_472 = arith.mulf %parallel_loop3A_334, %get3A_102 : vector<16xf32>
        %parallel_loop3A_473 = arith.addf %parallel_loop3A_471, %parallel_loop3A_472 : vector<16xf32>
        %parallel_loop3A_474 = arith.mulf %parallel_loop3A_337, %get3A_105 : vector<16xf32>
        %parallel_loop3A_475 = arith.addf %parallel_loop3A_473, %parallel_loop3A_474 : vector<16xf32>
        %parallel_loop3A_476 = arith.mulf %parallel_loop3A_340, %get3A_108 : vector<16xf32>
        %parallel_loop3A_477 = arith.addf %parallel_loop3A_475, %parallel_loop3A_476 : vector<16xf32>
        %parallel_loop3A_478 = arith.mulf %parallel_loop3A_343, %get3A_111 : vector<16xf32>
        %parallel_loop3A_479 = arith.addf %parallel_loop3A_477, %parallel_loop3A_478 : vector<16xf32>
        %parallel_loop3A_480 = arith.constant 0 : i32
        %parallel_loop3A_481 = arith.index_cast %parallel_loop3A_480 : i32 to index
        %parallel_loop3A_482 = arith.index_cast %parallel_loop3A_320 : i32 to index
        %parallel_loop3A_483 = arith.constant 80 : index
        %parallel_loop3A_484 = tpu.vector_load %arg8[%parallel_loop3A_481, %parallel_loop3A_482, %parallel_loop3A_483] {strides = array<i32>} : memref<2x128x128xf32, #tpu.memory_space<vmem>>, vector<1x1x16xf32>,
        %parallel_loop3A_485 = vector.shape_cast %parallel_loop3A_484 : vector<1x1x16xf32> to vector<16xf32>
        %parallel_loop3A_486 = arith.mulf %parallel_loop3A_479, %parallel_loop3A_485 : vector<16xf32>
        %parallel_loop3A_487 = arith.constant 0 : i32
        %parallel_loop3A_488 = arith.index_cast %parallel_loop3A_487 : i32 to index
        %parallel_loop3A_489 = arith.index_cast %parallel_loop3A_320 : i32 to index
        %parallel_loop3A_490 = arith.constant 80 : index
        %parallel_loop3A_491 = tpu.vector_load %arg8[%parallel_loop3A_488, %parallel_loop3A_489, %parallel_loop3A_490] {strides = array<i32>} : memref<2x128x128xf32, #tpu.memory_space<vmem>>, vector<1x1x16xf32>,
        %parallel_loop3A_492 = vector.shape_cast %parallel_loop3A_491 : vector<1x1x16xf32> to vector<16xf32>
        %parallel_loop3A_493 = vector.shape_cast %parallel_loop3A_486 : vector<16xf32> to vector<1x1x16xf32>
        tpu.vector_store %arg8[%parallel_loop3A_488, %parallel_loop3A_489, %parallel_loop3A_490], %parallel_loop3A_493 {strides = array<i32>} : memref<2x128x128xf32, #tpu.memory_space<vmem>>, vector<1x1x16xf32>,
        %parallel_loop3A_494 = arith.mulf %parallel_loop3A_328, %get3A_114 : vector<16xf32>
        %parallel_loop3A_495 = arith.mulf %parallel_loop3A_331, %get3A_117 : vector<16xf32>
        %parallel_loop3A_496 = arith.addf %parallel_loop3A_494, %parallel_loop3A_495 : vector<16xf32>
        %parallel_loop3A_497 = arith.mulf %parallel_loop3A_334, %get3A_120 : vector<16xf32>
        %parallel_loop3A_498 = arith.addf %parallel_loop3A_496, %parallel_loop3A_497 : vector<16xf32>
        %parallel_loop3A_499 = arith.mulf %parallel_loop3A_337, %get3A_123 : vector<16xf32>
        %parallel_loop3A_500 = arith.addf %parallel_loop3A_498, %parallel_loop3A_499 : vector<16xf32>
        %parallel_loop3A_501 = arith.mulf %parallel_loop3A_340, %get3A_126 : vector<16xf32>
        %parallel_loop3A_502 = arith.addf %parallel_loop3A_500, %parallel_loop3A_501 : vector<16xf32>
        %parallel_loop3A_503 = arith.mulf %parallel_loop3A_343, %get3A_129 : vector<16xf32>
        %parallel_loop3A_504 = arith.addf %parallel_loop3A_502, %parallel_loop3A_503 : vector<16xf32>
        %parallel_loop3A_505 = arith.constant 0 : i32
        %parallel_loop3A_506 = arith.index_cast %parallel_loop3A_505 : i32 to index
        %parallel_loop3A_507 = arith.index_cast %parallel_loop3A_320 : i32 to index
        %parallel_loop3A_508 = arith.constant 96 : index
        %parallel_loop3A_509 = tpu.vector_load %arg8[%parallel_loop3A_506, %parallel_loop3A_507, %parallel_loop3A_508] {strides = array<i32>} : memref<2x128x128xf32, #tpu.memory_space<vmem>>, vector<1x1x16xf32>,
        %parallel_loop3A_510 = vector.shape_cast %parallel_loop3A_509 : vector<1x1x16xf32> to vector<16xf32>
        %parallel_loop3A_511 = arith.mulf %parallel_loop3A_504, %parallel_loop3A_510 : vector<16xf32>
        %parallel_loop3A_512 = arith.constant 0 : i32
        %parallel_loop3A_513 = arith.index_cast %parallel_loop3A_512 : i32 to index
        %parallel_loop3A_514 = arith.index_cast %parallel_loop3A_320 : i32 to index
        %parallel_loop3A_515 = arith.constant 96 : index
        %parallel_loop3A_516 = tpu.vector_load %arg8[%parallel_loop3A_513, %parallel_loop3A_514, %parallel_loop3A_515] {strides = array<i32>} : memref<2x128x128xf32, #tpu.memory_space<vmem>>, vector<1x1x16xf32>,
        %parallel_loop3A_517 = vector.shape_cast %parallel_loop3A_516 : vector<1x1x16xf32> to vector<16xf32>
        %parallel_loop3A_518 = vector.shape_cast %parallel_loop3A_511 : vector<16xf32> to vector<1x1x16xf32>
        tpu.vector_store %arg8[%parallel_loop3A_513, %parallel_loop3A_514, %parallel_loop3A_515], %parallel_loop3A_518 {strides = array<i32>} : memref<2x128x128xf32, #tpu.memory_space<vmem>>, vector<1x1x16xf32>,
        %parallel_loop3A_519 = arith.mulf %parallel_loop3A_328, %get3A_132 : vector<16xf32>
        %parallel_loop3A_520 = arith.mulf %parallel_loop3A_331, %get3A_135 : vector<16xf32>
        %parallel_loop3A_521 = arith.addf %parallel_loop3A_519, %parallel_loop3A_520 : vector<16xf32>
        %parallel_loop3A_522 = arith.mulf %parallel_loop3A_334, %get3A_138 : vector<16xf32>
        %parallel_loop3A_523 = arith.addf %parallel_loop3A_521, %parallel_loop3A_522 : vector<16xf32>
        %parallel_loop3A_524 = arith.mulf %parallel_loop3A_337, %get3A_141 : vector<16xf32>
        %parallel_loop3A_525 = arith.addf %parallel_loop3A_523, %parallel_loop3A_524 : vector<16xf32>
        %parallel_loop3A_526 = arith.mulf %parallel_loop3A_340, %get3A_144 : vector<16xf32>
        %parallel_loop3A_527 = arith.addf %parallel_loop3A_525, %parallel_loop3A_526 : vector<16xf32>
        %parallel_loop3A_528 = arith.mulf %parallel_loop3A_343, %get3A_147 : vector<16xf32>
        %parallel_loop3A_529 = arith.addf %parallel_loop3A_527, %parallel_loop3A_528 : vector<16xf32>
        %parallel_loop3A_530 = arith.constant 0 : i32
        %parallel_loop3A_531 = arith.index_cast %parallel_loop3A_530 : i32 to index
        %parallel_loop3A_532 = arith.index_cast %parallel_loop3A_320 : i32 to index
        %parallel_loop3A_533 = arith.constant 112 : index
        %parallel_loop3A_534 = tpu.vector_load %arg8[%parallel_loop3A_531, %parallel_loop3A_532, %parallel_loop3A_533] {strides = array<i32>} : memref<2x128x128xf32, #tpu.memory_space<vmem>>, vector<1x1x16xf32>,
        %parallel_loop3A_535 = vector.shape_cast %parallel_loop3A_534 : vector<1x1x16xf32> to vector<16xf32>
        %parallel_loop3A_536 = arith.mulf %parallel_loop3A_529, %parallel_loop3A_535 : vector<16xf32>
        %parallel_loop3A_537 = arith.constant 0 : i32
        %parallel_loop3A_538 = arith.index_cast %parallel_loop3A_537 : i32 to index
        %parallel_loop3A_539 = arith.index_cast %parallel_loop3A_320 : i32 to index
        %parallel_loop3A_540 = arith.constant 112 : index
        %parallel_loop3A_541 = tpu.vector_load %arg8[%parallel_loop3A_538, %parallel_loop3A_539, %parallel_loop3A_540] {strides = array<i32>} : memref<2x128x128xf32, #tpu.memory_space<vmem>>, vector<1x1x16xf32>,
        %parallel_loop3A_542 = vector.shape_cast %parallel_loop3A_541 : vector<1x1x16xf32> to vector<16xf32>
        %parallel_loop3A_543 = vector.shape_cast %parallel_loop3A_536 : vector<16xf32> to vector<1x1x16xf32>
        tpu.vector_store %arg8[%parallel_loop3A_538, %parallel_loop3A_539, %parallel_loop3A_540], %parallel_loop3A_543 {strides = array<i32>} : memref<2x128x128xf32, #tpu.memory_space<vmem>>, vector<1x1x16xf32>,
      } {sc.loop_unroll_factor = 4 : i64, sc.parallel_access}
      %run_scoped3A = arith.constant 0 : i32
      %run_scoped3A_268 = arith.constant 0 : i32
      "tpu.region"() ({
        %run_scoped3A_320 = tpu.sem_alloc : memref<!tpu.dma_semaphore, #tpu.memory_space<semaphore_mem>>
        %dma_start3A_321 = arith.constant 0 : i32
        %dma_start3A_322 = arith.constant 0 : i32
        %dma_start3A_323 = tpu.memref_slice %arg8[%run_scoped3A, %dma_start3A_321, %dma_start3A_322] : memref<2x128x128xf32, #tpu.memory_space<vmem>> -> memref<1x128x128xf32, #tpu.memory_space<vmem>>
        %dma_start3A_324 = tpu.memref_squeeze %dma_start3A_323 : memref<1x128x128xf32, #tpu.memory_space<vmem>> -> memref<128x128xf32, #tpu.memory_space<vmem>>
        %dma_start3A_325 = arith.constant 0 : i32
        %dma_start3A_326 = tpu.memref_slice %arg12[%run_scoped3A_268, %dma_start3A_325] : memref<2x128xi32, #tpu.memory_space<vmem>> -> memref<1x128xi32, #tpu.memory_space<vmem>>
        %dma_start3A_327 = tpu.memref_squeeze %dma_start3A_326 : memref<1x128xi32, #tpu.memory_space<vmem>> -> memref<128xi32, #tpu.memory_space<vmem>>
        %dma_start3A_328 = arith.constant 0 : i32
        %dma_start3A_329 = arith.constant 0 : i32
        %dma_start3A_330 = tpu.memref_slice %arg13[%dma_start3A_328, %dma_start3A_329] : memref<10240x128xf32, #tpu.memory_space<vmem_shared>> -> memref<10240x128xf32, #tpu.memory_space<vmem_shared>>
        tpu.enqueue_indirect_dma source(%dma_start3A_324 : memref<128x128xf32, #tpu.memory_space<vmem>>) target(%dma_start3A_330 : memref<10240x128xf32, #tpu.memory_space<vmem_shared>>) offsets(%dma_start3A_327 : memref<128xi32, #tpu.memory_space<vmem>>) semaphore(%run_scoped3A_320 : memref<!tpu.dma_semaphore, #tpu.memory_space<semaphore_mem>>) {add = true}
        %dma_wait3A_331 = arith.constant 0 : i32
        %dma_wait3A_332 = arith.constant 0 : i32
        %dma_wait3A_333 = tpu.memref_slice %arg8[%run_scoped3A, %dma_wait3A_331, %dma_wait3A_332] : memref<2x128x128xf32, #tpu.memory_space<vmem>> -> memref<1x128x128xf32, #tpu.memory_space<vmem>>
        %dma_wait3A_334 = tpu.memref_squeeze %dma_wait3A_333 : memref<1x128x128xf32, #tpu.memory_space<vmem>> -> memref<128x128xf32, #tpu.memory_space<vmem>>
        %dma_wait3A_335 = arith.constant 0 : i32
        %dma_wait3A_336 = tpu.memref_slice %arg12[%run_scoped3A_268, %dma_wait3A_335] : memref<2x128xi32, #tpu.memory_space<vmem>> -> memref<1x128xi32, #tpu.memory_space<vmem>>
        %dma_wait3A_337 = tpu.memref_squeeze %dma_wait3A_336 : memref<1x128xi32, #tpu.memory_space<vmem>> -> memref<128xi32, #tpu.memory_space<vmem>>
        %dma_wait3A_338 = arith.constant 0 : i32
        %dma_wait3A_339 = arith.constant 0 : i32
        %dma_wait3A_340 = tpu.memref_slice %arg13[%dma_wait3A_338, %dma_wait3A_339] : memref<10240x128xf32, #tpu.memory_space<vmem_shared>> -> memref<10240x128xf32, #tpu.memory_space<vmem_shared>>
        tpu.wait_indirect_dma semaphore(%run_scoped3A_320 : memref<!tpu.dma_semaphore, #tpu.memory_space<semaphore_mem>>) src(%dma_wait3A_334 : memref<128x128xf32, #tpu.memory_space<vmem>>) dst(%dma_wait3A_340 : memref<10240x128xf32, #tpu.memory_space<vmem_shared>>)
        tpu.yield
      }) : () -> ()
      %lt3A_269 = arith.constant 38 : i32
      %lt3A_270 = arith.cmpi slt, %scan3A_229, %lt3A_269 : i32
      %convert_element_type3A_271 = arith.extui %lt3A_270 : i1 to i32
      %cond3A_272 = arith.constant 0 : i32
      %cond3A_273 = arith.cmpi ne, %convert_element_type3A_271, %cond3A_272 : i32
      scf.if %cond3A_273 {
        %add3A_320 = arith.constant 2 : i32
        %add3A_321 = arith.addi %add3A_232, %add3A_320 : i32
        %mul3A_322 = arith.constant 128 : i32
        %mul3A_323 = arith.muli %add3A_321, %mul3A_322 : i32
        %mul3A_324 = arith.constant 768 : i32
        %mul3A_325 = arith.muli %add3A_321, %mul3A_324 : i32
        %mul3A_326 = arith.constant 128 : i32
        %mul3A_327 = arith.muli %add3A_321, %mul3A_326 : i32
        %dma_start3A_328 = arith.constant 0 : i32
        %dma_start3A_329 = arith.constant 0 : i32
        %dma_start3A_330 = arith.constant 0 : i32
        %dma_start3A_331 = tpu.memref_slice %arg8[%dma_start3A_328, %dma_start3A_329, %dma_start3A_330] : memref<2x128x128xf32, #tpu.memory_space<vmem>> -> memref<1x128x128xf32, #tpu.memory_space<vmem>>
        %dma_start3A_332 = tpu.memref_squeeze %dma_start3A_331 : memref<1x128x128xf32, #tpu.memory_space<vmem>> -> memref<128x128xf32, #tpu.memory_space<vmem>>
        %dma_start3A_333 = arith.constant 0 : i32
        %dma_start3A_334 = tpu.memref_slice %arg2[%mul3A_323, %dma_start3A_333] : memref<320000x128xf32, #tpu.memory_space<hbm>> -> memref<128x128xf32, #tpu.memory_space<hbm>>
        %dma_start3A_335 = arith.constant 0 : i32
        %dma_start3A_336 = arith.constant 0 : i32
        %dma_start3A_337 = tpu.memref_slice %arg8[%dma_start3A_328, %dma_start3A_335, %dma_start3A_336] : memref<2x128x128xf32, #tpu.memory_space<vmem>> -> memref<1x128x128xf32, #tpu.memory_space<vmem>>
        %dma_start3A_338 = tpu.memref_squeeze %dma_start3A_337 : memref<1x128x128xf32, #tpu.memory_space<vmem>> -> memref<128x128xf32, #tpu.memory_space<vmem>>
        %dma_start3A_339 = arith.constant 0 : i32
        %dma_start3A_340 = tpu.memref_slice %arg2[%mul3A_323, %dma_start3A_339] : memref<320000x128xf32, #tpu.memory_space<hbm>> -> memref<128x128xf32, #tpu.memory_space<hbm>>
        tpu.enqueue_dma source(%dma_start3A_340 : memref<128x128xf32, #tpu.memory_space<hbm>>) target(%dma_start3A_338 : memref<128x128xf32, #tpu.memory_space<vmem>>) target_semaphore(%arg14 : memref<!tpu.dma_semaphore, #tpu.memory_space<semaphore_mem>>)
        %dma_start3A_341 = arith.constant 0 : i32
        %dma_start3A_342 = tpu.memref_slice %arg9[%dma_start3A_341] : memref<784xf32, #tpu.memory_space<vmem>> -> memref<768xf32, #tpu.memory_space<vmem>>
        %dma_start3A_343 = tpu.memref_slice %arg3[%mul3A_325] : memref<1920000xf32, #tpu.memory_space<hbm>> -> memref<768xf32, #tpu.memory_space<hbm>>
        %dma_start3A_344 = arith.constant 0 : i32
        %dma_start3A_345 = tpu.memref_slice %arg9[%dma_start3A_344] : memref<784xf32, #tpu.memory_space<vmem>> -> memref<768xf32, #tpu.memory_space<vmem>>
        %dma_start3A_346 = tpu.memref_slice %arg3[%mul3A_325] : memref<1920000xf32, #tpu.memory_space<hbm>> -> memref<768xf32, #tpu.memory_space<hbm>>
        tpu.enqueue_dma source(%dma_start3A_346 : memref<768xf32, #tpu.memory_space<hbm>>) target(%dma_start3A_345 : memref<768xf32, #tpu.memory_space<vmem>>) target_semaphore(%arg14 : memref<!tpu.dma_semaphore, #tpu.memory_space<semaphore_mem>>)
        %dma_start3A_347 = arith.constant 0 : i32
        %dma_start3A_348 = arith.constant 0 : i32
        %dma_start3A_349 = tpu.memref_slice %arg12[%dma_start3A_347, %dma_start3A_348] : memref<2x128xi32, #tpu.memory_space<vmem>> -> memref<1x128xi32, #tpu.memory_space<vmem>>
        %dma_start3A_350 = tpu.memref_squeeze %dma_start3A_349 : memref<1x128xi32, #tpu.memory_space<vmem>> -> memref<128xi32, #tpu.memory_space<vmem>>
        %dma_start3A_351 = tpu.memref_slice %arg4[%mul3A_327] : memref<320000xi32, #tpu.memory_space<hbm>> -> memref<128xi32, #tpu.memory_space<hbm>>
        %dma_start3A_352 = arith.constant 0 : i32
        %dma_start3A_353 = tpu.memref_slice %arg12[%dma_start3A_347, %dma_start3A_352] : memref<2x128xi32, #tpu.memory_space<vmem>> -> memref<1x128xi32, #tpu.memory_space<vmem>>
        %dma_start3A_354 = tpu.memref_squeeze %dma_start3A_353 : memref<1x128xi32, #tpu.memory_space<vmem>> -> memref<128xi32, #tpu.memory_space<vmem>>
        %dma_start3A_355 = tpu.memref_slice %arg4[%mul3A_327] : memref<320000xi32, #tpu.memory_space<hbm>> -> memref<128xi32, #tpu.memory_space<hbm>>
        tpu.enqueue_dma source(%dma_start3A_355 : memref<128xi32, #tpu.memory_space<hbm>>) target(%dma_start3A_354 : memref<128xi32, #tpu.memory_space<vmem>>) target_semaphore(%arg14 : memref<!tpu.dma_semaphore, #tpu.memory_space<semaphore_mem>>)
      } else {
      }
      %add3A_274 = arith.constant 1 : i32
      %add3A_275 = arith.addi %add3A_232, %add3A_274 : i32
      %mul3A_276 = arith.constant 128 : i32
      %mul3A_277 = arith.muli %add3A_275, %mul3A_276 : i32
      %mul3A_278 = arith.constant 768 : i32
      %mul3A_279 = arith.muli %add3A_275, %mul3A_278 : i32
      %mul3A_280 = arith.constant 128 : i32
      %mul3A_281 = arith.muli %add3A_275, %mul3A_280 : i32
      %dma_wait3A_282 = arith.constant 1 : i32
      %dma_wait3A_283 = arith.constant 0 : i32
      %dma_wait3A_284 = arith.constant 0 : i32
      %dma_wait3A_285 = tpu.memref_slice %arg8[%dma_wait3A_282, %dma_wait3A_283, %dma_wait3A_284] : memref<2x128x128xf32, #tpu.memory_space<vmem>> -> memref<1x128x128xf32, #tpu.memory_space<vmem>>
      %dma_wait3A_286 = tpu.memref_squeeze %dma_wait3A_285 : memref<1x128x128xf32, #tpu.memory_space<vmem>> -> memref<128x128xf32, #tpu.memory_space<vmem>>
      %dma_wait3A_287 = arith.constant 0 : i32
      %dma_wait3A_288 = tpu.memref_slice %arg2[%mul3A_277, %dma_wait3A_287] : memref<320000x128xf32, #tpu.memory_space<hbm>> -> memref<128x128xf32, #tpu.memory_space<hbm>>
      %dma_wait3A_289 = arith.constant 0 : i32
      %dma_wait3A_290 = arith.constant 0 : i32
      %dma_wait3A_291 = tpu.memref_slice %arg8[%dma_wait3A_282, %dma_wait3A_289, %dma_wait3A_290] : memref<2x128x128xf32, #tpu.memory_space<vmem>> -> memref<1x128x128xf32, #tpu.memory_space<vmem>>
      %dma_wait3A_292 = tpu.memref_squeeze %dma_wait3A_291 : memref<1x128x128xf32, #tpu.memory_space<vmem>> -> memref<128x128xf32, #tpu.memory_space<vmem>>
      %dma_wait3A_293 = arith.constant 0 : i32
      %dma_wait3A_294 = tpu.memref_slice %arg2[%mul3A_277, %dma_wait3A_293] : memref<320000x128xf32, #tpu.memory_space<hbm>> -> memref<128x128xf32, #tpu.memory_space<hbm>>
      tpu.wait_dma2 semaphore(%arg15 : memref<!tpu.dma_semaphore, #tpu.memory_space<semaphore_mem>>) src(%dma_wait3A_294 : memref<128x128xf32, #tpu.memory_space<hbm>>) dst(%dma_wait3A_292 : memref<128x128xf32, #tpu.memory_space<vmem>>)
      %dma_wait3A_295 = arith.constant 0 : i32
      %dma_wait3A_296 = tpu.memref_slice %arg10[%dma_wait3A_295] : memref<784xf32, #tpu.memory_space<vmem>> -> memref<768xf32, #tpu.memory_space<vmem>>
      %dma_wait3A_297 = tpu.memref_slice %arg3[%mul3A_279] : memref<1920000xf32, #tpu.memory_space<hbm>> -> memref<768xf32, #tpu.memory_space<hbm>>
      %dma_wait3A_298 = arith.constant 0 : i32
      %dma_wait3A_299 = tpu.memref_slice %arg10[%dma_wait3A_298] : memref<784xf32, #tpu.memory_space<vmem>> -> memref<768xf32, #tpu.memory_space<vmem>>
      %dma_wait3A_300 = tpu.memref_slice %arg3[%mul3A_279] : memref<1920000xf32, #tpu.memory_space<hbm>> -> memref<768xf32, #tpu.memory_space<hbm>>
      tpu.wait_dma2 semaphore(%arg15 : memref<!tpu.dma_semaphore, #tpu.memory_space<semaphore_mem>>) src(%dma_wait3A_300 : memref<768xf32, #tpu.memory_space<hbm>>) dst(%dma_wait3A_299 : memref<768xf32, #tpu.memory_space<vmem>>)
      %dma_wait3A_301 = arith.constant 1 : i32
      %dma_wait3A_302 = arith.constant 0 : i32
      %dma_wait3A_303 = tpu.memref_slice %arg12[%dma_wait3A_301, %dma_wait3A_302] : memref<2x128xi32, #tpu.memory_space<vmem>> -> memref<1x128xi32, #tpu.memory_space<vmem>>
      %dma_wait3A_304 = tpu.memref_squeeze %dma_wait3A_303 : memref<1x128xi32, #tpu.memory_space<vmem>> -> memref<128xi32, #tpu.memory_space<vmem>>
      %dma_wait3A_305 = tpu.memref_slice %arg4[%mul3A_281] : memref<320000xi32, #tpu.memory_space<hbm>> -> memref<128xi32, #tpu.memory_space<hbm>>
      %dma_wait3A_306 = arith.constant 0 : i32
      %dma_wait3A_307 = tpu.memref_slice %arg12[%dma_wait3A_301, %dma_wait3A_306] : memref<2x128xi32, #tpu.memory_space<vmem>> -> memref<1x128xi32, #tpu.memory_space<vmem>>
      %dma_wait3A_308 = tpu.memref_squeeze %dma_wait3A_307 : memref<1x128xi32, #tpu.memory_space<vmem>> -> memref<128xi32, #tpu.memory_space<vmem>>
      %dma_wait3A_309 = tpu.memref_slice %arg4[%mul3A_281] : memref<320000xi32, #tpu.memory_space<hbm>> -> memref<128xi32, #tpu.memory_space<hbm>>
      tpu.wait_dma2 semaphore(%arg15 : memref<!tpu.dma_semaphore, #tpu.memory_space<semaphore_mem>>) src(%dma_wait3A_309 : memref<128xi32, #tpu.memory_space<hbm>>) dst(%dma_wait3A_308 : memref<128xi32, #tpu.memory_space<vmem>>)
      %parallel_loop3A_310 = arith.constant 0 : i32
      %parallel_loop3A_311 = arith.constant 128 : i32
      %parallel_loop3A_312 = arith.constant 1 : i32
      scf.for %parallel_loop3A_320 = %parallel_loop3A_310 to %parallel_loop3A_311 step %parallel_loop3A_312  : i32 {
        %parallel_loop3A_321 = arith.constant 6 : i32
        %parallel_loop3A_322 = arith.muli %parallel_loop3A_320, %parallel_loop3A_321 : i32
        %parallel_loop3A_323 = arith.index_cast %parallel_loop3A_322 : i32 to index
        %parallel_loop3A_324 = tpu.vector_load %arg10[%parallel_loop3A_323] {strides = array<i32>} : memref<784xf32, #tpu.memory_space<vmem>>, vector<16xf32>,
        %parallel_loop3A_325 = vector.shape_cast %parallel_loop3A_324 : vector<16xf32> to vector<16xf32>
        %parallel_loop3A_326 = vector.extract_strided_slice %parallel_loop3A_325 {offsets = [0], sizes = [1], strides = [1]} : vector<16xf32> to vector<1xf32>
        %parallel_loop3A_327 = vector.extract %parallel_loop3A_326[0] : f32 from vector<1xf32>
        %parallel_loop3A_328 = vector.broadcast %parallel_loop3A_327 : f32 to vector<16xf32>
        %parallel_loop3A_329 = vector.extract_strided_slice %parallel_loop3A_325 {offsets = [1], sizes = [1], strides = [1]} : vector<16xf32> to vector<1xf32>
        %parallel_loop3A_330 = vector.extract %parallel_loop3A_329[0] : f32 from vector<1xf32>
        %parallel_loop3A_331 = vector.broadcast %parallel_loop3A_330 : f32 to vector<16xf32>
        %parallel_loop3A_332 = vector.extract_strided_slice %parallel_loop3A_325 {offsets = [2], sizes = [1], strides = [1]} : vector<16xf32> to vector<1xf32>
        %parallel_loop3A_333 = vector.extract %parallel_loop3A_332[0] : f32 from vector<1xf32>
        %parallel_loop3A_334 = vector.broadcast %parallel_loop3A_333 : f32 to vector<16xf32>
        %parallel_loop3A_335 = vector.extract_strided_slice %parallel_loop3A_325 {offsets = [3], sizes = [1], strides = [1]} : vector<16xf32> to vector<1xf32>
        %parallel_loop3A_336 = vector.extract %parallel_loop3A_335[0] : f32 from vector<1xf32>
        %parallel_loop3A_337 = vector.broadcast %parallel_loop3A_336 : f32 to vector<16xf32>
        %parallel_loop3A_338 = vector.extract_strided_slice %parallel_loop3A_325 {offsets = [4], sizes = [1], strides = [1]} : vector<16xf32> to vector<1xf32>
        %parallel_loop3A_339 = vector.extract %parallel_loop3A_338[0] : f32 from vector<1xf32>
        %parallel_loop3A_340 = vector.broadcast %parallel_loop3A_339 : f32 to vector<16xf32>
        %parallel_loop3A_341 = vector.extract_strided_slice %parallel_loop3A_325 {offsets = [5], sizes = [1], strides = [1]} : vector<16xf32> to vector<1xf32>
        %parallel_loop3A_342 = vector.extract %parallel_loop3A_341[0] : f32 from vector<1xf32>
        %parallel_loop3A_343 = vector.broadcast %parallel_loop3A_342 : f32 to vector<16xf32>
        %parallel_loop3A_344 = arith.mulf %parallel_loop3A_328, %get3A_6 : vector<16xf32>
        %parallel_loop3A_345 = arith.mulf %parallel_loop3A_331, %get3A_9 : vector<16xf32>
        %parallel_loop3A_346 = arith.addf %parallel_loop3A_344, %parallel_loop3A_345 : vector<16xf32>
        %parallel_loop3A_347 = arith.mulf %parallel_loop3A_334, %get3A_12 : vector<16xf32>
        %parallel_loop3A_348 = arith.addf %parallel_loop3A_346, %parallel_loop3A_347 : vector<16xf32>
        %parallel_loop3A_349 = arith.mulf %parallel_loop3A_337, %get3A_15 : vector<16xf32>
        %parallel_loop3A_350 = arith.addf %parallel_loop3A_348, %parallel_loop3A_349 : vector<16xf32>
        %parallel_loop3A_351 = arith.mulf %parallel_loop3A_340, %get3A_18 : vector<16xf32>
        %parallel_loop3A_352 = arith.addf %parallel_loop3A_350, %parallel_loop3A_351 : vector<16xf32>
        %parallel_loop3A_353 = arith.mulf %parallel_loop3A_343, %get3A_21 : vector<16xf32>
        %parallel_loop3A_354 = arith.addf %parallel_loop3A_352, %parallel_loop3A_353 : vector<16xf32>
        %parallel_loop3A_355 = arith.constant 1 : i32
        %parallel_loop3A_356 = arith.index_cast %parallel_loop3A_355 : i32 to index
        %parallel_loop3A_357 = arith.index_cast %parallel_loop3A_320 : i32 to index
        %parallel_loop3A_358 = arith.constant 0 : index
        %parallel_loop3A_359 = tpu.vector_load %arg8[%parallel_loop3A_356, %parallel_loop3A_357, %parallel_loop3A_358] {strides = array<i32>} : memref<2x128x128xf32, #tpu.memory_space<vmem>>, vector<1x1x16xf32>,
        %parallel_loop3A_360 = vector.shape_cast %parallel_loop3A_359 : vector<1x1x16xf32> to vector<16xf32>
        %parallel_loop3A_361 = arith.mulf %parallel_loop3A_354, %parallel_loop3A_360 : vector<16xf32>
        %parallel_loop3A_362 = arith.constant 1 : i32
        %parallel_loop3A_363 = arith.index_cast %parallel_loop3A_362 : i32 to index
        %parallel_loop3A_364 = arith.index_cast %parallel_loop3A_320 : i32 to index
        %parallel_loop3A_365 = arith.constant 0 : index
        %parallel_loop3A_366 = tpu.vector_load %arg8[%parallel_loop3A_363, %parallel_loop3A_364, %parallel_loop3A_365] {strides = array<i32>} : memref<2x128x128xf32, #tpu.memory_space<vmem>>, vector<1x1x16xf32>,
        %parallel_loop3A_367 = vector.shape_cast %parallel_loop3A_366 : vector<1x1x16xf32> to vector<16xf32>
        %parallel_loop3A_368 = vector.shape_cast %parallel_loop3A_361 : vector<16xf32> to vector<1x1x16xf32>
        tpu.vector_store %arg8[%parallel_loop3A_363, %parallel_loop3A_364, %parallel_loop3A_365], %parallel_loop3A_368 {strides = array<i32>} : memref<2x128x128xf32, #tpu.memory_space<vmem>>, vector<1x1x16xf32>,
        %parallel_loop3A_369 = arith.mulf %parallel_loop3A_328, %get3A_24 : vector<16xf32>
        %parallel_loop3A_370 = arith.mulf %parallel_loop3A_331, %get3A_27 : vector<16xf32>
        %parallel_loop3A_371 = arith.addf %parallel_loop3A_369, %parallel_loop3A_370 : vector<16xf32>
        %parallel_loop3A_372 = arith.mulf %parallel_loop3A_334, %get3A_30 : vector<16xf32>
        %parallel_loop3A_373 = arith.addf %parallel_loop3A_371, %parallel_loop3A_372 : vector<16xf32>
        %parallel_loop3A_374 = arith.mulf %parallel_loop3A_337, %get3A_33 : vector<16xf32>
        %parallel_loop3A_375 = arith.addf %parallel_loop3A_373, %parallel_loop3A_374 : vector<16xf32>
        %parallel_loop3A_376 = arith.mulf %parallel_loop3A_340, %get3A_36 : vector<16xf32>
        %parallel_loop3A_377 = arith.addf %parallel_loop3A_375, %parallel_loop3A_376 : vector<16xf32>
        %parallel_loop3A_378 = arith.mulf %parallel_loop3A_343, %get3A_39 : vector<16xf32>
        %parallel_loop3A_379 = arith.addf %parallel_loop3A_377, %parallel_loop3A_378 : vector<16xf32>
        %parallel_loop3A_380 = arith.constant 1 : i32
        %parallel_loop3A_381 = arith.index_cast %parallel_loop3A_380 : i32 to index
        %parallel_loop3A_382 = arith.index_cast %parallel_loop3A_320 : i32 to index
        %parallel_loop3A_383 = arith.constant 16 : index
        %parallel_loop3A_384 = tpu.vector_load %arg8[%parallel_loop3A_381, %parallel_loop3A_382, %parallel_loop3A_383] {strides = array<i32>} : memref<2x128x128xf32, #tpu.memory_space<vmem>>, vector<1x1x16xf32>,
        %parallel_loop3A_385 = vector.shape_cast %parallel_loop3A_384 : vector<1x1x16xf32> to vector<16xf32>
        %parallel_loop3A_386 = arith.mulf %parallel_loop3A_379, %parallel_loop3A_385 : vector<16xf32>
        %parallel_loop3A_387 = arith.constant 1 : i32
        %parallel_loop3A_388 = arith.index_cast %parallel_loop3A_387 : i32 to index
        %parallel_loop3A_389 = arith.index_cast %parallel_loop3A_320 : i32 to index
        %parallel_loop3A_390 = arith.constant 16 : index
        %parallel_loop3A_391 = tpu.vector_load %arg8[%parallel_loop3A_388, %parallel_loop3A_389, %parallel_loop3A_390] {strides = array<i32>} : memref<2x128x128xf32, #tpu.memory_space<vmem>>, vector<1x1x16xf32>,
        %parallel_loop3A_392 = vector.shape_cast %parallel_loop3A_391 : vector<1x1x16xf32> to vector<16xf32>
        %parallel_loop3A_393 = vector.shape_cast %parallel_loop3A_386 : vector<16xf32> to vector<1x1x16xf32>
        tpu.vector_store %arg8[%parallel_loop3A_388, %parallel_loop3A_389, %parallel_loop3A_390], %parallel_loop3A_393 {strides = array<i32>} : memref<2x128x128xf32, #tpu.memory_space<vmem>>, vector<1x1x16xf32>,
        %parallel_loop3A_394 = arith.mulf %parallel_loop3A_328, %get3A_42 : vector<16xf32>
        %parallel_loop3A_395 = arith.mulf %parallel_loop3A_331, %get3A_45 : vector<16xf32>
        %parallel_loop3A_396 = arith.addf %parallel_loop3A_394, %parallel_loop3A_395 : vector<16xf32>
        %parallel_loop3A_397 = arith.mulf %parallel_loop3A_334, %get3A_48 : vector<16xf32>
        %parallel_loop3A_398 = arith.addf %parallel_loop3A_396, %parallel_loop3A_397 : vector<16xf32>
        %parallel_loop3A_399 = arith.mulf %parallel_loop3A_337, %get3A_51 : vector<16xf32>
        %parallel_loop3A_400 = arith.addf %parallel_loop3A_398, %parallel_loop3A_399 : vector<16xf32>
        %parallel_loop3A_401 = arith.mulf %parallel_loop3A_340, %get3A_54 : vector<16xf32>
        %parallel_loop3A_402 = arith.addf %parallel_loop3A_400, %parallel_loop3A_401 : vector<16xf32>
        %parallel_loop3A_403 = arith.mulf %parallel_loop3A_343, %get3A_57 : vector<16xf32>
        %parallel_loop3A_404 = arith.addf %parallel_loop3A_402, %parallel_loop3A_403 : vector<16xf32>
        %parallel_loop3A_405 = arith.constant 1 : i32
        %parallel_loop3A_406 = arith.index_cast %parallel_loop3A_405 : i32 to index
        %parallel_loop3A_407 = arith.index_cast %parallel_loop3A_320 : i32 to index
        %parallel_loop3A_408 = arith.constant 32 : index
        %parallel_loop3A_409 = tpu.vector_load %arg8[%parallel_loop3A_406, %parallel_loop3A_407, %parallel_loop3A_408] {strides = array<i32>} : memref<2x128x128xf32, #tpu.memory_space<vmem>>, vector<1x1x16xf32>,
        %parallel_loop3A_410 = vector.shape_cast %parallel_loop3A_409 : vector<1x1x16xf32> to vector<16xf32>
        %parallel_loop3A_411 = arith.mulf %parallel_loop3A_404, %parallel_loop3A_410 : vector<16xf32>
        %parallel_loop3A_412 = arith.constant 1 : i32
        %parallel_loop3A_413 = arith.index_cast %parallel_loop3A_412 : i32 to index
        %parallel_loop3A_414 = arith.index_cast %parallel_loop3A_320 : i32 to index
        %parallel_loop3A_415 = arith.constant 32 : index
        %parallel_loop3A_416 = tpu.vector_load %arg8[%parallel_loop3A_413, %parallel_loop3A_414, %parallel_loop3A_415] {strides = array<i32>} : memref<2x128x128xf32, #tpu.memory_space<vmem>>, vector<1x1x16xf32>,
        %parallel_loop3A_417 = vector.shape_cast %parallel_loop3A_416 : vector<1x1x16xf32> to vector<16xf32>
        %parallel_loop3A_418 = vector.shape_cast %parallel_loop3A_411 : vector<16xf32> to vector<1x1x16xf32>
        tpu.vector_store %arg8[%parallel_loop3A_413, %parallel_loop3A_414, %parallel_loop3A_415], %parallel_loop3A_418 {strides = array<i32>} : memref<2x128x128xf32, #tpu.memory_space<vmem>>, vector<1x1x16xf32>,
        %parallel_loop3A_419 = arith.mulf %parallel_loop3A_328, %get3A_60 : vector<16xf32>
        %parallel_loop3A_420 = arith.mulf %parallel_loop3A_331, %get3A_63 : vector<16xf32>
        %parallel_loop3A_421 = arith.addf %parallel_loop3A_419, %parallel_loop3A_420 : vector<16xf32>
        %parallel_loop3A_422 = arith.mulf %parallel_loop3A_334, %get3A_66 : vector<16xf32>
        %parallel_loop3A_423 = arith.addf %parallel_loop3A_421, %parallel_loop3A_422 : vector<16xf32>
        %parallel_loop3A_424 = arith.mulf %parallel_loop3A_337, %get3A_69 : vector<16xf32>
        %parallel_loop3A_425 = arith.addf %parallel_loop3A_423, %parallel_loop3A_424 : vector<16xf32>
        %parallel_loop3A_426 = arith.mulf %parallel_loop3A_340, %get3A_72 : vector<16xf32>
        %parallel_loop3A_427 = arith.addf %parallel_loop3A_425, %parallel_loop3A_426 : vector<16xf32>
        %parallel_loop3A_428 = arith.mulf %parallel_loop3A_343, %get3A_75 : vector<16xf32>
        %parallel_loop3A_429 = arith.addf %parallel_loop3A_427, %parallel_loop3A_428 : vector<16xf32>
        %parallel_loop3A_430 = arith.constant 1 : i32
        %parallel_loop3A_431 = arith.index_cast %parallel_loop3A_430 : i32 to index
        %parallel_loop3A_432 = arith.index_cast %parallel_loop3A_320 : i32 to index
        %parallel_loop3A_433 = arith.constant 48 : index
        %parallel_loop3A_434 = tpu.vector_load %arg8[%parallel_loop3A_431, %parallel_loop3A_432, %parallel_loop3A_433] {strides = array<i32>} : memref<2x128x128xf32, #tpu.memory_space<vmem>>, vector<1x1x16xf32>,
        %parallel_loop3A_435 = vector.shape_cast %parallel_loop3A_434 : vector<1x1x16xf32> to vector<16xf32>
        %parallel_loop3A_436 = arith.mulf %parallel_loop3A_429, %parallel_loop3A_435 : vector<16xf32>
        %parallel_loop3A_437 = arith.constant 1 : i32
        %parallel_loop3A_438 = arith.index_cast %parallel_loop3A_437 : i32 to index
        %parallel_loop3A_439 = arith.index_cast %parallel_loop3A_320 : i32 to index
        %parallel_loop3A_440 = arith.constant 48 : index
        %parallel_loop3A_441 = tpu.vector_load %arg8[%parallel_loop3A_438, %parallel_loop3A_439, %parallel_loop3A_440] {strides = array<i32>} : memref<2x128x128xf32, #tpu.memory_space<vmem>>, vector<1x1x16xf32>,
        %parallel_loop3A_442 = vector.shape_cast %parallel_loop3A_441 : vector<1x1x16xf32> to vector<16xf32>
        %parallel_loop3A_443 = vector.shape_cast %parallel_loop3A_436 : vector<16xf32> to vector<1x1x16xf32>
        tpu.vector_store %arg8[%parallel_loop3A_438, %parallel_loop3A_439, %parallel_loop3A_440], %parallel_loop3A_443 {strides = array<i32>} : memref<2x128x128xf32, #tpu.memory_space<vmem>>, vector<1x1x16xf32>,
        %parallel_loop3A_444 = arith.mulf %parallel_loop3A_328, %get3A_78 : vector<16xf32>
        %parallel_loop3A_445 = arith.mulf %parallel_loop3A_331, %get3A_81 : vector<16xf32>
        %parallel_loop3A_446 = arith.addf %parallel_loop3A_444, %parallel_loop3A_445 : vector<16xf32>
        %parallel_loop3A_447 = arith.mulf %parallel_loop3A_334, %get3A_84 : vector<16xf32>
        %parallel_loop3A_448 = arith.addf %parallel_loop3A_446, %parallel_loop3A_447 : vector<16xf32>
        %parallel_loop3A_449 = arith.mulf %parallel_loop3A_337, %get3A_87 : vector<16xf32>
        %parallel_loop3A_450 = arith.addf %parallel_loop3A_448, %parallel_loop3A_449 : vector<16xf32>
        %parallel_loop3A_451 = arith.mulf %parallel_loop3A_340, %get3A_90 : vector<16xf32>
        %parallel_loop3A_452 = arith.addf %parallel_loop3A_450, %parallel_loop3A_451 : vector<16xf32>
        %parallel_loop3A_453 = arith.mulf %parallel_loop3A_343, %get3A_93 : vector<16xf32>
        %parallel_loop3A_454 = arith.addf %parallel_loop3A_452, %parallel_loop3A_453 : vector<16xf32>
        %parallel_loop3A_455 = arith.constant 1 : i32
        %parallel_loop3A_456 = arith.index_cast %parallel_loop3A_455 : i32 to index
        %parallel_loop3A_457 = arith.index_cast %parallel_loop3A_320 : i32 to index
        %parallel_loop3A_458 = arith.constant 64 : index
        %parallel_loop3A_459 = tpu.vector_load %arg8[%parallel_loop3A_456, %parallel_loop3A_457, %parallel_loop3A_458] {strides = array<i32>} : memref<2x128x128xf32, #tpu.memory_space<vmem>>, vector<1x1x16xf32>,
        %parallel_loop3A_460 = vector.shape_cast %parallel_loop3A_459 : vector<1x1x16xf32> to vector<16xf32>
        %parallel_loop3A_461 = arith.mulf %parallel_loop3A_454, %parallel_loop3A_460 : vector<16xf32>
        %parallel_loop3A_462 = arith.constant 1 : i32
        %parallel_loop3A_463 = arith.index_cast %parallel_loop3A_462 : i32 to index
        %parallel_loop3A_464 = arith.index_cast %parallel_loop3A_320 : i32 to index
        %parallel_loop3A_465 = arith.constant 64 : index
        %parallel_loop3A_466 = tpu.vector_load %arg8[%parallel_loop3A_463, %parallel_loop3A_464, %parallel_loop3A_465] {strides = array<i32>} : memref<2x128x128xf32, #tpu.memory_space<vmem>>, vector<1x1x16xf32>,
        %parallel_loop3A_467 = vector.shape_cast %parallel_loop3A_466 : vector<1x1x16xf32> to vector<16xf32>
        %parallel_loop3A_468 = vector.shape_cast %parallel_loop3A_461 : vector<16xf32> to vector<1x1x16xf32>
        tpu.vector_store %arg8[%parallel_loop3A_463, %parallel_loop3A_464, %parallel_loop3A_465], %parallel_loop3A_468 {strides = array<i32>} : memref<2x128x128xf32, #tpu.memory_space<vmem>>, vector<1x1x16xf32>,
        %parallel_loop3A_469 = arith.mulf %parallel_loop3A_328, %get3A_96 : vector<16xf32>
        %parallel_loop3A_470 = arith.mulf %parallel_loop3A_331, %get3A_99 : vector<16xf32>
        %parallel_loop3A_471 = arith.addf %parallel_loop3A_469, %parallel_loop3A_470 : vector<16xf32>
        %parallel_loop3A_472 = arith.mulf %parallel_loop3A_334, %get3A_102 : vector<16xf32>
        %parallel_loop3A_473 = arith.addf %parallel_loop3A_471, %parallel_loop3A_472 : vector<16xf32>
        %parallel_loop3A_474 = arith.mulf %parallel_loop3A_337, %get3A_105 : vector<16xf32>
        %parallel_loop3A_475 = arith.addf %parallel_loop3A_473, %parallel_loop3A_474 : vector<16xf32>
        %parallel_loop3A_476 = arith.mulf %parallel_loop3A_340, %get3A_108 : vector<16xf32>
        %parallel_loop3A_477 = arith.addf %parallel_loop3A_475, %parallel_loop3A_476 : vector<16xf32>
        %parallel_loop3A_478 = arith.mulf %parallel_loop3A_343, %get3A_111 : vector<16xf32>
        %parallel_loop3A_479 = arith.addf %parallel_loop3A_477, %parallel_loop3A_478 : vector<16xf32>
        %parallel_loop3A_480 = arith.constant 1 : i32
        %parallel_loop3A_481 = arith.index_cast %parallel_loop3A_480 : i32 to index
        %parallel_loop3A_482 = arith.index_cast %parallel_loop3A_320 : i32 to index
        %parallel_loop3A_483 = arith.constant 80 : index
        %parallel_loop3A_484 = tpu.vector_load %arg8[%parallel_loop3A_481, %parallel_loop3A_482, %parallel_loop3A_483] {strides = array<i32>} : memref<2x128x128xf32, #tpu.memory_space<vmem>>, vector<1x1x16xf32>,
        %parallel_loop3A_485 = vector.shape_cast %parallel_loop3A_484 : vector<1x1x16xf32> to vector<16xf32>
        %parallel_loop3A_486 = arith.mulf %parallel_loop3A_479, %parallel_loop3A_485 : vector<16xf32>
        %parallel_loop3A_487 = arith.constant 1 : i32
        %parallel_loop3A_488 = arith.index_cast %parallel_loop3A_487 : i32 to index
        %parallel_loop3A_489 = arith.index_cast %parallel_loop3A_320 : i32 to index
        %parallel_loop3A_490 = arith.constant 80 : index
        %parallel_loop3A_491 = tpu.vector_load %arg8[%parallel_loop3A_488, %parallel_loop3A_489, %parallel_loop3A_490] {strides = array<i32>} : memref<2x128x128xf32, #tpu.memory_space<vmem>>, vector<1x1x16xf32>,
        %parallel_loop3A_492 = vector.shape_cast %parallel_loop3A_491 : vector<1x1x16xf32> to vector<16xf32>
        %parallel_loop3A_493 = vector.shape_cast %parallel_loop3A_486 : vector<16xf32> to vector<1x1x16xf32>
        tpu.vector_store %arg8[%parallel_loop3A_488, %parallel_loop3A_489, %parallel_loop3A_490], %parallel_loop3A_493 {strides = array<i32>} : memref<2x128x128xf32, #tpu.memory_space<vmem>>, vector<1x1x16xf32>,
        %parallel_loop3A_494 = arith.mulf %parallel_loop3A_328, %get3A_114 : vector<16xf32>
        %parallel_loop3A_495 = arith.mulf %parallel_loop3A_331, %get3A_117 : vector<16xf32>
        %parallel_loop3A_496 = arith.addf %parallel_loop3A_494, %parallel_loop3A_495 : vector<16xf32>
        %parallel_loop3A_497 = arith.mulf %parallel_loop3A_334, %get3A_120 : vector<16xf32>
        %parallel_loop3A_498 = arith.addf %parallel_loop3A_496, %parallel_loop3A_497 : vector<16xf32>
        %parallel_loop3A_499 = arith.mulf %parallel_loop3A_337, %get3A_123 : vector<16xf32>
        %parallel_loop3A_500 = arith.addf %parallel_loop3A_498, %parallel_loop3A_499 : vector<16xf32>
        %parallel_loop3A_501 = arith.mulf %parallel_loop3A_340, %get3A_126 : vector<16xf32>
        %parallel_loop3A_502 = arith.addf %parallel_loop3A_500, %parallel_loop3A_501 : vector<16xf32>
        %parallel_loop3A_503 = arith.mulf %parallel_loop3A_343, %get3A_129 : vector<16xf32>
        %parallel_loop3A_504 = arith.addf %parallel_loop3A_502, %parallel_loop3A_503 : vector<16xf32>
        %parallel_loop3A_505 = arith.constant 1 : i32
        %parallel_loop3A_506 = arith.index_cast %parallel_loop3A_505 : i32 to index
        %parallel_loop3A_507 = arith.index_cast %parallel_loop3A_320 : i32 to index
        %parallel_loop3A_508 = arith.constant 96 : index
        %parallel_loop3A_509 = tpu.vector_load %arg8[%parallel_loop3A_506, %parallel_loop3A_507, %parallel_loop3A_508] {strides = array<i32>} : memref<2x128x128xf32, #tpu.memory_space<vmem>>, vector<1x1x16xf32>,
        %parallel_loop3A_510 = vector.shape_cast %parallel_loop3A_509 : vector<1x1x16xf32> to vector<16xf32>
        %parallel_loop3A_511 = arith.mulf %parallel_loop3A_504, %parallel_loop3A_510 : vector<16xf32>
        %parallel_loop3A_512 = arith.constant 1 : i32
        %parallel_loop3A_513 = arith.index_cast %parallel_loop3A_512 : i32 to index
        %parallel_loop3A_514 = arith.index_cast %parallel_loop3A_320 : i32 to index
        %parallel_loop3A_515 = arith.constant 96 : index
        %parallel_loop3A_516 = tpu.vector_load %arg8[%parallel_loop3A_513, %parallel_loop3A_514, %parallel_loop3A_515] {strides = array<i32>} : memref<2x128x128xf32, #tpu.memory_space<vmem>>, vector<1x1x16xf32>,
        %parallel_loop3A_517 = vector.shape_cast %parallel_loop3A_516 : vector<1x1x16xf32> to vector<16xf32>
        %parallel_loop3A_518 = vector.shape_cast %parallel_loop3A_511 : vector<16xf32> to vector<1x1x16xf32>
        tpu.vector_store %arg8[%parallel_loop3A_513, %parallel_loop3A_514, %parallel_loop3A_515], %parallel_loop3A_518 {strides = array<i32>} : memref<2x128x128xf32, #tpu.memory_space<vmem>>, vector<1x1x16xf32>,
        %parallel_loop3A_519 = arith.mulf %parallel_loop3A_328, %get3A_132 : vector<16xf32>
        %parallel_loop3A_520 = arith.mulf %parallel_loop3A_331, %get3A_135 : vector<16xf32>
        %parallel_loop3A_521 = arith.addf %parallel_loop3A_519, %parallel_loop3A_520 : vector<16xf32>
        %parallel_loop3A_522 = arith.mulf %parallel_loop3A_334, %get3A_138 : vector<16xf32>
        %parallel_loop3A_523 = arith.addf %parallel_loop3A_521, %parallel_loop3A_522 : vector<16xf32>
        %parallel_loop3A_524 = arith.mulf %parallel_loop3A_337, %get3A_141 : vector<16xf32>
        %parallel_loop3A_525 = arith.addf %parallel_loop3A_523, %parallel_loop3A_524 : vector<16xf32>
        %parallel_loop3A_526 = arith.mulf %parallel_loop3A_340, %get3A_144 : vector<16xf32>
        %parallel_loop3A_527 = arith.addf %parallel_loop3A_525, %parallel_loop3A_526 : vector<16xf32>
        %parallel_loop3A_528 = arith.mulf %parallel_loop3A_343, %get3A_147 : vector<16xf32>
        %parallel_loop3A_529 = arith.addf %parallel_loop3A_527, %parallel_loop3A_528 : vector<16xf32>
        %parallel_loop3A_530 = arith.constant 1 : i32
        %parallel_loop3A_531 = arith.index_cast %parallel_loop3A_530 : i32 to index
        %parallel_loop3A_532 = arith.index_cast %parallel_loop3A_320 : i32 to index
        %parallel_loop3A_533 = arith.constant 112 : index
        %parallel_loop3A_534 = tpu.vector_load %arg8[%parallel_loop3A_531, %parallel_loop3A_532, %parallel_loop3A_533] {strides = array<i32>} : memref<2x128x128xf32, #tpu.memory_space<vmem>>, vector<1x1x16xf32>,
        %parallel_loop3A_535 = vector.shape_cast %parallel_loop3A_534 : vector<1x1x16xf32> to vector<16xf32>
        %parallel_loop3A_536 = arith.mulf %parallel_loop3A_529, %parallel_loop3A_535 : vector<16xf32>
        %parallel_loop3A_537 = arith.constant 1 : i32
        %parallel_loop3A_538 = arith.index_cast %parallel_loop3A_537 : i32 to index
        %parallel_loop3A_539 = arith.index_cast %parallel_loop3A_320 : i32 to index
        %parallel_loop3A_540 = arith.constant 112 : index
        %parallel_loop3A_541 = tpu.vector_load %arg8[%parallel_loop3A_538, %parallel_loop3A_539, %parallel_loop3A_540] {strides = array<i32>} : memref<2x128x128xf32, #tpu.memory_space<vmem>>, vector<1x1x16xf32>,
        %parallel_loop3A_542 = vector.shape_cast %parallel_loop3A_541 : vector<1x1x16xf32> to vector<16xf32>
        %parallel_loop3A_543 = vector.shape_cast %parallel_loop3A_536 : vector<16xf32> to vector<1x1x16xf32>
        tpu.vector_store %arg8[%parallel_loop3A_538, %parallel_loop3A_539, %parallel_loop3A_540], %parallel_loop3A_543 {strides = array<i32>} : memref<2x128x128xf32, #tpu.memory_space<vmem>>, vector<1x1x16xf32>,
      } {sc.loop_unroll_factor = 4 : i64, sc.parallel_access}
      %run_scoped3A_313 = arith.constant 1 : i32
      %run_scoped3A_314 = arith.constant 1 : i32
      "tpu.region"() ({
        %run_scoped3A_320 = tpu.sem_alloc : memref<!tpu.dma_semaphore, #tpu.memory_space<semaphore_mem>>
        %dma_start3A_321 = arith.constant 0 : i32
        %dma_start3A_322 = arith.constant 0 : i32
        %dma_start3A_323 = tpu.memref_slice %arg8[%run_scoped3A_313, %dma_start3A_321, %dma_start3A_322] : memref<2x128x128xf32, #tpu.memory_space<vmem>> -> memref<1x128x128xf32, #tpu.memory_space<vmem>>
        %dma_start3A_324 = tpu.memref_squeeze %dma_start3A_323 : memref<1x128x128xf32, #tpu.memory_space<vmem>> -> memref<128x128xf32, #tpu.memory_space<vmem>>
        %dma_start3A_325 = arith.constant 0 : i32
        %dma_start3A_326 = tpu.memref_slice %arg12[%run_scoped3A_314, %dma_start3A_325] : memref<2x128xi32, #tpu.memory_space<vmem>> -> memref<1x128xi32, #tpu.memory_space<vmem>>
        %dma_start3A_327 = tpu.memref_squeeze %dma_start3A_326 : memref<1x128xi32, #tpu.memory_space<vmem>> -> memref<128xi32, #tpu.memory_space<vmem>>
        %dma_start3A_328 = arith.constant 0 : i32
        %dma_start3A_329 = arith.constant 0 : i32
        %dma_start3A_330 = tpu.memref_slice %arg13[%dma_start3A_328, %dma_start3A_329] : memref<10240x128xf32, #tpu.memory_space<vmem_shared>> -> memref<10240x128xf32, #tpu.memory_space<vmem_shared>>
        tpu.enqueue_indirect_dma source(%dma_start3A_324 : memref<128x128xf32, #tpu.memory_space<vmem>>) target(%dma_start3A_330 : memref<10240x128xf32, #tpu.memory_space<vmem_shared>>) offsets(%dma_start3A_327 : memref<128xi32, #tpu.memory_space<vmem>>) semaphore(%run_scoped3A_320 : memref<!tpu.dma_semaphore, #tpu.memory_space<semaphore_mem>>) {add = true}
        %dma_wait3A_331 = arith.constant 0 : i32
        %dma_wait3A_332 = arith.constant 0 : i32
        %dma_wait3A_333 = tpu.memref_slice %arg8[%run_scoped3A_313, %dma_wait3A_331, %dma_wait3A_332] : memref<2x128x128xf32, #tpu.memory_space<vmem>> -> memref<1x128x128xf32, #tpu.memory_space<vmem>>
        %dma_wait3A_334 = tpu.memref_squeeze %dma_wait3A_333 : memref<1x128x128xf32, #tpu.memory_space<vmem>> -> memref<128x128xf32, #tpu.memory_space<vmem>>
        %dma_wait3A_335 = arith.constant 0 : i32
        %dma_wait3A_336 = tpu.memref_slice %arg12[%run_scoped3A_314, %dma_wait3A_335] : memref<2x128xi32, #tpu.memory_space<vmem>> -> memref<1x128xi32, #tpu.memory_space<vmem>>
        %dma_wait3A_337 = tpu.memref_squeeze %dma_wait3A_336 : memref<1x128xi32, #tpu.memory_space<vmem>> -> memref<128xi32, #tpu.memory_space<vmem>>
        %dma_wait3A_338 = arith.constant 0 : i32
        %dma_wait3A_339 = arith.constant 0 : i32
        %dma_wait3A_340 = tpu.memref_slice %arg13[%dma_wait3A_338, %dma_wait3A_339] : memref<10240x128xf32, #tpu.memory_space<vmem_shared>> -> memref<10240x128xf32, #tpu.memory_space<vmem_shared>>
        tpu.wait_indirect_dma semaphore(%run_scoped3A_320 : memref<!tpu.dma_semaphore, #tpu.memory_space<semaphore_mem>>) src(%dma_wait3A_334 : memref<128x128xf32, #tpu.memory_space<vmem>>) dst(%dma_wait3A_340 : memref<10240x128xf32, #tpu.memory_space<vmem_shared>>)
        tpu.yield
      }) : () -> ()
      %lt3A_315 = arith.constant 38 : i32
      %lt3A_316 = arith.cmpi slt, %scan3A_229, %lt3A_315 : i32
      %convert_element_type3A_317 = arith.extui %lt3A_316 : i1 to i32
      %cond3A_318 = arith.constant 0 : i32
      %cond3A_319 = arith.cmpi ne, %convert_element_type3A_317, %cond3A_318 : i32
      scf.if %cond3A_319 {
        %add3A_320 = arith.constant 2 : i32
        %add3A_321 = arith.addi %add3A_275, %add3A_320 : i32
        %mul3A_322 = arith.constant 128 : i32
        %mul3A_323 = arith.muli %add3A_321, %mul3A_322 : i32
        %mul3A_324 = arith.constant 768 : i32
        %mul3A_325 = arith.muli %add3A_321, %mul3A_324 : i32
        %mul3A_326 = arith.constant 128 : i32
        %mul3A_327 = arith.muli %add3A_321, %mul3A_326 : i32
        %dma_start3A_328 = arith.constant 1 : i32
        %dma_start3A_329 = arith.constant 0 : i32
        %dma_start3A_330 = arith.constant 0 : i32
        %dma_start3A_331 = tpu.memref_slice %arg8[%dma_start3A_328, %dma_start3A_329, %dma_start3A_330] : memref<2x128x128xf32, #tpu.memory_space<vmem>> -> memref<1x128x128xf32, #tpu.memory_space<vmem>>
        %dma_start3A_332 = tpu.memref_squeeze %dma_start3A_331 : memref<1x128x128xf32, #tpu.memory_space<vmem>> -> memref<128x128xf32, #tpu.memory_space<vmem>>
        %dma_start3A_333 = arith.constant 0 : i32
        %dma_start3A_334 = tpu.memref_slice %arg2[%mul3A_323, %dma_start3A_333] : memref<320000x128xf32, #tpu.memory_space<hbm>> -> memref<128x128xf32, #tpu.memory_space<hbm>>
        %dma_start3A_335 = arith.constant 0 : i32
        %dma_start3A_336 = arith.constant 0 : i32
        %dma_start3A_337 = tpu.memref_slice %arg8[%dma_start3A_328, %dma_start3A_335, %dma_start3A_336] : memref<2x128x128xf32, #tpu.memory_space<vmem>> -> memref<1x128x128xf32, #tpu.memory_space<vmem>>
        %dma_start3A_338 = tpu.memref_squeeze %dma_start3A_337 : memref<1x128x128xf32, #tpu.memory_space<vmem>> -> memref<128x128xf32, #tpu.memory_space<vmem>>
        %dma_start3A_339 = arith.constant 0 : i32
        %dma_start3A_340 = tpu.memref_slice %arg2[%mul3A_323, %dma_start3A_339] : memref<320000x128xf32, #tpu.memory_space<hbm>> -> memref<128x128xf32, #tpu.memory_space<hbm>>
        tpu.enqueue_dma source(%dma_start3A_340 : memref<128x128xf32, #tpu.memory_space<hbm>>) target(%dma_start3A_338 : memref<128x128xf32, #tpu.memory_space<vmem>>) target_semaphore(%arg15 : memref<!tpu.dma_semaphore, #tpu.memory_space<semaphore_mem>>)
        %dma_start3A_341 = arith.constant 0 : i32
        %dma_start3A_342 = tpu.memref_slice %arg10[%dma_start3A_341] : memref<784xf32, #tpu.memory_space<vmem>> -> memref<768xf32, #tpu.memory_space<vmem>>
        %dma_start3A_343 = tpu.memref_slice %arg3[%mul3A_325] : memref<1920000xf32, #tpu.memory_space<hbm>> -> memref<768xf32, #tpu.memory_space<hbm>>
        %dma_start3A_344 = arith.constant 0 : i32
        %dma_start3A_345 = tpu.memref_slice %arg10[%dma_start3A_344] : memref<784xf32, #tpu.memory_space<vmem>> -> memref<768xf32, #tpu.memory_space<vmem>>
        %dma_start3A_346 = tpu.memref_slice %arg3[%mul3A_325] : memref<1920000xf32, #tpu.memory_space<hbm>> -> memref<768xf32, #tpu.memory_space<hbm>>
        tpu.enqueue_dma source(%dma_start3A_346 : memref<768xf32, #tpu.memory_space<hbm>>) target(%dma_start3A_345 : memref<768xf32, #tpu.memory_space<vmem>>) target_semaphore(%arg15 : memref<!tpu.dma_semaphore, #tpu.memory_space<semaphore_mem>>)
        %dma_start3A_347 = arith.constant 1 : i32
        %dma_start3A_348 = arith.constant 0 : i32
        %dma_start3A_349 = tpu.memref_slice %arg12[%dma_start3A_347, %dma_start3A_348] : memref<2x128xi32, #tpu.memory_space<vmem>> -> memref<1x128xi32, #tpu.memory_space<vmem>>
        %dma_start3A_350 = tpu.memref_squeeze %dma_start3A_349 : memref<1x128xi32, #tpu.memory_space<vmem>> -> memref<128xi32, #tpu.memory_space<vmem>>
        %dma_start3A_351 = tpu.memref_slice %arg4[%mul3A_327] : memref<320000xi32, #tpu.memory_space<hbm>> -> memref<128xi32, #tpu.memory_space<hbm>>
        %dma_start3A_352 = arith.constant 0 : i32
        %dma_start3A_353 = tpu.memref_slice %arg12[%dma_start3A_347, %dma_start3A_352] : memref<2x128xi32, #tpu.memory_space<vmem>> -> memref<1x128xi32, #tpu.memory_space<vmem>>
        %dma_start3A_354 = tpu.memref_squeeze %dma_start3A_353 : memref<1x128xi32, #tpu.memory_space<vmem>> -> memref<128xi32, #tpu.memory_space<vmem>>
        %dma_start3A_355 = tpu.memref_slice %arg4[%mul3A_327] : memref<320000xi32, #tpu.memory_space<hbm>> -> memref<128xi32, #tpu.memory_space<hbm>>
        tpu.enqueue_dma source(%dma_start3A_355 : memref<128xi32, #tpu.memory_space<hbm>>) target(%dma_start3A_354 : memref<128xi32, #tpu.memory_space<vmem>>) target_semaphore(%arg15 : memref<!tpu.dma_semaphore, #tpu.memory_space<semaphore_mem>>)
      } else {
      }
    }
    %scan3A_221 = arith.constant 39 : i32
    %lt3A = arith.constant 2 : i32
    %lt3A_222 = arith.cmpi slt, %arg1, %lt3A : i32
    %convert_element_type3A = arith.extui %lt3A_222 : i1 to i32
    %cond3A = arith.constant 0 : i32
    %cond3A_223 = arith.cmpi ne, %convert_element_type3A, %cond3A : i32
    scf.if %cond3A_223 {
      %mul3A_229 = arith.constant 2 : i32
      %mul3A_230 = arith.muli %arg0, %mul3A_229 : i32
      %add3A_231 = arith.constant 2496 : i32
      %add3A_232 = arith.addi %add3A_231, %mul3A_230 : i32
      %add3A_233 = arith.addi %add3A_232, %arg1 : i32
      %mul3A_234 = arith.constant 128 : i32
      %mul3A_235 = arith.muli %add3A_233, %mul3A_234 : i32
      %mul3A_236 = arith.constant 768 : i32
      %mul3A_237 = arith.muli %add3A_233, %mul3A_236 : i32
      %mul3A_238 = arith.constant 128 : i32
      %mul3A_239 = arith.muli %add3A_233, %mul3A_238 : i32
      %dma_start3A_240 = arith.constant 0 : i32
      %dma_start3A_241 = arith.constant 0 : i32
      %dma_start3A_242 = arith.constant 0 : i32
      %dma_start3A_243 = tpu.memref_slice %arg8[%dma_start3A_240, %dma_start3A_241, %dma_start3A_242] : memref<2x128x128xf32, #tpu.memory_space<vmem>> -> memref<1x128x128xf32, #tpu.memory_space<vmem>>
      %dma_start3A_244 = tpu.memref_squeeze %dma_start3A_243 : memref<1x128x128xf32, #tpu.memory_space<vmem>> -> memref<128x128xf32, #tpu.memory_space<vmem>>
      %dma_start3A_245 = arith.constant 0 : i32
      %dma_start3A_246 = tpu.memref_slice %arg2[%mul3A_235, %dma_start3A_245] : memref<320000x128xf32, #tpu.memory_space<hbm>> -> memref<128x128xf32, #tpu.memory_space<hbm>>
      %dma_start3A_247 = arith.constant 0 : i32
      %dma_start3A_248 = arith.constant 0 : i32
      %dma_start3A_249 = tpu.memref_slice %arg8[%dma_start3A_240, %dma_start3A_247, %dma_start3A_248] : memref<2x128x128xf32, #tpu.memory_space<vmem>> -> memref<1x128x128xf32, #tpu.memory_space<vmem>>
      %dma_start3A_250 = tpu.memref_squeeze %dma_start3A_249 : memref<1x128x128xf32, #tpu.memory_space<vmem>> -> memref<128x128xf32, #tpu.memory_space<vmem>>
      %dma_start3A_251 = arith.constant 0 : i32
      %dma_start3A_252 = tpu.memref_slice %arg2[%mul3A_235, %dma_start3A_251] : memref<320000x128xf32, #tpu.memory_space<hbm>> -> memref<128x128xf32, #tpu.memory_space<hbm>>
      tpu.enqueue_dma source(%dma_start3A_252 : memref<128x128xf32, #tpu.memory_space<hbm>>) target(%dma_start3A_250 : memref<128x128xf32, #tpu.memory_space<vmem>>) target_semaphore(%arg14 : memref<!tpu.dma_semaphore, #tpu.memory_space<semaphore_mem>>)
      %dma_start3A_253 = arith.constant 0 : i32
      %dma_start3A_254 = tpu.memref_slice %arg9[%dma_start3A_253] : memref<784xf32, #tpu.memory_space<vmem>> -> memref<768xf32, #tpu.memory_space<vmem>>
      %dma_start3A_255 = tpu.memref_slice %arg3[%mul3A_237] : memref<1920000xf32, #tpu.memory_space<hbm>> -> memref<768xf32, #tpu.memory_space<hbm>>
      %dma_start3A_256 = arith.constant 0 : i32
      %dma_start3A_257 = tpu.memref_slice %arg9[%dma_start3A_256] : memref<784xf32, #tpu.memory_space<vmem>> -> memref<768xf32, #tpu.memory_space<vmem>>
      %dma_start3A_258 = tpu.memref_slice %arg3[%mul3A_237] : memref<1920000xf32, #tpu.memory_space<hbm>> -> memref<768xf32, #tpu.memory_space<hbm>>
      tpu.enqueue_dma source(%dma_start3A_258 : memref<768xf32, #tpu.memory_space<hbm>>) target(%dma_start3A_257 : memref<768xf32, #tpu.memory_space<vmem>>) target_semaphore(%arg14 : memref<!tpu.dma_semaphore, #tpu.memory_space<semaphore_mem>>)
      %dma_start3A_259 = arith.constant 0 : i32
      %dma_start3A_260 = arith.constant 0 : i32
      %dma_start3A_261 = tpu.memref_slice %arg12[%dma_start3A_259, %dma_start3A_260] : memref<2x128xi32, #tpu.memory_space<vmem>> -> memref<1x128xi32, #tpu.memory_space<vmem>>
      %dma_start3A_262 = tpu.memref_squeeze %dma_start3A_261 : memref<1x128xi32, #tpu.memory_space<vmem>> -> memref<128xi32, #tpu.memory_space<vmem>>
      %dma_start3A_263 = tpu.memref_slice %arg4[%mul3A_239] : memref<320000xi32, #tpu.memory_space<hbm>> -> memref<128xi32, #tpu.memory_space<hbm>>
      %dma_start3A_264 = arith.constant 0 : i32
      %dma_start3A_265 = tpu.memref_slice %arg12[%dma_start3A_259, %dma_start3A_264] : memref<2x128xi32, #tpu.memory_space<vmem>> -> memref<1x128xi32, #tpu.memory_space<vmem>>
      %dma_start3A_266 = tpu.memref_squeeze %dma_start3A_265 : memref<1x128xi32, #tpu.memory_space<vmem>> -> memref<128xi32, #tpu.memory_space<vmem>>
      %dma_start3A_267 = tpu.memref_slice %arg4[%mul3A_239] : memref<320000xi32, #tpu.memory_space<hbm>> -> memref<128xi32, #tpu.memory_space<hbm>>
      tpu.enqueue_dma source(%dma_start3A_267 : memref<128xi32, #tpu.memory_space<hbm>>) target(%dma_start3A_266 : memref<128xi32, #tpu.memory_space<vmem>>) target_semaphore(%arg14 : memref<!tpu.dma_semaphore, #tpu.memory_space<semaphore_mem>>)
      %mul3A_268 = arith.constant 128 : i32
      %mul3A_269 = arith.muli %add3A_233, %mul3A_268 : i32
      %mul3A_270 = arith.constant 768 : i32
      %mul3A_271 = arith.muli %add3A_233, %mul3A_270 : i32
      %mul3A_272 = arith.constant 128 : i32
      %mul3A_273 = arith.muli %add3A_233, %mul3A_272 : i32
      %dma_wait3A = arith.constant 0 : i32
      %dma_wait3A_274 = arith.constant 0 : i32
      %dma_wait3A_275 = arith.constant 0 : i32
      %dma_wait3A_276 = tpu.memref_slice %arg8[%dma_wait3A, %dma_wait3A_274, %dma_wait3A_275] : memref<2x128x128xf32, #tpu.memory_space<vmem>> -> memref<1x128x128xf32, #tpu.memory_space<vmem>>
      %dma_wait3A_277 = tpu.memref_squeeze %dma_wait3A_276 : memref<1x128x128xf32, #tpu.memory_space<vmem>> -> memref<128x128xf32, #tpu.memory_space<vmem>>
      %dma_wait3A_278 = arith.constant 0 : i32
      %dma_wait3A_279 = tpu.memref_slice %arg2[%mul3A_269, %dma_wait3A_278] : memref<320000x128xf32, #tpu.memory_space<hbm>> -> memref<128x128xf32, #tpu.memory_space<hbm>>
      %dma_wait3A_280 = arith.constant 0 : i32
      %dma_wait3A_281 = arith.constant 0 : i32
      %dma_wait3A_282 = tpu.memref_slice %arg8[%dma_wait3A, %dma_wait3A_280, %dma_wait3A_281] : memref<2x128x128xf32, #tpu.memory_space<vmem>> -> memref<1x128x128xf32, #tpu.memory_space<vmem>>
      %dma_wait3A_283 = tpu.memref_squeeze %dma_wait3A_282 : memref<1x128x128xf32, #tpu.memory_space<vmem>> -> memref<128x128xf32, #tpu.memory_space<vmem>>
      %dma_wait3A_284 = arith.constant 0 : i32
      %dma_wait3A_285 = tpu.memref_slice %arg2[%mul3A_269, %dma_wait3A_284] : memref<320000x128xf32, #tpu.memory_space<hbm>> -> memref<128x128xf32, #tpu.memory_space<hbm>>
      tpu.wait_dma2 semaphore(%arg14 : memref<!tpu.dma_semaphore, #tpu.memory_space<semaphore_mem>>) src(%dma_wait3A_285 : memref<128x128xf32, #tpu.memory_space<hbm>>) dst(%dma_wait3A_283 : memref<128x128xf32, #tpu.memory_space<vmem>>)
      %dma_wait3A_286 = arith.constant 0 : i32
      %dma_wait3A_287 = tpu.memref_slice %arg9[%dma_wait3A_286] : memref<784xf32, #tpu.memory_space<vmem>> -> memref<768xf32, #tpu.memory_space<vmem>>
      %dma_wait3A_288 = tpu.memref_slice %arg3[%mul3A_271] : memref<1920000xf32, #tpu.memory_space<hbm>> -> memref<768xf32, #tpu.memory_space<hbm>>
      %dma_wait3A_289 = arith.constant 0 : i32
      %dma_wait3A_290 = tpu.memref_slice %arg9[%dma_wait3A_289] : memref<784xf32, #tpu.memory_space<vmem>> -> memref<768xf32, #tpu.memory_space<vmem>>
      %dma_wait3A_291 = tpu.memref_slice %arg3[%mul3A_271] : memref<1920000xf32, #tpu.memory_space<hbm>> -> memref<768xf32, #tpu.memory_space<hbm>>
      tpu.wait_dma2 semaphore(%arg14 : memref<!tpu.dma_semaphore, #tpu.memory_space<semaphore_mem>>) src(%dma_wait3A_291 : memref<768xf32, #tpu.memory_space<hbm>>) dst(%dma_wait3A_290 : memref<768xf32, #tpu.memory_space<vmem>>)
      %dma_wait3A_292 = arith.constant 0 : i32
      %dma_wait3A_293 = arith.constant 0 : i32
      %dma_wait3A_294 = tpu.memref_slice %arg12[%dma_wait3A_292, %dma_wait3A_293] : memref<2x128xi32, #tpu.memory_space<vmem>> -> memref<1x128xi32, #tpu.memory_space<vmem>>
      %dma_wait3A_295 = tpu.memref_squeeze %dma_wait3A_294 : memref<1x128xi32, #tpu.memory_space<vmem>> -> memref<128xi32, #tpu.memory_space<vmem>>
      %dma_wait3A_296 = tpu.memref_slice %arg4[%mul3A_273] : memref<320000xi32, #tpu.memory_space<hbm>> -> memref<128xi32, #tpu.memory_space<hbm>>
      %dma_wait3A_297 = arith.constant 0 : i32
      %dma_wait3A_298 = tpu.memref_slice %arg12[%dma_wait3A_292, %dma_wait3A_297] : memref<2x128xi32, #tpu.memory_space<vmem>> -> memref<1x128xi32, #tpu.memory_space<vmem>>
      %dma_wait3A_299 = tpu.memref_squeeze %dma_wait3A_298 : memref<1x128xi32, #tpu.memory_space<vmem>> -> memref<128xi32, #tpu.memory_space<vmem>>
      %dma_wait3A_300 = tpu.memref_slice %arg4[%mul3A_273] : memref<320000xi32, #tpu.memory_space<hbm>> -> memref<128xi32, #tpu.memory_space<hbm>>
      tpu.wait_dma2 semaphore(%arg14 : memref<!tpu.dma_semaphore, #tpu.memory_space<semaphore_mem>>) src(%dma_wait3A_300 : memref<128xi32, #tpu.memory_space<hbm>>) dst(%dma_wait3A_299 : memref<128xi32, #tpu.memory_space<vmem>>)
      %parallel_loop3A = arith.constant 0 : i32
      %parallel_loop3A_301 = arith.constant 128 : i32
      %parallel_loop3A_302 = arith.constant 1 : i32
      scf.for %parallel_loop3A_304 = %parallel_loop3A to %parallel_loop3A_301 step %parallel_loop3A_302  : i32 {
        %parallel_loop3A_305 = arith.constant 6 : i32
        %parallel_loop3A_306 = arith.muli %parallel_loop3A_304, %parallel_loop3A_305 : i32
        %parallel_loop3A_307 = arith.index_cast %parallel_loop3A_306 : i32 to index
        %parallel_loop3A_308 = tpu.vector_load %arg9[%parallel_loop3A_307] {strides = array<i32>} : memref<784xf32, #tpu.memory_space<vmem>>, vector<16xf32>,
        %parallel_loop3A_309 = vector.shape_cast %parallel_loop3A_308 : vector<16xf32> to vector<16xf32>
        %parallel_loop3A_310 = vector.extract_strided_slice %parallel_loop3A_309 {offsets = [0], sizes = [1], strides = [1]} : vector<16xf32> to vector<1xf32>
        %parallel_loop3A_311 = vector.extract %parallel_loop3A_310[0] : f32 from vector<1xf32>
        %parallel_loop3A_312 = vector.broadcast %parallel_loop3A_311 : f32 to vector<16xf32>
        %parallel_loop3A_313 = vector.extract_strided_slice %parallel_loop3A_309 {offsets = [1], sizes = [1], strides = [1]} : vector<16xf32> to vector<1xf32>
        %parallel_loop3A_314 = vector.extract %parallel_loop3A_313[0] : f32 from vector<1xf32>
        %parallel_loop3A_315 = vector.broadcast %parallel_loop3A_314 : f32 to vector<16xf32>
        %parallel_loop3A_316 = vector.extract_strided_slice %parallel_loop3A_309 {offsets = [2], sizes = [1], strides = [1]} : vector<16xf32> to vector<1xf32>
        %parallel_loop3A_317 = vector.extract %parallel_loop3A_316[0] : f32 from vector<1xf32>
        %parallel_loop3A_318 = vector.broadcast %parallel_loop3A_317 : f32 to vector<16xf32>
        %parallel_loop3A_319 = vector.extract_strided_slice %parallel_loop3A_309 {offsets = [3], sizes = [1], strides = [1]} : vector<16xf32> to vector<1xf32>
        %parallel_loop3A_320 = vector.extract %parallel_loop3A_319[0] : f32 from vector<1xf32>
        %parallel_loop3A_321 = vector.broadcast %parallel_loop3A_320 : f32 to vector<16xf32>
        %parallel_loop3A_322 = vector.extract_strided_slice %parallel_loop3A_309 {offsets = [4], sizes = [1], strides = [1]} : vector<16xf32> to vector<1xf32>
        %parallel_loop3A_323 = vector.extract %parallel_loop3A_322[0] : f32 from vector<1xf32>
        %parallel_loop3A_324 = vector.broadcast %parallel_loop3A_323 : f32 to vector<16xf32>
        %parallel_loop3A_325 = vector.extract_strided_slice %parallel_loop3A_309 {offsets = [5], sizes = [1], strides = [1]} : vector<16xf32> to vector<1xf32>
        %parallel_loop3A_326 = vector.extract %parallel_loop3A_325[0] : f32 from vector<1xf32>
        %parallel_loop3A_327 = vector.broadcast %parallel_loop3A_326 : f32 to vector<16xf32>
        %parallel_loop3A_328 = arith.mulf %parallel_loop3A_312, %get3A_6 : vector<16xf32>
        %parallel_loop3A_329 = arith.mulf %parallel_loop3A_315, %get3A_9 : vector<16xf32>
        %parallel_loop3A_330 = arith.addf %parallel_loop3A_328, %parallel_loop3A_329 : vector<16xf32>
        %parallel_loop3A_331 = arith.mulf %parallel_loop3A_318, %get3A_12 : vector<16xf32>
        %parallel_loop3A_332 = arith.addf %parallel_loop3A_330, %parallel_loop3A_331 : vector<16xf32>
        %parallel_loop3A_333 = arith.mulf %parallel_loop3A_321, %get3A_15 : vector<16xf32>
        %parallel_loop3A_334 = arith.addf %parallel_loop3A_332, %parallel_loop3A_333 : vector<16xf32>
        %parallel_loop3A_335 = arith.mulf %parallel_loop3A_324, %get3A_18 : vector<16xf32>
        %parallel_loop3A_336 = arith.addf %parallel_loop3A_334, %parallel_loop3A_335 : vector<16xf32>
        %parallel_loop3A_337 = arith.mulf %parallel_loop3A_327, %get3A_21 : vector<16xf32>
        %parallel_loop3A_338 = arith.addf %parallel_loop3A_336, %parallel_loop3A_337 : vector<16xf32>
        %parallel_loop3A_339 = arith.constant 0 : i32
        %parallel_loop3A_340 = arith.index_cast %parallel_loop3A_339 : i32 to index
        %parallel_loop3A_341 = arith.index_cast %parallel_loop3A_304 : i32 to index
        %parallel_loop3A_342 = arith.constant 0 : index
        %parallel_loop3A_343 = tpu.vector_load %arg8[%parallel_loop3A_340, %parallel_loop3A_341, %parallel_loop3A_342] {strides = array<i32>} : memref<2x128x128xf32, #tpu.memory_space<vmem>>, vector<1x1x16xf32>,
        %parallel_loop3A_344 = vector.shape_cast %parallel_loop3A_343 : vector<1x1x16xf32> to vector<16xf32>
        %parallel_loop3A_345 = arith.mulf %parallel_loop3A_338, %parallel_loop3A_344 : vector<16xf32>
        %parallel_loop3A_346 = arith.constant 0 : i32
        %parallel_loop3A_347 = arith.index_cast %parallel_loop3A_346 : i32 to index
        %parallel_loop3A_348 = arith.index_cast %parallel_loop3A_304 : i32 to index
        %parallel_loop3A_349 = arith.constant 0 : index
        %parallel_loop3A_350 = tpu.vector_load %arg8[%parallel_loop3A_347, %parallel_loop3A_348, %parallel_loop3A_349] {strides = array<i32>} : memref<2x128x128xf32, #tpu.memory_space<vmem>>, vector<1x1x16xf32>,
        %parallel_loop3A_351 = vector.shape_cast %parallel_loop3A_350 : vector<1x1x16xf32> to vector<16xf32>
        %parallel_loop3A_352 = vector.shape_cast %parallel_loop3A_345 : vector<16xf32> to vector<1x1x16xf32>
        tpu.vector_store %arg8[%parallel_loop3A_347, %parallel_loop3A_348, %parallel_loop3A_349], %parallel_loop3A_352 {strides = array<i32>} : memref<2x128x128xf32, #tpu.memory_space<vmem>>, vector<1x1x16xf32>,
        %parallel_loop3A_353 = arith.mulf %parallel_loop3A_312, %get3A_24 : vector<16xf32>
        %parallel_loop3A_354 = arith.mulf %parallel_loop3A_315, %get3A_27 : vector<16xf32>
        %parallel_loop3A_355 = arith.addf %parallel_loop3A_353, %parallel_loop3A_354 : vector<16xf32>
        %parallel_loop3A_356 = arith.mulf %parallel_loop3A_318, %get3A_30 : vector<16xf32>
        %parallel_loop3A_357 = arith.addf %parallel_loop3A_355, %parallel_loop3A_356 : vector<16xf32>
        %parallel_loop3A_358 = arith.mulf %parallel_loop3A_321, %get3A_33 : vector<16xf32>
        %parallel_loop3A_359 = arith.addf %parallel_loop3A_357, %parallel_loop3A_358 : vector<16xf32>
        %parallel_loop3A_360 = arith.mulf %parallel_loop3A_324, %get3A_36 : vector<16xf32>
        %parallel_loop3A_361 = arith.addf %parallel_loop3A_359, %parallel_loop3A_360 : vector<16xf32>
        %parallel_loop3A_362 = arith.mulf %parallel_loop3A_327, %get3A_39 : vector<16xf32>
        %parallel_loop3A_363 = arith.addf %parallel_loop3A_361, %parallel_loop3A_362 : vector<16xf32>
        %parallel_loop3A_364 = arith.constant 0 : i32
        %parallel_loop3A_365 = arith.index_cast %parallel_loop3A_364 : i32 to index
        %parallel_loop3A_366 = arith.index_cast %parallel_loop3A_304 : i32 to index
        %parallel_loop3A_367 = arith.constant 16 : index
        %parallel_loop3A_368 = tpu.vector_load %arg8[%parallel_loop3A_365, %parallel_loop3A_366, %parallel_loop3A_367] {strides = array<i32>} : memref<2x128x128xf32, #tpu.memory_space<vmem>>, vector<1x1x16xf32>,
        %parallel_loop3A_369 = vector.shape_cast %parallel_loop3A_368 : vector<1x1x16xf32> to vector<16xf32>
        %parallel_loop3A_370 = arith.mulf %parallel_loop3A_363, %parallel_loop3A_369 : vector<16xf32>
        %parallel_loop3A_371 = arith.constant 0 : i32
        %parallel_loop3A_372 = arith.index_cast %parallel_loop3A_371 : i32 to index
        %parallel_loop3A_373 = arith.index_cast %parallel_loop3A_304 : i32 to index
        %parallel_loop3A_374 = arith.constant 16 : index
        %parallel_loop3A_375 = tpu.vector_load %arg8[%parallel_loop3A_372, %parallel_loop3A_373, %parallel_loop3A_374] {strides = array<i32>} : memref<2x128x128xf32, #tpu.memory_space<vmem>>, vector<1x1x16xf32>,
        %parallel_loop3A_376 = vector.shape_cast %parallel_loop3A_375 : vector<1x1x16xf32> to vector<16xf32>
        %parallel_loop3A_377 = vector.shape_cast %parallel_loop3A_370 : vector<16xf32> to vector<1x1x16xf32>
        tpu.vector_store %arg8[%parallel_loop3A_372, %parallel_loop3A_373, %parallel_loop3A_374], %parallel_loop3A_377 {strides = array<i32>} : memref<2x128x128xf32, #tpu.memory_space<vmem>>, vector<1x1x16xf32>,
        %parallel_loop3A_378 = arith.mulf %parallel_loop3A_312, %get3A_42 : vector<16xf32>
        %parallel_loop3A_379 = arith.mulf %parallel_loop3A_315, %get3A_45 : vector<16xf32>
        %parallel_loop3A_380 = arith.addf %parallel_loop3A_378, %parallel_loop3A_379 : vector<16xf32>
        %parallel_loop3A_381 = arith.mulf %parallel_loop3A_318, %get3A_48 : vector<16xf32>
        %parallel_loop3A_382 = arith.addf %parallel_loop3A_380, %parallel_loop3A_381 : vector<16xf32>
        %parallel_loop3A_383 = arith.mulf %parallel_loop3A_321, %get3A_51 : vector<16xf32>
        %parallel_loop3A_384 = arith.addf %parallel_loop3A_382, %parallel_loop3A_383 : vector<16xf32>
        %parallel_loop3A_385 = arith.mulf %parallel_loop3A_324, %get3A_54 : vector<16xf32>
        %parallel_loop3A_386 = arith.addf %parallel_loop3A_384, %parallel_loop3A_385 : vector<16xf32>
        %parallel_loop3A_387 = arith.mulf %parallel_loop3A_327, %get3A_57 : vector<16xf32>
        %parallel_loop3A_388 = arith.addf %parallel_loop3A_386, %parallel_loop3A_387 : vector<16xf32>
        %parallel_loop3A_389 = arith.constant 0 : i32
        %parallel_loop3A_390 = arith.index_cast %parallel_loop3A_389 : i32 to index
        %parallel_loop3A_391 = arith.index_cast %parallel_loop3A_304 : i32 to index
        %parallel_loop3A_392 = arith.constant 32 : index
        %parallel_loop3A_393 = tpu.vector_load %arg8[%parallel_loop3A_390, %parallel_loop3A_391, %parallel_loop3A_392] {strides = array<i32>} : memref<2x128x128xf32, #tpu.memory_space<vmem>>, vector<1x1x16xf32>,
        %parallel_loop3A_394 = vector.shape_cast %parallel_loop3A_393 : vector<1x1x16xf32> to vector<16xf32>
        %parallel_loop3A_395 = arith.mulf %parallel_loop3A_388, %parallel_loop3A_394 : vector<16xf32>
        %parallel_loop3A_396 = arith.constant 0 : i32
        %parallel_loop3A_397 = arith.index_cast %parallel_loop3A_396 : i32 to index
        %parallel_loop3A_398 = arith.index_cast %parallel_loop3A_304 : i32 to index
        %parallel_loop3A_399 = arith.constant 32 : index
        %parallel_loop3A_400 = tpu.vector_load %arg8[%parallel_loop3A_397, %parallel_loop3A_398, %parallel_loop3A_399] {strides = array<i32>} : memref<2x128x128xf32, #tpu.memory_space<vmem>>, vector<1x1x16xf32>,
        %parallel_loop3A_401 = vector.shape_cast %parallel_loop3A_400 : vector<1x1x16xf32> to vector<16xf32>
        %parallel_loop3A_402 = vector.shape_cast %parallel_loop3A_395 : vector<16xf32> to vector<1x1x16xf32>
        tpu.vector_store %arg8[%parallel_loop3A_397, %parallel_loop3A_398, %parallel_loop3A_399], %parallel_loop3A_402 {strides = array<i32>} : memref<2x128x128xf32, #tpu.memory_space<vmem>>, vector<1x1x16xf32>,
        %parallel_loop3A_403 = arith.mulf %parallel_loop3A_312, %get3A_60 : vector<16xf32>
        %parallel_loop3A_404 = arith.mulf %parallel_loop3A_315, %get3A_63 : vector<16xf32>
        %parallel_loop3A_405 = arith.addf %parallel_loop3A_403, %parallel_loop3A_404 : vector<16xf32>
        %parallel_loop3A_406 = arith.mulf %parallel_loop3A_318, %get3A_66 : vector<16xf32>
        %parallel_loop3A_407 = arith.addf %parallel_loop3A_405, %parallel_loop3A_406 : vector<16xf32>
        %parallel_loop3A_408 = arith.mulf %parallel_loop3A_321, %get3A_69 : vector<16xf32>
        %parallel_loop3A_409 = arith.addf %parallel_loop3A_407, %parallel_loop3A_408 : vector<16xf32>
        %parallel_loop3A_410 = arith.mulf %parallel_loop3A_324, %get3A_72 : vector<16xf32>
        %parallel_loop3A_411 = arith.addf %parallel_loop3A_409, %parallel_loop3A_410 : vector<16xf32>
        %parallel_loop3A_412 = arith.mulf %parallel_loop3A_327, %get3A_75 : vector<16xf32>
        %parallel_loop3A_413 = arith.addf %parallel_loop3A_411, %parallel_loop3A_412 : vector<16xf32>
        %parallel_loop3A_414 = arith.constant 0 : i32
        %parallel_loop3A_415 = arith.index_cast %parallel_loop3A_414 : i32 to index
        %parallel_loop3A_416 = arith.index_cast %parallel_loop3A_304 : i32 to index
        %parallel_loop3A_417 = arith.constant 48 : index
        %parallel_loop3A_418 = tpu.vector_load %arg8[%parallel_loop3A_415, %parallel_loop3A_416, %parallel_loop3A_417] {strides = array<i32>} : memref<2x128x128xf32, #tpu.memory_space<vmem>>, vector<1x1x16xf32>,
        %parallel_loop3A_419 = vector.shape_cast %parallel_loop3A_418 : vector<1x1x16xf32> to vector<16xf32>
        %parallel_loop3A_420 = arith.mulf %parallel_loop3A_413, %parallel_loop3A_419 : vector<16xf32>
        %parallel_loop3A_421 = arith.constant 0 : i32
        %parallel_loop3A_422 = arith.index_cast %parallel_loop3A_421 : i32 to index
        %parallel_loop3A_423 = arith.index_cast %parallel_loop3A_304 : i32 to index
        %parallel_loop3A_424 = arith.constant 48 : index
        %parallel_loop3A_425 = tpu.vector_load %arg8[%parallel_loop3A_422, %parallel_loop3A_423, %parallel_loop3A_424] {strides = array<i32>} : memref<2x128x128xf32, #tpu.memory_space<vmem>>, vector<1x1x16xf32>,
        %parallel_loop3A_426 = vector.shape_cast %parallel_loop3A_425 : vector<1x1x16xf32> to vector<16xf32>
        %parallel_loop3A_427 = vector.shape_cast %parallel_loop3A_420 : vector<16xf32> to vector<1x1x16xf32>
        tpu.vector_store %arg8[%parallel_loop3A_422, %parallel_loop3A_423, %parallel_loop3A_424], %parallel_loop3A_427 {strides = array<i32>} : memref<2x128x128xf32, #tpu.memory_space<vmem>>, vector<1x1x16xf32>,
        %parallel_loop3A_428 = arith.mulf %parallel_loop3A_312, %get3A_78 : vector<16xf32>
        %parallel_loop3A_429 = arith.mulf %parallel_loop3A_315, %get3A_81 : vector<16xf32>
        %parallel_loop3A_430 = arith.addf %parallel_loop3A_428, %parallel_loop3A_429 : vector<16xf32>
        %parallel_loop3A_431 = arith.mulf %parallel_loop3A_318, %get3A_84 : vector<16xf32>
        %parallel_loop3A_432 = arith.addf %parallel_loop3A_430, %parallel_loop3A_431 : vector<16xf32>
        %parallel_loop3A_433 = arith.mulf %parallel_loop3A_321, %get3A_87 : vector<16xf32>
        %parallel_loop3A_434 = arith.addf %parallel_loop3A_432, %parallel_loop3A_433 : vector<16xf32>
        %parallel_loop3A_435 = arith.mulf %parallel_loop3A_324, %get3A_90 : vector<16xf32>
        %parallel_loop3A_436 = arith.addf %parallel_loop3A_434, %parallel_loop3A_435 : vector<16xf32>
        %parallel_loop3A_437 = arith.mulf %parallel_loop3A_327, %get3A_93 : vector<16xf32>
        %parallel_loop3A_438 = arith.addf %parallel_loop3A_436, %parallel_loop3A_437 : vector<16xf32>
        %parallel_loop3A_439 = arith.constant 0 : i32
        %parallel_loop3A_440 = arith.index_cast %parallel_loop3A_439 : i32 to index
        %parallel_loop3A_441 = arith.index_cast %parallel_loop3A_304 : i32 to index
        %parallel_loop3A_442 = arith.constant 64 : index
        %parallel_loop3A_443 = tpu.vector_load %arg8[%parallel_loop3A_440, %parallel_loop3A_441, %parallel_loop3A_442] {strides = array<i32>} : memref<2x128x128xf32, #tpu.memory_space<vmem>>, vector<1x1x16xf32>,
        %parallel_loop3A_444 = vector.shape_cast %parallel_loop3A_443 : vector<1x1x16xf32> to vector<16xf32>
        %parallel_loop3A_445 = arith.mulf %parallel_loop3A_438, %parallel_loop3A_444 : vector<16xf32>
        %parallel_loop3A_446 = arith.constant 0 : i32
        %parallel_loop3A_447 = arith.index_cast %parallel_loop3A_446 : i32 to index
        %parallel_loop3A_448 = arith.index_cast %parallel_loop3A_304 : i32 to index
        %parallel_loop3A_449 = arith.constant 64 : index
        %parallel_loop3A_450 = tpu.vector_load %arg8[%parallel_loop3A_447, %parallel_loop3A_448, %parallel_loop3A_449] {strides = array<i32>} : memref<2x128x128xf32, #tpu.memory_space<vmem>>, vector<1x1x16xf32>,
        %parallel_loop3A_451 = vector.shape_cast %parallel_loop3A_450 : vector<1x1x16xf32> to vector<16xf32>
        %parallel_loop3A_452 = vector.shape_cast %parallel_loop3A_445 : vector<16xf32> to vector<1x1x16xf32>
        tpu.vector_store %arg8[%parallel_loop3A_447, %parallel_loop3A_448, %parallel_loop3A_449], %parallel_loop3A_452 {strides = array<i32>} : memref<2x128x128xf32, #tpu.memory_space<vmem>>, vector<1x1x16xf32>,
        %parallel_loop3A_453 = arith.mulf %parallel_loop3A_312, %get3A_96 : vector<16xf32>
        %parallel_loop3A_454 = arith.mulf %parallel_loop3A_315, %get3A_99 : vector<16xf32>
        %parallel_loop3A_455 = arith.addf %parallel_loop3A_453, %parallel_loop3A_454 : vector<16xf32>
        %parallel_loop3A_456 = arith.mulf %parallel_loop3A_318, %get3A_102 : vector<16xf32>
        %parallel_loop3A_457 = arith.addf %parallel_loop3A_455, %parallel_loop3A_456 : vector<16xf32>
        %parallel_loop3A_458 = arith.mulf %parallel_loop3A_321, %get3A_105 : vector<16xf32>
        %parallel_loop3A_459 = arith.addf %parallel_loop3A_457, %parallel_loop3A_458 : vector<16xf32>
        %parallel_loop3A_460 = arith.mulf %parallel_loop3A_324, %get3A_108 : vector<16xf32>
        %parallel_loop3A_461 = arith.addf %parallel_loop3A_459, %parallel_loop3A_460 : vector<16xf32>
        %parallel_loop3A_462 = arith.mulf %parallel_loop3A_327, %get3A_111 : vector<16xf32>
        %parallel_loop3A_463 = arith.addf %parallel_loop3A_461, %parallel_loop3A_462 : vector<16xf32>
        %parallel_loop3A_464 = arith.constant 0 : i32
        %parallel_loop3A_465 = arith.index_cast %parallel_loop3A_464 : i32 to index
        %parallel_loop3A_466 = arith.index_cast %parallel_loop3A_304 : i32 to index
        %parallel_loop3A_467 = arith.constant 80 : index
        %parallel_loop3A_468 = tpu.vector_load %arg8[%parallel_loop3A_465, %parallel_loop3A_466, %parallel_loop3A_467] {strides = array<i32>} : memref<2x128x128xf32, #tpu.memory_space<vmem>>, vector<1x1x16xf32>,
        %parallel_loop3A_469 = vector.shape_cast %parallel_loop3A_468 : vector<1x1x16xf32> to vector<16xf32>
        %parallel_loop3A_470 = arith.mulf %parallel_loop3A_463, %parallel_loop3A_469 : vector<16xf32>
        %parallel_loop3A_471 = arith.constant 0 : i32
        %parallel_loop3A_472 = arith.index_cast %parallel_loop3A_471 : i32 to index
        %parallel_loop3A_473 = arith.index_cast %parallel_loop3A_304 : i32 to index
        %parallel_loop3A_474 = arith.constant 80 : index
        %parallel_loop3A_475 = tpu.vector_load %arg8[%parallel_loop3A_472, %parallel_loop3A_473, %parallel_loop3A_474] {strides = array<i32>} : memref<2x128x128xf32, #tpu.memory_space<vmem>>, vector<1x1x16xf32>,
        %parallel_loop3A_476 = vector.shape_cast %parallel_loop3A_475 : vector<1x1x16xf32> to vector<16xf32>
        %parallel_loop3A_477 = vector.shape_cast %parallel_loop3A_470 : vector<16xf32> to vector<1x1x16xf32>
        tpu.vector_store %arg8[%parallel_loop3A_472, %parallel_loop3A_473, %parallel_loop3A_474], %parallel_loop3A_477 {strides = array<i32>} : memref<2x128x128xf32, #tpu.memory_space<vmem>>, vector<1x1x16xf32>,
        %parallel_loop3A_478 = arith.mulf %parallel_loop3A_312, %get3A_114 : vector<16xf32>
        %parallel_loop3A_479 = arith.mulf %parallel_loop3A_315, %get3A_117 : vector<16xf32>
        %parallel_loop3A_480 = arith.addf %parallel_loop3A_478, %parallel_loop3A_479 : vector<16xf32>
        %parallel_loop3A_481 = arith.mulf %parallel_loop3A_318, %get3A_120 : vector<16xf32>
        %parallel_loop3A_482 = arith.addf %parallel_loop3A_480, %parallel_loop3A_481 : vector<16xf32>
        %parallel_loop3A_483 = arith.mulf %parallel_loop3A_321, %get3A_123 : vector<16xf32>
        %parallel_loop3A_484 = arith.addf %parallel_loop3A_482, %parallel_loop3A_483 : vector<16xf32>
        %parallel_loop3A_485 = arith.mulf %parallel_loop3A_324, %get3A_126 : vector<16xf32>
        %parallel_loop3A_486 = arith.addf %parallel_loop3A_484, %parallel_loop3A_485 : vector<16xf32>
        %parallel_loop3A_487 = arith.mulf %parallel_loop3A_327, %get3A_129 : vector<16xf32>
        %parallel_loop3A_488 = arith.addf %parallel_loop3A_486, %parallel_loop3A_487 : vector<16xf32>
        %parallel_loop3A_489 = arith.constant 0 : i32
        %parallel_loop3A_490 = arith.index_cast %parallel_loop3A_489 : i32 to index
        %parallel_loop3A_491 = arith.index_cast %parallel_loop3A_304 : i32 to index
        %parallel_loop3A_492 = arith.constant 96 : index
        %parallel_loop3A_493 = tpu.vector_load %arg8[%parallel_loop3A_490, %parallel_loop3A_491, %parallel_loop3A_492] {strides = array<i32>} : memref<2x128x128xf32, #tpu.memory_space<vmem>>, vector<1x1x16xf32>,
        %parallel_loop3A_494 = vector.shape_cast %parallel_loop3A_493 : vector<1x1x16xf32> to vector<16xf32>
        %parallel_loop3A_495 = arith.mulf %parallel_loop3A_488, %parallel_loop3A_494 : vector<16xf32>
        %parallel_loop3A_496 = arith.constant 0 : i32
        %parallel_loop3A_497 = arith.index_cast %parallel_loop3A_496 : i32 to index
        %parallel_loop3A_498 = arith.index_cast %parallel_loop3A_304 : i32 to index
        %parallel_loop3A_499 = arith.constant 96 : index
        %parallel_loop3A_500 = tpu.vector_load %arg8[%parallel_loop3A_497, %parallel_loop3A_498, %parallel_loop3A_499] {strides = array<i32>} : memref<2x128x128xf32, #tpu.memory_space<vmem>>, vector<1x1x16xf32>,
        %parallel_loop3A_501 = vector.shape_cast %parallel_loop3A_500 : vector<1x1x16xf32> to vector<16xf32>
        %parallel_loop3A_502 = vector.shape_cast %parallel_loop3A_495 : vector<16xf32> to vector<1x1x16xf32>
        tpu.vector_store %arg8[%parallel_loop3A_497, %parallel_loop3A_498, %parallel_loop3A_499], %parallel_loop3A_502 {strides = array<i32>} : memref<2x128x128xf32, #tpu.memory_space<vmem>>, vector<1x1x16xf32>,
        %parallel_loop3A_503 = arith.mulf %parallel_loop3A_312, %get3A_132 : vector<16xf32>
        %parallel_loop3A_504 = arith.mulf %parallel_loop3A_315, %get3A_135 : vector<16xf32>
        %parallel_loop3A_505 = arith.addf %parallel_loop3A_503, %parallel_loop3A_504 : vector<16xf32>
        %parallel_loop3A_506 = arith.mulf %parallel_loop3A_318, %get3A_138 : vector<16xf32>
        %parallel_loop3A_507 = arith.addf %parallel_loop3A_505, %parallel_loop3A_506 : vector<16xf32>
        %parallel_loop3A_508 = arith.mulf %parallel_loop3A_321, %get3A_141 : vector<16xf32>
        %parallel_loop3A_509 = arith.addf %parallel_loop3A_507, %parallel_loop3A_508 : vector<16xf32>
        %parallel_loop3A_510 = arith.mulf %parallel_loop3A_324, %get3A_144 : vector<16xf32>
        %parallel_loop3A_511 = arith.addf %parallel_loop3A_509, %parallel_loop3A_510 : vector<16xf32>
        %parallel_loop3A_512 = arith.mulf %parallel_loop3A_327, %get3A_147 : vector<16xf32>
        %parallel_loop3A_513 = arith.addf %parallel_loop3A_511, %parallel_loop3A_512 : vector<16xf32>
        %parallel_loop3A_514 = arith.constant 0 : i32
        %parallel_loop3A_515 = arith.index_cast %parallel_loop3A_514 : i32 to index
        %parallel_loop3A_516 = arith.index_cast %parallel_loop3A_304 : i32 to index
        %parallel_loop3A_517 = arith.constant 112 : index
        %parallel_loop3A_518 = tpu.vector_load %arg8[%parallel_loop3A_515, %parallel_loop3A_516, %parallel_loop3A_517] {strides = array<i32>} : memref<2x128x128xf32, #tpu.memory_space<vmem>>, vector<1x1x16xf32>,
        %parallel_loop3A_519 = vector.shape_cast %parallel_loop3A_518 : vector<1x1x16xf32> to vector<16xf32>
        %parallel_loop3A_520 = arith.mulf %parallel_loop3A_513, %parallel_loop3A_519 : vector<16xf32>
        %parallel_loop3A_521 = arith.constant 0 : i32
        %parallel_loop3A_522 = arith.index_cast %parallel_loop3A_521 : i32 to index
        %parallel_loop3A_523 = arith.index_cast %parallel_loop3A_304 : i32 to index
        %parallel_loop3A_524 = arith.constant 112 : index
        %parallel_loop3A_525 = tpu.vector_load %arg8[%parallel_loop3A_522, %parallel_loop3A_523, %parallel_loop3A_524] {strides = array<i32>} : memref<2x128x128xf32, #tpu.memory_space<vmem>>, vector<1x1x16xf32>,
        %parallel_loop3A_526 = vector.shape_cast %parallel_loop3A_525 : vector<1x1x16xf32> to vector<16xf32>
        %parallel_loop3A_527 = vector.shape_cast %parallel_loop3A_520 : vector<16xf32> to vector<1x1x16xf32>
        tpu.vector_store %arg8[%parallel_loop3A_522, %parallel_loop3A_523, %parallel_loop3A_524], %parallel_loop3A_527 {strides = array<i32>} : memref<2x128x128xf32, #tpu.memory_space<vmem>>, vector<1x1x16xf32>,
      } {sc.loop_unroll_factor = 4 : i64, sc.parallel_access}
      %run_scoped3A = arith.constant 0 : i32
      %run_scoped3A_303 = arith.constant 0 : i32
      "tpu.region"() ({
        %run_scoped3A_304 = tpu.sem_alloc : memref<!tpu.dma_semaphore, #tpu.memory_space<semaphore_mem>>
        %dma_start3A_305 = arith.constant 0 : i32
        %dma_start3A_306 = arith.constant 0 : i32
        %dma_start3A_307 = tpu.memref_slice %arg8[%run_scoped3A, %dma_start3A_305, %dma_start3A_306] : memref<2x128x128xf32, #tpu.memory_space<vmem>> -> memref<1x128x128xf32, #tpu.memory_space<vmem>>
        %dma_start3A_308 = tpu.memref_squeeze %dma_start3A_307 : memref<1x128x128xf32, #tpu.memory_space<vmem>> -> memref<128x128xf32, #tpu.memory_space<vmem>>
        %dma_start3A_309 = arith.constant 0 : i32
        %dma_start3A_310 = tpu.memref_slice %arg12[%run_scoped3A_303, %dma_start3A_309] : memref<2x128xi32, #tpu.memory_space<vmem>> -> memref<1x128xi32, #tpu.memory_space<vmem>>
        %dma_start3A_311 = tpu.memref_squeeze %dma_start3A_310 : memref<1x128xi32, #tpu.memory_space<vmem>> -> memref<128xi32, #tpu.memory_space<vmem>>
        %dma_start3A_312 = arith.constant 0 : i32
        %dma_start3A_313 = arith.constant 0 : i32
        %dma_start3A_314 = tpu.memref_slice %arg13[%dma_start3A_312, %dma_start3A_313] : memref<10240x128xf32, #tpu.memory_space<vmem_shared>> -> memref<10240x128xf32, #tpu.memory_space<vmem_shared>>
        tpu.enqueue_indirect_dma source(%dma_start3A_308 : memref<128x128xf32, #tpu.memory_space<vmem>>) target(%dma_start3A_314 : memref<10240x128xf32, #tpu.memory_space<vmem_shared>>) offsets(%dma_start3A_311 : memref<128xi32, #tpu.memory_space<vmem>>) semaphore(%run_scoped3A_304 : memref<!tpu.dma_semaphore, #tpu.memory_space<semaphore_mem>>) {add = true}
        %dma_wait3A_315 = arith.constant 0 : i32
        %dma_wait3A_316 = arith.constant 0 : i32
        %dma_wait3A_317 = tpu.memref_slice %arg8[%run_scoped3A, %dma_wait3A_315, %dma_wait3A_316] : memref<2x128x128xf32, #tpu.memory_space<vmem>> -> memref<1x128x128xf32, #tpu.memory_space<vmem>>
        %dma_wait3A_318 = tpu.memref_squeeze %dma_wait3A_317 : memref<1x128x128xf32, #tpu.memory_space<vmem>> -> memref<128x128xf32, #tpu.memory_space<vmem>>
        %dma_wait3A_319 = arith.constant 0 : i32
        %dma_wait3A_320 = tpu.memref_slice %arg12[%run_scoped3A_303, %dma_wait3A_319] : memref<2x128xi32, #tpu.memory_space<vmem>> -> memref<1x128xi32, #tpu.memory_space<vmem>>
        %dma_wait3A_321 = tpu.memref_squeeze %dma_wait3A_320 : memref<1x128xi32, #tpu.memory_space<vmem>> -> memref<128xi32, #tpu.memory_space<vmem>>
        %dma_wait3A_322 = arith.constant 0 : i32
        %dma_wait3A_323 = arith.constant 0 : i32
        %dma_wait3A_324 = tpu.memref_slice %arg13[%dma_wait3A_322, %dma_wait3A_323] : memref<10240x128xf32, #tpu.memory_space<vmem_shared>> -> memref<10240x128xf32, #tpu.memory_space<vmem_shared>>
        tpu.wait_indirect_dma semaphore(%run_scoped3A_304 : memref<!tpu.dma_semaphore, #tpu.memory_space<semaphore_mem>>) src(%dma_wait3A_318 : memref<128x128xf32, #tpu.memory_space<vmem>>) dst(%dma_wait3A_324 : memref<10240x128xf32, #tpu.memory_space<vmem_shared>>)
        tpu.yield
      }) : () -> ()
    } else {
    }
    %barrier3A_224 = arith.constant 0 : index
    tpu.barrier barrier_id(%barrier3A_224)
    %mul3A_225 = arith.constant 640 : i32
    %mul3A_226 = arith.muli %arg1, %mul3A_225 : i32
    %mul3A_227 = arith.constant 640 : i32
    %mul3A_228 = arith.muli %arg1, %mul3A_227 : i32
    "tpu.region"() ({
      %run_scoped3A = tpu.sem_alloc : memref<!tpu.dma_semaphore, #tpu.memory_space<semaphore_mem>>
      %dma_start3A_229 = arith.constant 0 : i32
      %dma_start3A_230 = tpu.memref_slice %arg7[%arg0, %mul3A_228, %dma_start3A_229] : memref<2x10240x128xf32, #tpu.memory_space<hbm>> -> memref<1x640x128xf32, #tpu.memory_space<hbm>>
      %dma_start3A_231 = tpu.memref_squeeze %dma_start3A_230 : memref<1x640x128xf32, #tpu.memory_space<hbm>> -> memref<640x128xf32, #tpu.memory_space<hbm>>
      %dma_start3A_232 = arith.constant 0 : i32
      %dma_start3A_233 = tpu.memref_slice %arg13[%mul3A_226, %dma_start3A_232] : memref<10240x128xf32, #tpu.memory_space<vmem_shared>> -> memref<640x128xf32, #tpu.memory_space<vmem_shared>>
      tpu.enqueue_dma source(%dma_start3A_233 : memref<640x128xf32, #tpu.memory_space<vmem_shared>>) target(%dma_start3A_231 : memref<640x128xf32, #tpu.memory_space<hbm>>) target_semaphore(%run_scoped3A : memref<!tpu.dma_semaphore, #tpu.memory_space<semaphore_mem>>)
      %dma_wait3A = arith.constant 0 : i32
      %dma_wait3A_234 = tpu.memref_slice %arg7[%arg0, %mul3A_228, %dma_wait3A] : memref<2x10240x128xf32, #tpu.memory_space<hbm>> -> memref<1x640x128xf32, #tpu.memory_space<hbm>>
      %dma_wait3A_235 = tpu.memref_squeeze %dma_wait3A_234 : memref<1x640x128xf32, #tpu.memory_space<hbm>> -> memref<640x128xf32, #tpu.memory_space<hbm>>
      %dma_wait3A_236 = arith.constant 0 : i32
      %dma_wait3A_237 = tpu.memref_slice %arg13[%mul3A_226, %dma_wait3A_236] : memref<10240x128xf32, #tpu.memory_space<vmem_shared>> -> memref<640x128xf32, #tpu.memory_space<vmem_shared>>
      tpu.wait_dma2 semaphore(%run_scoped3A : memref<!tpu.dma_semaphore, #tpu.memory_space<semaphore_mem>>) src(%dma_wait3A_237 : memref<640x128xf32, #tpu.memory_space<vmem_shared>>) dst(%dma_wait3A_235 : memref<640x128xf32, #tpu.memory_space<hbm>>)
      tpu.yield
    }) : () -> ()
    return
  }
}

module attributes {stable_mosaic.version = 14 : i64} {
  func.func @body(%arg0: i32, %arg1: memref<2x1000x128xf32, #tpu.memory_space<vmem>>, %arg2: memref<128x256xf32, #tpu.memory_space<vmem>>, %arg3: memref<3x256x256xf32, #tpu.memory_space<vmem>>, %arg4: memref<3x256xf32, #tpu.memory_space<vmem>>, %arg5: memref<256x12xf32, #tpu.memory_space<vmem>>, %arg6: memref<1000x12xf32, #tpu.memory_space<vmem>>) attributes {dimension_semantics = [#tpu.dimension_semantics<arbitrary>], iteration_bounds = array<i64: 10>, scalar_prefetch = 0 : i64, scratch_operands = 0 : i64, tpu.core_type = #tpu.core_type<tc>, window_params = [{transform_indices = @transform_0, window_bounds = array<i64: 2, 1000, 128>}, {pipeline_mode = #tpu.pipeline_mode<synchronous>, transform_indices = @transform_1, window_bounds = array<i64: 128, 256>}, {pipeline_mode = #tpu.pipeline_mode<synchronous>, transform_indices = @transform_2, window_bounds = array<i64: 3, 256, 256>}, {pipeline_mode = #tpu.pipeline_mode<synchronous>, transform_indices = @transform_3, window_bounds = array<i64: 3, 256>}, {pipeline_mode = #tpu.pipeline_mode<synchronous>, transform_indices = @transform_4, window_bounds = array<i64: 256, 12>}, {transform_indices = @transform_5, window_bounds = array<i64: 1000, 12>}]} {
    %get3A = arith.constant 0 : index
    %get3A_0 = arith.constant 0 : index
    %get3A_1 = arith.constant 0 : index
    %get3A_2 = vector.load %arg1[%get3A, %get3A_0, %get3A_1] : memref<2x1000x128xf32, #tpu.memory_space<vmem>>, vector<1x1000x128xf32>
    %get3A_3 = vector.shape_cast %get3A_2 : vector<1x1000x128xf32> to vector<1000x128xf32>
    %get3A_4 = arith.constant 1 : index
    %get3A_5 = arith.constant 0 : index
    %get3A_6 = arith.constant 0 : index
    %get3A_7 = vector.load %arg1[%get3A_4, %get3A_5, %get3A_6] : memref<2x1000x128xf32, #tpu.memory_space<vmem>>, vector<1x1000x128xf32>
    %get3A_8 = vector.shape_cast %get3A_7 : vector<1x1000x128xf32> to vector<1000x128xf32>
    %add3A = arith.addf %get3A_3, %get3A_8 : vector<1000x128xf32>
    %get3A_9 = arith.constant 0 : index
    %get3A_10 = arith.constant 0 : index
    %get3A_11 = vector.load %arg2[%get3A_9, %get3A_10] : memref<128x256xf32, #tpu.memory_space<vmem>>, vector<128x256xf32>
    %dot_general3A = arith.constant dense<0.000000e+00> : vector<1000x256xf32>
    %dot_general3A_12 = tpu.matmul %add3A, %get3A_11, %dot_general3A {dimension_numbers = #tpu.dot_dimension_numbers<[1], [0], [0], [1], [0, 0, 1, 1], [], []>, transpose_lhs_hint = false} : vector<1000x128xf32>, vector<128x256xf32>, vector<1000x256xf32> -> vector<1000x256xf32>
    %get3A_13 = arith.constant 0 : index
    %get3A_14 = arith.constant 0 : index
    %get3A_15 = arith.constant 0 : index
    %get3A_16 = vector.load %arg3[%get3A_13, %get3A_14, %get3A_15] : memref<3x256x256xf32, #tpu.memory_space<vmem>>, vector<1x256x256xf32>
    %get3A_17 = vector.shape_cast %get3A_16 : vector<1x256x256xf32> to vector<256x256xf32>
    %dot_general3A_18 = arith.constant dense<0.000000e+00> : vector<1000x256xf32>
    %dot_general3A_19 = tpu.matmul %dot_general3A_12, %get3A_17, %dot_general3A_18 {dimension_numbers = #tpu.dot_dimension_numbers<[1], [0], [0], [1], [0, 0, 1, 1], [], []>, transpose_lhs_hint = false} : vector<1000x256xf32>, vector<256x256xf32>, vector<1000x256xf32> -> vector<1000x256xf32>
    %get3A_20 = arith.constant 0 : index
    %get3A_21 = arith.constant 0 : index
    %get3A_22 = vector.load %arg4[%get3A_20, %get3A_21] : memref<3x256xf32, #tpu.memory_space<vmem>>, vector<1x256xf32>
    %get3A_23 = vector.shape_cast %get3A_22 : vector<1x256xf32> to vector<256xf32>
    %broadcast_in_dim3A = vector.shape_cast %get3A_23 : vector<256xf32> to vector<1x256xf32>
    %add3A_24 = vector.broadcast %broadcast_in_dim3A : vector<1x256xf32> to vector<1000x256xf32>
    %add3A_25 = arith.addf %dot_general3A_19, %add3A_24 : vector<1000x256xf32>
    %logistic3A = arith.negf %add3A_25 : vector<1000x256xf32>
    %logistic3A_26 = math.exp %logistic3A : vector<1000x256xf32>
    %logistic3A_27 = arith.constant 1.000000e+00 : f32
    %logistic3A_28 = vector.broadcast %logistic3A_27 : f32 to vector<1000x256xf32>
    %logistic3A_29 = arith.addf %logistic3A_28, %logistic3A_26 : vector<1000x256xf32>
    %logistic3A_30 = arith.divf %logistic3A_28, %logistic3A_29 : vector<1000x256xf32>
    %mul3A = arith.mulf %add3A_25, %logistic3A_30 : vector<1000x256xf32>
    %get3A_31 = arith.constant 1 : index
    %get3A_32 = arith.constant 0 : index
    %get3A_33 = arith.constant 0 : index
    %get3A_34 = vector.load %arg3[%get3A_31, %get3A_32, %get3A_33] : memref<3x256x256xf32, #tpu.memory_space<vmem>>, vector<1x256x256xf32>
    %get3A_35 = vector.shape_cast %get3A_34 : vector<1x256x256xf32> to vector<256x256xf32>
    %dot_general3A_36 = arith.constant dense<0.000000e+00> : vector<1000x256xf32>
    %dot_general3A_37 = tpu.matmul %mul3A, %get3A_35, %dot_general3A_36 {dimension_numbers = #tpu.dot_dimension_numbers<[1], [0], [0], [1], [0, 0, 1, 1], [], []>, transpose_lhs_hint = false} : vector<1000x256xf32>, vector<256x256xf32>, vector<1000x256xf32> -> vector<1000x256xf32>
    %get3A_38 = arith.constant 1 : index
    %get3A_39 = arith.constant 0 : index
    %get3A_40 = vector.load %arg4[%get3A_38, %get3A_39] : memref<3x256xf32, #tpu.memory_space<vmem>>, vector<1x256xf32>
    %get3A_41 = vector.shape_cast %get3A_40 : vector<1x256xf32> to vector<256xf32>
    %broadcast_in_dim3A_42 = vector.shape_cast %get3A_41 : vector<256xf32> to vector<1x256xf32>
    %add3A_43 = vector.broadcast %broadcast_in_dim3A_42 : vector<1x256xf32> to vector<1000x256xf32>
    %add3A_44 = arith.addf %dot_general3A_37, %add3A_43 : vector<1000x256xf32>
    %logistic3A_45 = arith.negf %add3A_44 : vector<1000x256xf32>
    %logistic3A_46 = math.exp %logistic3A_45 : vector<1000x256xf32>
    %logistic3A_47 = arith.constant 1.000000e+00 : f32
    %logistic3A_48 = vector.broadcast %logistic3A_47 : f32 to vector<1000x256xf32>
    %logistic3A_49 = arith.addf %logistic3A_48, %logistic3A_46 : vector<1000x256xf32>
    %logistic3A_50 = arith.divf %logistic3A_48, %logistic3A_49 : vector<1000x256xf32>
    %mul3A_51 = arith.mulf %add3A_44, %logistic3A_50 : vector<1000x256xf32>
    %get3A_52 = arith.constant 2 : index
    %get3A_53 = arith.constant 0 : index
    %get3A_54 = arith.constant 0 : index
    %get3A_55 = vector.load %arg3[%get3A_52, %get3A_53, %get3A_54] : memref<3x256x256xf32, #tpu.memory_space<vmem>>, vector<1x256x256xf32>
    %get3A_56 = vector.shape_cast %get3A_55 : vector<1x256x256xf32> to vector<256x256xf32>
    %dot_general3A_57 = arith.constant dense<0.000000e+00> : vector<1000x256xf32>
    %dot_general3A_58 = tpu.matmul %mul3A_51, %get3A_56, %dot_general3A_57 {dimension_numbers = #tpu.dot_dimension_numbers<[1], [0], [0], [1], [0, 0, 1, 1], [], []>, transpose_lhs_hint = false} : vector<1000x256xf32>, vector<256x256xf32>, vector<1000x256xf32> -> vector<1000x256xf32>
    %get3A_59 = arith.constant 2 : index
    %get3A_60 = arith.constant 0 : index
    %get3A_61 = vector.load %arg4[%get3A_59, %get3A_60] : memref<3x256xf32, #tpu.memory_space<vmem>>, vector<1x256xf32>
    %get3A_62 = vector.shape_cast %get3A_61 : vector<1x256xf32> to vector<256xf32>
    %broadcast_in_dim3A_63 = vector.shape_cast %get3A_62 : vector<256xf32> to vector<1x256xf32>
    %add3A_64 = vector.broadcast %broadcast_in_dim3A_63 : vector<1x256xf32> to vector<1000x256xf32>
    %add3A_65 = arith.addf %dot_general3A_58, %add3A_64 : vector<1000x256xf32>
    %logistic3A_66 = arith.negf %add3A_65 : vector<1000x256xf32>
    %logistic3A_67 = math.exp %logistic3A_66 : vector<1000x256xf32>
    %logistic3A_68 = arith.constant 1.000000e+00 : f32
    %logistic3A_69 = vector.broadcast %logistic3A_68 : f32 to vector<1000x256xf32>
    %logistic3A_70 = arith.addf %logistic3A_69, %logistic3A_67 : vector<1000x256xf32>
    %logistic3A_71 = arith.divf %logistic3A_69, %logistic3A_70 : vector<1000x256xf32>
    %mul3A_72 = arith.mulf %add3A_65, %logistic3A_71 : vector<1000x256xf32>
    %get3A_73 = arith.constant 0 : index
    %get3A_74 = arith.constant 0 : index
    %get3A_75 = vector.load %arg5[%get3A_73, %get3A_74] : memref<256x12xf32, #tpu.memory_space<vmem>>, vector<256x12xf32>
    %dot_general3A_76 = arith.constant dense<0.000000e+00> : vector<1000x12xf32>
    %dot_general3A_77 = tpu.matmul %mul3A_72, %get3A_75, %dot_general3A_76 {dimension_numbers = #tpu.dot_dimension_numbers<[1], [0], [0], [1], [0, 0, 1, 1], [], []>, transpose_lhs_hint = false} : vector<1000x256xf32>, vector<256x12xf32>, vector<1000x12xf32> -> vector<1000x12xf32>
    %swap3A = arith.constant 0 : index
    %swap3A_78 = arith.constant 0 : index
    %swap3A_79 = vector.load %arg6[%swap3A, %swap3A_78] : memref<1000x12xf32, #tpu.memory_space<vmem>>, vector<1000x12xf32>
    tpu.vector_store %arg6[%swap3A, %swap3A_78], %dot_general3A_77 {strides = array<i32>} : memref<1000x12xf32, #tpu.memory_space<vmem>>, vector<1000x12xf32>,
    return
  }
  func.func @transform_0(%arg0: i32) -> (i32, i32, i32) {
    %c0_i32 = arith.constant 0 : i32
    %c0_i32_0 = arith.constant 0 : i32
    %c0_i32_1 = arith.constant 0 : i32
    return %c0_i32, %arg0, %c0_i32_0 : i32, i32, i32
  }
  func.func @transform_1(%arg0: i32) -> (i32, i32) {
    %c0_i32 = arith.constant 0 : i32
    %c0_i32_0 = arith.constant 0 : i32
    %c0_i32_1 = arith.constant 0 : i32
    return %c0_i32, %c0_i32_0 : i32, i32
  }
  func.func @transform_2(%arg0: i32) -> (i32, i32, i32) {
    %c0_i32 = arith.constant 0 : i32
    %c0_i32_0 = arith.constant 0 : i32
    %c0_i32_1 = arith.constant 0 : i32
    %c0_i32_2 = arith.constant 0 : i32
    return %c0_i32, %c0_i32_0, %c0_i32_1 : i32, i32, i32
  }
  func.func @transform_3(%arg0: i32) -> (i32, i32) {
    %c0_i32 = arith.constant 0 : i32
    %c0_i32_0 = arith.constant 0 : i32
    %c0_i32_1 = arith.constant 0 : i32
    return %c0_i32, %c0_i32_0 : i32, i32
  }
  func.func @transform_4(%arg0: i32) -> (i32, i32) {
    %c0_i32 = arith.constant 0 : i32
    %c0_i32_0 = arith.constant 0 : i32
    %c0_i32_1 = arith.constant 0 : i32
    return %c0_i32, %c0_i32_0 : i32, i32
  }
  func.func @transform_5(%arg0: i32) -> (i32, i32) {
    %c0_i32 = arith.constant 0 : i32
    %c0_i32_0 = arith.constant 0 : i32
    return %arg0, %c0_i32 : i32, i32
  }
}

</mosaic_0001>

<sc_bundles>
// kernel: kernel.4.cloned.1.call-start
scs
__scs_entry_jumppad:
0x0: {  	(pc) =	sbr.rel $0x88, $3  }
0x1: {  	(tag) =	ssettag $0x0;
	lr =	simm.s32 $0x1  }
0x2: {  	[smem:$0x3F99] =	sst lr;
	_ =	strace $0xD0000000  }
0x3: {  	_ = 	snop  }
0x4: {  	_ = 	snop  }
0x5: {  	_ = 	snop  }
0x6: {  	_ = 	snop  }
0x7: {  	_ = 	snop  }
__scs_overlays_trampoline_lowered:
0x8: {  	[smem:$0x3FA8] =	sst s0  }
0x9: {  	[smem:$0x3FA9] =	sst s1  }
0xa: {  	[smem:$0x3FAA] =	sst s2  }
0xb: {  	[smem:$0x3FAB] =	sst s3  }
0xc: {  	[smem:$0x3FAC] =	sst s4  }
0xd: {  	[smem:$0x3FAD] =	sst s5  }
0xe: {  	[smem:$0x3FAE] =	sst s6  }
0xf: {  	[smem:$0x3FAF] =	sst s7  }
0x10: {  	[smem:$0x3FB0] =	sst s8  }
0x11: {  	[smem:$0x3FB1] =	sst s9;
	s0 =	simm.s32 @!p0 $0x0  }
0x12: {  	s1 =	sld [smem:$0x3F97];
	s0 =	simm.s32 @p0 $0x1  }
0x13: {  	[smem:$0x3FB2] =	sst s0;
	s0 =	simm.s32 @!p1 $0x0  }
0x14: {  	s2 =	sld [smem:$0x3F96];
	s0 =	simm.s32 @p1 $0x1  }
0x15: {  	[smem:$0x3FB3] =	sst s0;
	s0 =	simm.s32 @!p2 $0x0  }
0x16: {  	s3 =	sld [smem:$0x3FDB];
	s0 =	simm.s32 @p2 $0x1  }
0x17: {  	s4 =	simm.s32 $0x1BF5;
	[smem:$0x3FB5] =	sst s0  }
0x18: {  	s0 =	sld [smem:$0x3F98];
	_ =	swait.ge [sflag:s4], $0x0  }
0x19: {  	s7 =	sld [smem:$0x3F99]  }
0x1a: {  	s8 =	sadd.s32 $0xFFFFE003, lr  }
0x1b: {  	s9 =	sadd.s32 $0xFFFFFEF7, lr;
	s5 =	simm.s32 $0xFFFFFFFF;
	p2 =	slt.u32 s8, $0xFFFFF086  }
0x1c: {  	p1 =	slt.u32 s9, $0xF7A;
	s5 =	simm.s32 @!p2 $0x0  }
0x1d: {  	s5 =	simm.s32 @p1 $0x1;
	p0 =	seq.s32 s7, s2  }
0x1e: {  	s7 =	smul.u32 @!p0 $0xF7A, s2;
	p2 =	seq.s32 @!p0 s5, $0x0  }
0x1f: {  	s9 =	smul.u32 $0xF7A, s1;
	s8 =	simm.s32 @!p0 $0x1BF5;
	p2 =	por !p2, p0  }
0x20: {  	[sflag:s8] =	ssyncset.s32 @!p0 $0xFFFFF086;
	s6 =	sadd.s32 @!p0 s3, s7;
	s7 =	simm.s32 @!p0 $0x108  }
0x21: {  	s3 =	sadd.s32 s3, s9;
	s6 =	sadd.s32 @!p0 $0x88, s6;
	s7 =	simm.s32 @p2 $0x1082  }
0x22: {  	[simem:s7], [sflag:s8] =	dma.local @!p0 [hbm:s6], $0xF7A  }
0x23: {  	s9 =	sor.u32 $0xD0000000, s2;
	s6 =	simm.s32 $0x108;
	_ =	swait.ge @!p0 [sflag:s8], $0x0  }
0x24: {  	s3 =	sadd.s32 $0x88, s3;
	s6 =	simm.s32 @!p1 $0x1082;
	[sflag:s4] =	ssyncset.s32 $0xFFFFF086  }
0x25: {  	[simem:s6], [sflag:s4] =	dma.local [hbm:s3], $0xF7A  }
0x26: {  	[smem:$0x3F99] =	sst s1;
	(tag) =	ssettag s2;
	_ =	strace s9  }
0x27: {  	s1 =	sld [smem:$0x3FA9]  }
0x28: {  	s2 =	sld [smem:$0x3FAA]  }
0x29: {  	s4 =	sld [smem:$0x3FAC]  }
0x2a: {  	p0 =	seq.s32 s5, $0x0;
	s5 =	sld [smem:$0x3FAD]  }
0x2b: {  	s6 =	sld [smem:$0x3FAE]  }
0x2c: {  	s7 =	sld [smem:$0x3FAF]  }
0x2d: {  	s3 =	simm.s32 $0x108;
	s8 =	sld [smem:$0x3FB0]  }
0x2e: {  	s3 =	simm.s32 @!p0 $0x1082;
	s9 =	sld [smem:$0x3FB1]  }
0x2f: {  	lr =	sadd.s32 s0, s3;
	s0 =	sld [smem:$0x3FA8]  }
0x30: {  	s3 =	sld [smem:$0x3FAB]  }
0x31: {  	[smem:$0x3FB4] =	sst s10  }
0x32: {  	s10 =	sld [smem:$0x3FB2];
	_ =	sdelay $0x3  }
0x33: {  	p0 =	seq.s32 s10, $0x1;
	s10 =	sld [smem:$0x3FB4];
	_ =	sdelay $0x3  }
0x34: {  	[smem:$0x3FB4] =	sst s10  }
0x35: {  	s10 =	sld [smem:$0x3FB3];
	_ =	sdelay $0x3  }
0x36: {  	p1 =	seq.s32 s10, $0x1;
	s10 =	sld [smem:$0x3FB4];
	_ =	sdelay $0x3  }
0x37: {  	[smem:$0x3FB4] =	sst s10  }
0x38: {  	s10 =	sld [smem:$0x3FB5]  }
0x39: {  	_ = 	snop;
	(pc) =	sbr.ind lr, $3  }
0x3a: {  	_ = 	snop  }
0x3b: {  	_ = 	snop  }
0x3c: {  	p2 =	seq.s32 s10, $0x1;
	s10 =	sld [smem:$0x3FB4]  }
0x3d: {  	_ =	shalt  }
0x3e: {  	_ =	shalt  }
0x3f: {  	_ =	shalt  }
0x40: {  	_ =	shalt  }
0x41: {  	_ =	shalt  }
0x42: {  	_ =	shalt  }
0x43: {  	_ =	shalt  }
0x44: {  	_ =	shalt  }
0x45: {  	_ =	shalt  }
0x46: {  	_ =	shalt  }
0x47: {  	_ =	shalt  }
0x48: {  	_ =	shalt  }
0x49: {  	_ =	shalt  }
0x4a: {  	_ =	shalt  }
0x4b: {  	_ =	shalt  }
0x4c: {  	_ =	shalt  }
0x4d: {  	_ =	shalt  }
0x4e: {  	_ =	shalt  }
0x4f: {  	_ =	shalt  }
0x50: {  	_ =	shalt  }
0x51: {  	_ =	shalt  }
0x52: {  	_ =	shalt  }
0x53: {  	_ =	shalt  }
0x54: {  	_ =	shalt  }
0x55: {  	_ =	shalt  }
0x56: {  	_ =	shalt  }
0x57: {  	_ =	shalt  }
0x58: {  	_ =	shalt  }
0x59: {  	_ =	shalt  }
0x5a: {  	_ =	shalt  }
0x5b: {  	_ =	shalt  }
0x5c: {  	_ =	shalt  }
0x5d: {  	_ =	shalt  }
0x5e: {  	_ =	shalt  }
0x5f: {  	_ =	shalt  }
0x60: {  	_ =	shalt  }
0x61: {  	_ =	shalt  }
0x62: {  	_ =	shalt  }
0x63: {  	_ =	shalt  }
0x64: {  	_ =	shalt  }
0x65: {  	_ =	shalt  }
0x66: {  	_ =	shalt  }
0x67: {  	_ =	shalt  }
0x68: {  	_ =	shalt  }
0x69: {  	_ =	shalt  }
0x6a: {  	_ =	shalt  }
0x6b: {  	_ =	shalt  }
0x6c: {  	_ =	shalt  }
0x6d: {  	_ =	shalt  }
0x6e: {  	_ =	shalt  }
0x6f: {  	_ =	shalt  }
0x70: {  	_ =	shalt  }
0x71: {  	_ =	shalt  }
0x72: {  	_ =	shalt  }
0x73: {  	_ =	shalt  }
0x74: {  	_ =	shalt  }
0x75: {  	_ =	shalt  }
0x76: {  	_ =	shalt  }
0x77: {  	_ =	shalt  }
0x78: {  	_ =	shalt  }
0x79: {  	_ =	shalt  }
0x7a: {  	_ =	shalt  }
0x7b: {  	_ =	shalt  }
0x7c: {  	_ =	shalt  }
0x7d: {  	_ =	shalt  }
0x7e: {  	_ =	shalt  }
0x7f: {  	_ =	shalt  }
0x80: {  	_ =	shalt  }
0x81: {  	_ =	shalt  }
0x82: {  	_ =	shalt  }
0x83: {  	_ =	shalt  }
0x84: {  	_ =	shalt  }
0x85: {  	_ =	shalt  }
0x86: {  	_ =	shalt  }
0x87: {  	_ =	shalt  }
.Lfunc_end0:
.L_simem_size_0:
called_computation_lowered:
.L_overlay_start_0:
0x88: {  	s2 =	sld [smem:$0x3FD9]  }
0x89: {  	s3 =	sld [smem:$0x3FFE];
	_ =	sdelay $0x1  }
0x8a: {  	s1 =	srdreg.scid  }
0x8b: {  	s0 =	sand.u32 $0x1, s1  }
0x8c: {  	s17 =	sshll.u32 s0, $0xA;
	s2 =	sadd.s32 s3, s2  }
0x8d: {  	s2 =	sadd.s32 s2, s17  }
0x8e: {  	[smem:$0x3FC0] =	sst s2  }
0x8f: {  	_ = 	snop  }
0x90: {  	s2 =	sld [smem:$0x3FC9]  }
0x91: {  	s18 =	sld [smem:$0x3FC7]  }
0x92: {  	s4 =	sld [smem:$0x3FC6]  }
0x93: {  	s5 =	sld [smem:$0x3FD0];
	(tm) =	ssettm $0x1  }
0x94: {  	s6 =	sld [smem:$0x3FFB];
	_ =	sdelay $0x3  }
0x95: {  	_ =	strace s6  }
0x96: {  	s6 =	sld [smem:$0x3FFC];
	_ =	sdelay $0x3  }
0x97: {  	_ =	strace s6  }
0x98: {  	s6 =	sld [smem:$0x3FFD];
	_ =	sdelay $0x3  }
0x99: {  	_ =	strace s6  }
0x9a: {  	_ =	strace $0x8FFFFFFF  }
0x9b: {  	s19 =	sld [smem:$0x3FDB];
	_ =	sdelay $0x1  }
0x9c: {  	s7 =	simm.s32 $_scs_section_size  }
0x9d: {  	s8 =	simm.s32 $_size__tile_overlayer_lowered;
	s9 =	simm.s32 $_tile_overlayer_lowered  }
0x9e: {  	s22 =	simm.s32 $0x1BFF;
	s21 =	sshll.u32 s9, $0x1;
	s6 =	sadd.s32 s7, s19  }
0x9f: {  	s10 =	simm.s32 $0x0;
	s20 =	sshll.u32 s8, $0x1;
	s8 =	sadd.s32 s21, s6  }
0xa0: {  	[timem:s10], [sflag:s22] =	dma.local [hbm:s8], s20  }
0xa1: {  	_ =	swait.ge [sflag:s22], s20  }
0xa2: {  	s7 =	ssub.s32 $0x0, s20;
	[sflag:s22] =	ssyncset.done $0x0  }
0xa3: {  	[sflag:s22] =	ssyncadd.s32 s7;
	_ =	sdelay $0x1  }
0xa4: {  	s23 =	simm.s32 $0x1B8B  }
0xa5: {  	_ =	swait.ge [sflag:s23], $0x1  }
0xa6: {  	[sflag:s23] =	ssyncset.done $0x0  }
0xa7: {  	s25 =	simm.s32 $0x1B8E;
	s24 =	sld [smem:$0x3FFE];
	[sflag:s23] =	ssyncadd.s32 $0xFFFFFFFF  }
0xa8: {  	s26 =	simm.s32 $execute0_lowered;
	[smem:$0x3FD2] =	sst s25  }
0xa9: {  	s8 =	sshll.u32 s26, $0x1;
	_ =	strace $0x80000046;
	[dreg:$0x1] =	wrdreg $0xFFFFFFFF  }
0xaa: {  	s28 =	simm.s32 $_size_execute0_lowered;
	s6 =	sadd.s32 s6, s8;
	[dreg:$0x0] =	wrdreg $0x0  }
0xab: {  	s8 =	sshll.u32 s28, $0x1;
	[dreg:$0x2] =	wrdreg s6  }
0xac: {  	[dreg:$0x3] =	wrdreg s8  }
0xad: {  	[dreg:$0x4] =	wrdreg $0xC0  }
0xae: {  	_ =	task [dreg:s10], $0x5FFFF  }
0xaf: {  	[dreg:$0x1] =	wrdreg $0xFFFFFFFF  }
0xb0: {  	[dreg:$0x0] =	wrdreg $0x60  }
0xb1: {  	[dreg:$0x2] =	wrdreg s2  }
0xb2: {  	[dreg:$0x3] =	wrdreg s24  }
0xb3: {  	[dreg:$0x4] =	wrdreg s18  }
0xb4: {  	[dreg:$0x5] =	wrdreg s4  }
0xb5: {  	[dreg:$0x6] =	wrdreg s5  }
0xb6: {  	[dreg:$0x7] =	wrdreg $0x8B000  }
0xb7: {  	[dreg:$0x8] =	wrdreg $0x9  }
0xb8: {  	_ =	task.clear_ibuf [dreg:s10], $0x9FFFF;
	_ =	strace $0x90000046  }
0xb9: {  	s29 =	simm.s32 $0x9;
	_ =	strace $0x80000048  }
0xba: {  	_ =	swait.ge [sflag:s29], $0x1  }
0xbb: {  	[sflag:s29] =	ssyncadd.s32 $0xFFFFFFFF  }
0xbc: {  	_ =	strace $0x90000048  }
0xbd: {  	_ =	sfence  }
0xbe: {  	s30 =	sld [smem:$0x0];
	_ =	sdelay $0x2  }
0xbf: {  	s31 =	sshll.u32 s1, $0xD;
	s1 =	sshrl.u32 s1, $0x2  }
0xc0: {  	s3 =	sand.u32 $0x4000, s31;
	s1 =	sadd.s32 s1, s30  }
0xc1: {  	s0 =	sor.u32 s3, s0;
	s1 =	sshll.u32 s1, $0x11  }
0xc2: {  	s0 =	sor.u32 s1, s0  }
0xc3: {  	s0 =	sadd.s32 $0x8F2B, s0  }
0xc4: {  	[sflag:s0] =	ssyncadd.remote.s32 $0x1  }
0xc5: {  	_ =	sfence.sel $0xFFFF  }
0xc6: {  	[dreg:$0x0] =	wrdreg $0xFFFFFFFF;
	(pc) =	sbr.abs _section_cstart, $3  }
0xc7: {  	[dreg:$0x1] =	wrdreg $0xFFFFFFFF  }
0xc8: {  	_ =	task.clear_ibuf [dreg:s10], $0x2FFFF;
	_ =	strace $0x9FFFFFFF  }
0xc9: {  	(tm) =	ssettm $0x7FFFFFFF  }
tec
execute0_lowered:
.L_overlay_start_1:
0x0: {  	(tag) =	ssettag $0x1  }
0x1: {  	s0 =	rddreg [dreg:$0x0]  }
0x2: {  	s2 =	rddreg [dreg:$0x1]  }
0x3: {  	s1 =	rddreg [dreg:$0x2];
	s3 =	srdreg.scid  }
0x4: {  	s6 =	rddreg [dreg:$0x5];
	s19 =	stileid.u32  }
0x5: {  	s7 =	simm.s32 $0x0;
	s28 =	simm.s32 $0x4000;
	s29 =	simm.s32 $0x8380  }
0x6: {  	s30 =	simm.s32 $0x8A80;
	s31 =	simm.s32 $0x1;
	s3 =	sand.u32 $0x1, s3  }
0x7: {  	s5 =	smul.u32 $0x14000, s19;
	[smem:$0x7FF] =	sst s7;
	s8 =	sadd.s32 $0x4E2E00, s2  }
0x8: {  	s10 =	smul.u32 $0x50000, s19;
	s23 =	sshll.u32 s19, $0x6;
	p0 =	sgt.u32 s19, $0x1  }
0x9: {  	s4 =	smul.u32 $0x140000, s3;
	_ =	strace $0x80000047;
	s9 =	ssub.s32 $0x2, s3  }
0xa: {  	s21 =	sshll.u32 s3, $0x4;
	s3 =	sshll.u32 s3, $0x1;
	s22 =	sshrl.u32 s9, $0x1  }
0xb: {  	s10 =	sshrl.u32 s10, $0x2;
	s4 =	sadd.s32 s5, s4;
	s5 =	sor.u32 s19, s21  }
0xc: {  	s3 =	sadd.s32 s19, s3;
	s17 =	sadd.s32 s10, s6;
	s11 =	smul.u32 $0x27000, s5  }
0xd: {  	s10 =	sor.u32 $0x1C03, s23;
	s3 =	sor.u32 $0x9C0, s3;
	s12 =	smul.u32 $0x1D40, s5  }
0xe: {  	s23 =	simm.s32 $0x3;
	s4 =	sshrl.u32 s4, $0x3;
	s18 =	smul.u32 $0x60, s3  }
0xf: {  	s2 =	sadd.s32 s4, s2;
	s4 =	ssub.s32 s9, s22;
	s9 =	smul.u32 $0x4E, s5  }
0x10: {  	s25 =	sshll.u32 s3, $0xB;
	s3 =	sshll.u32 s3, $0x4;
	s5 =	smul.u32 $0x4E0, s5  }
0x11: {  	s3 =	sadd.s32 s1, s3;
	s22 =	sshrl.u32 s17, $0x3;
	s11 =	sadd.s32 s0, s11  }
0x12: {  	s12 =	sadd.s32 s8, s12;
	s26 =	sadd.s32 s8, s18;
	[dreg:$0x9] =	wrdreg s3  }
0x13: {  	s20 =	sadd.s32 $0xE00, s2;
	s21 =	smax.u32 s4, $0x1;
	s3 =	simm.s32 $0x80  }
.Ltmp0:
0x14: {  	s4 =	simm.s32 $0x2;
	s2 =	simm.s32 $0x0;
	(pc) =	sbr.rel .LBB2_1-.Ltmp0, $4  }
0x15: {  	s16 =	sor.u32 $0x1, s9;
	s13 =	sadd.s32 s1, s5;
	s5 =	sadd.s32 s0, s25  }
0x16: {  	[dreg:$0x8] =	wrdreg s26;
	s26 =	simm.s32 $0x8A00;
	s15 =	smul.u32 $0x60, s16  }
0x17: {  	s14 =	sshll.u32 s16, $0xB;
	s24 =	sshll.u32 s16, $0x4;
	[dreg:$0x7] =	wrdreg s5  }
0x18: {  	s14 =	sadd.s32 s0, s14;
	s16 =	sadd.s32 s1, s24;
	s15 =	sadd.s32 s8, s15  }
.LBB2_12:
0x19: {  	s2 =	sadd.s32 $0x1, s2  }
0x1a: {  	p1 =	sne.s32 s2, s21  }
.Ltmp1:
0x1b: {  	[bflag:$0x0] =	sbarrier.arrive $0xFFFF;
	(pc) =	sbr.rel @!p1 .LBB2_13-.Ltmp1, $4  }
0x1c: {  	[hbm:s20], [sflag:s10] =	dma.local [spmem:s22], $0x2800  }
0x1d: {  	_ =	swait.ge [sflag:s23], $0x2800  }
0x1e: {  	[sflag:s23] =	ssyncset.done $0x0  }
0x1f: {  	[sflag:s23] =	ssyncadd.s32 $0xFFFFD800  }
.LBB2_1:
0x20: {  	s5 =	rddreg [dreg:$0x4]  }
0x21: {  	[spmem:s22], [sflag:s10] =	dma.local [hbm:s5], $0x2800  }
0x22: {  	_ =	swait.ge [sflag:s23], $0x2800  }
0x23: {  	[sflag:s23] =	ssyncset.done $0x0  }
0x24: {  	[sflag:s23] =	ssyncadd.s32 $0xFFFFD800  }
0x25: {  	s17 =	simm.s32 $0x8700;
	s24 =	rddreg [dreg:$0x3]  }
0x26: {  	[tilespmem:s17], [sflag:$0x3] =	stream.linear.gather [hbm4b:s24+s7], $0x300, $0x38;
	[tilespmem:$0x1CB00] =	vst v63  }
0x27: {  	_ =	swait.ge [sflag:s23], $0x300  }
0x28: {  	[sflag:s23] =	ssyncset.done $0x0  }
0x29: {  	[sflag:s23] =	ssyncadd.s32 $0xFFFFFD00  }
0x2a: {  	[bflag:$0x0] =	sbarrier.arrive $0xFFFF  }
0x2b: {  	v0 =	vld [tilespmem:$0x8780];
	_ =	sdelay $0x4  }
0x2c: {  	[tilespmem:$0x1FD00] =	vst v0;
	v0 =	vld [tilespmem:$0x8990];
	_ =	sdelay $0x4  }
0x2d: {  	[tilespmem:$0x1FD10] =	vst v0;
	v0 =	vld [tilespmem:$0x87A0];
	_ =	sdelay $0x4  }
0x2e: {  	[tilespmem:$0x1FD20] =	vst v0;
	v0 =	vld [tilespmem:$0x88A0];
	_ =	sdelay $0x4  }
0x2f: {  	[tilespmem:$0x1FD30] =	vst v0;
	v0 =	vld [tilespmem:$0x8920];
	_ =	sdelay $0x4  }
0x30: {  	[tilespmem:$0x1FD40] =	vst v0;
	v0 =	vld [tilespmem:$0x89A0];
	_ =	sdelay $0x4  }
0x31: {  	[tilespmem:$0x1FD50] =	vst v0;
	v0 =	vld [tilespmem:$0x88B0];
	_ =	sdelay $0x4  }
0x32: {  	[tilespmem:$0x1FD60] =	vst v0;
	v0 =	vld [tilespmem:$0x8930];
	_ =	sdelay $0x4  }
0x33: {  	[tilespmem:$0x1FD70] =	vst v0;
	v0 =	vld [tilespmem:$0x89B0];
	_ =	sdelay $0x4  }
0x34: {  	[tilespmem:$0x1FD80] =	vst v0;
	v0 =	vld [tilespmem:$0x8840];
	_ =	sdelay $0x4  }
0x35: {  	[tilespmem:$0x1FD90] =	vst v0;
	v0 =	vld [tilespmem:$0x88C0];
	_ =	sdelay $0x4  }
0x36: {  	[tilespmem:$0x1FDA0] =	vst v0;
	v0 =	vld [tilespmem:$0x8940];
	_ =	sdelay $0x4  }
0x37: {  	[tilespmem:$0x1FDB0] =	vst v0;
	v0 =	vld [tilespmem:$0x89C0];
	_ =	sdelay $0x4  }
0x38: {  	[tilespmem:$0x1FDC0] =	vst v0;
	v0 =	vld [tilespmem:$0x8850];
	_ =	sdelay $0x4  }
0x39: {  	[tilespmem:$0x1FDD0] =	vst v0;
	v0 =	vld [tilespmem:$0x88D0];
	_ =	sdelay $0x2  }
0x3a: {  	v55 =	vld [tilespmem:$0x8700]  }
0x3b: {  	v62 =	vld [tilespmem:$0x8980]  }
0x3c: {  	[tilespmem:$0x1FDE0] =	vst v0;
	v0 =	vld [tilespmem:$0x8950]  }
0x3d: {  	v57 =	vld [tilespmem:$0x8710]  }
0x3e: {  	v58 =	vld [tilespmem:$0x8790]  }
0x3f: {  	v59 =	vld [tilespmem:$0x8720];
	[tilespmem:$0x1FE60] =	vst v55  }
0x40: {  	v6 =	vld [tilespmem:$0x8770];
	[tilespmem:$0x1FE70] =	vst v62  }
0x41: {  	[tilespmem:$0x1FDF0] =	vst v0;
	v0 =	vld [tilespmem:$0x89D0]  }
0x42: {  	v11 =	vld [tilespmem:$0x87F0];
	[tilespmem:$0x1FE80] =	vst v57  }
0x43: {  	v47 =	vld [tilespmem:$0x8870];
	[tilespmem:$0x1FE90] =	vst v58  }
0x44: {  	v46 =	vld [tilespmem:$0x88F0];
	[tilespmem:$0x1FEA0] =	vst v59  }
0x45: {  	v27 =	vld [tilespmem:$0x89F0];
	[tilespmem:$0x1FEB0] =	vst v6  }
0x46: {  	[tilespmem:$0x1FE00] =	vst v0;
	v0 =	vld [tilespmem:$0x8860]  }
0x47: {  	v28 =	vld [tilespmem:$0x8740];
	[tilespmem:$0x1FEC0] =	vst v11  }
0x48: {  	v29 =	vld [tilespmem:$0x87C0];
	[tilespmem:$0x1FED0] =	vst v47  }
0x49: {  	v30 =	vld [tilespmem:$0x8750];
	[tilespmem:$0x1FEE0] =	vst v46  }
0x4a: {  	v43 =	vld [tilespmem:$0x87E0];
	[tilespmem:$0x1FEF0] =	vst v27  }
0x4b: {  	[tilespmem:$0x1FE10] =	vst v0;
	v0 =	vld [tilespmem:$0x88E0]  }
0x4c: {  	v49 =	vld [tilespmem:$0x87D0];
	[tilespmem:$0x1FF00] =	vst v28  }
0x4d: {  	v50 =	vld [tilespmem:$0x8760];
	[tilespmem:$0x1FF10] =	vst v29  }
0x4e: {  	v51 =	vld [tilespmem:$0x8730];
	[tilespmem:$0x1FF20] =	vst v30  }
0x4f: {  	v52 =	vld [tilespmem:$0x8830];
	[tilespmem:$0x1FF30] =	vst v43  }
0x50: {  	[tilespmem:$0x1FE20] =	vst v0;
	v0 =	vld [tilespmem:$0x8960]  }
0x51: {  	v63 =	vld [tilespmem:$0x87B0];
	[tilespmem:$0x1FF40] =	vst v49  }
0x52: {  	v4 =	vld [tilespmem:$0x8900];
	[tilespmem:$0x1FF50] =	vst v50  }
0x53: {  	v54 =	vld [tilespmem:$0x8910];
	[tilespmem:$0x1FF60] =	vst v51  }
0x54: {  	v3 =	vld [tilespmem:$0x8800];
	[tilespmem:$0x1FF70] =	vst v52  }
0x55: {  	[tilespmem:$0x1FE30] =	vst v0;
	v0 =	vld [tilespmem:$0x89E0]  }
0x56: {  	v2 =	vld [tilespmem:$0x8880];
	[tilespmem:$0x1FF80] =	vst v63  }
0x57: {  	v44 =	vld [tilespmem:$0x8810];
	[tilespmem:$0x1FF90] =	vst v4  }
0x58: {  	v1 =	vld [tilespmem:$0x8890];
	[tilespmem:$0x1FFA0] =	vst v54  }
0x59: {  	v60 =	vld [tilespmem:$0x8820];
	[tilespmem:$0x1FFB0] =	vst v3  }
0x5a: {  	[tilespmem:$0x1FE40] =	vst v0;
	v0 =	vld [tilespmem:$0x8970];
	[tilespmem:s7], [sflag:$0x1] =	stream.linear.gather [hbm4b:s11+s7], $0x4000, $0x38  }
0x5b: {  	s25 =	simm.s32 $0x8000;
	[tilespmem:$0x1FFC0] =	vst v2  }
0x5c: {  	[tilespmem:s25], [sflag:$0x1] =	stream.linear.gather [hbm4b:s12+s7], $0x300, $0x38;
	[tilespmem:$0x1CB00] =	vst v63  }
0x5d: {  	[tilespmem:$0x1FFD0] =	vst v44  }
0x5e: {  	[tilespmem:s26], [sflag:$0x1] =	stream.linear.gather [hbm4b:s13+s7], $0x80, $0x38;
	[tilespmem:$0x1CB00] =	vst v63  }
0x5f: {  	[tilespmem:$0x1FFE0] =	vst v1  }
0x60: {  	[tilespmem:s28], [sflag:$0x2] =	stream.linear.gather [hbm4b:s14+s7], $0x4000, $0x38;
	[tilespmem:$0x1CB00] =	vst v63  }
0x61: {  	[tilespmem:$0x1FFF0] =	vst v60  }
0x62: {  	[tilespmem:s29], [sflag:$0x2] =	stream.linear.gather [hbm4b:s15+s7], $0x300, $0x38;
	[tilespmem:$0x1CB00] =	vst v63  }
0x63: {  	s5 =	simm.s32 $0x0;
	[tilespmem:$0x1FE50] =	vst v0  }
0x64: {  	[tilespmem:s30], [sflag:$0x2] =	stream.linear.gather [hbm4b:s16+s7], $0x80, $0x38;
	[tilespmem:$0x1CB00] =	vst v63  }
.LBB2_2:
0x65: {  	_ =	swait.ge [sflag:s31], $0x4000  }
0x66: {  	[sflag:s31] =	ssyncset.done $0x0  }
0x67: {  	[sflag:s31] =	ssyncadd.s32 $0xFFFFC000  }
0x68: {  	_ =	swait.ge [sflag:s31], $0x300  }
0x69: {  	[sflag:s31] =	ssyncset.done $0x0  }
0x6a: {  	[sflag:s31] =	ssyncadd.s32 $0xFFFFFD00  }
0x6b: {  	_ =	swait.ge [sflag:s31], $0x80  }
0x6c: {  	[sflag:s31] =	ssyncset.done $0x0  }
0x6d: {  	s17 =	simm.s32 $0x800C;
	[sflag:s31] =	ssyncadd.s32 $0xFFFFFF80  }
0x6e: {  	v0 =	vld [tilespmem:s17+$0x6]  }
0x6f: {  	v14 =	vld [tilespmem:s17+$0xFFFFFFFA];
	_ =	sdelay $0x3  }
0x70: {  	v8 =	vbroadcast v0, $0x0;
	v9 =	vbroadcast v0, $0x1  }
0x71: {  	[tilespmem:$0x1FCC0] =	vst v14;
	v10 =	vbroadcast v14, $0x0;
	v7 =	vbroadcast v0, $0x2  }
0x72: {  	v14 =	vbroadcast v14, $0x1;
	v22 =	vbroadcast v0, $0x5;
	v4 =	vld [tilespmem:s17+$0xFFFFFFF4]  }
0x73: {  	v17 =	vld [tilespmem:s17+$0x0];
	v2 =	vmul.f32 v8, v6;
	v5 =	vmul.f32 v9, v11  }
0x74: {  	v39 =	vmovc v6;
	v48 =	vmov v29;
	v6 =	vbroadcast v0, $0x3;
	v13 =	vmul.f32 v7, v47  }
0x75: {  	v56 =	vld [tilespmem:$0x1FD00];
	v33 =	vmul.f32 v14, v48;
	v31 =	vmul.f32 v14, v49  }
0x76: {  	v54 =	vld [tilespmem:$0x1FD20];
	v32 =	vmul.f32 v14, v43;
	v2 =	vadd.f32 v5, v2;
	v5 =	vbroadcast v0, $0x4  }
0x77: {  	v40 =	vmov v11;
	v11 =	vbroadcast v4, $0x0;
	v12 =	vbroadcast v4, $0x1  }
0x78: {  	v15 =	vbroadcast v17, $0x0;
	v2 =	vadd.f32 v2, v13;
	v13 =	vmul.f32 v6, v46  }
0x79: {  	[tilespmem:$0x1FCD0] =	vst v17;
	v17 =	vbroadcast v17, $0x1;
	v16 =	vmul.f32 v11, v55  }
0x7a: {  	v18 =	vmul.f32 v12, v56;
	v19 =	vmul.f32 v11, v57  }
0x7b: {  	v21 =	vmul.f32 v12, v58;
	v23 =	vmul.f32 v12, v54  }
0x7c: {  	v0 =	vld [tilespmem:$0x1FE50];
	v24 =	vmul.f32 v11, v51;
	v25 =	vmul.f32 v12, v63  }
0x7d: {  	v26 =	vmul.f32 v11, v30;
	v36 =	vmul.f32 v17, v56  }
0x7e: {  	v45 =	vmul.f32 v17, v58;
	v53 =	vmul.f32 v15, v59  }
0x7f: {  	v42 =	vmov v28;
	v34 =	vmul.f32 v17, v54;
	v35 =	vmul.f32 v17, v63  }
0x80: {  	v41 =	vmul.f32 v15, v42;
	v37 =	vmul.f32 v17, v49  }
0x81: {  	v2 =	vadd.f32 v2, v13;
	v38 =	vmul.f32 v17, v43;
	v13 =	vmul.f32 v5, v0  }
0x82: {  	v16 =	vadd.f32 v18, v16;
	v18 =	vmul.f32 v12, v29;
	v24 =	vadd.f32 v25, v24  }
0x83: {  	s24 =	simm.s32 $0x100;
	[tilespmem:$0x1FCF0] =	vst v22;
	v25 =	vmul.f32 v14, v56;
	v2 =	vadd.f32 v2, v13;
	v13 =	vmul.f32 v22, v27  }
0x84: {  	v20 =	vld [tilespmem:s24+$0xF0];
	v19 =	vadd.f32 v21, v19;
	v29 =	vmul.f32 v14, v63;
	v22 =	vmul.f32 v11, v59  }
0x85: {  	v27 =	vmul.f32 v14, v58;
	v2 =	vadd.f32 v2, v13;
	v13 =	vmul.f32 v11, v28  }
0x86: {  	v21 =	vadd.f32 v23, v22;
	v22 =	vmul.f32 v11, v50;
	v23 =	vmul.f32 v12, v43  }
0x87: {  	v11 =	vmul.f32 v11, v39;
	v28 =	vmul.f32 v14, v54  }
0x88: {  	v14 =	vmul.f32 v14, v40;
	v54 =	vmul.f32 v9, v54  }
0x89: {  	v2 =	vmul.f32 v20, v2;
	v20 =	vmul.f32 v12, v49  }
0x8a: {  	v12 =	vmul.f32 v12, v40;
	v13 =	vadd.f32 v18, v13;
	v18 =	vmul.f32 v10, v55  }
0x8b: {  	v22 =	vadd.f32 v23, v22;
	v23 =	vmul.f32 v10, v59;
	v20 =	vadd.f32 v20, v26  }
0x8c: {  	v26 =	vmul.f32 v10, v57;
	v11 =	vadd.f32 v12, v11;
	v12 =	vmul.f32 v10, v51  }
0x8d: {  	v18 =	vadd.f32 v25, v18;
	v25 =	vmul.f32 v10, v42;
	v23 =	vadd.f32 v28, v23  }
0x8e: {  	v28 =	vmul.f32 v10, v50;
	v26 =	vadd.f32 v27, v26;
	v27 =	vmul.f32 v10, v30  }
0x8f: {  	v12 =	vadd.f32 v29, v12;
	v10 =	vmul.f32 v10, v39;
	v25 =	vadd.f32 v33, v25  }
0x90: {  	v29 =	vmul.f32 v15, v55;
	v28 =	vadd.f32 v32, v28;
	v32 =	vadd.f32 v34, v53  }
0x91: {  	v53 =	vmul.f32 v15, v50;
	v27 =	vadd.f32 v31, v27;
	v31 =	vmul.f32 v15, v57  }
0x92: {  	v10 =	vadd.f32 v14, v10;
	v14 =	vmul.f32 v15, v51;
	v29 =	vadd.f32 v36, v29  }
0x93: {  	v36 =	vmul.f32 v17, v48;
	v17 =	vmul.f32 v17, v40;
	v34 =	vadd.f32 v38, v53  }
0x94: {  	v53 =	vmul.f32 v8, v59;
	v40 =	vbroadcast v4, $0x2;
	v31 =	vadd.f32 v45, v31  }
0x95: {  	v45 =	vmul.f32 v15, v30;
	v14 =	vadd.f32 v35, v14;
	v15 =	vmul.f32 v15, v39  }
0x96: {  	[tilespmem:$0x1FCE0] =	vst v2;
	v2 =	vadd.f32 v36, v41;
	v35 =	vmul.f32 v8, v55;
	v36 =	vmul.f32 v9, v56  }
0x97: {  	v56 =	vmul.f32 v9, v63;
	v63 =	vmul.f32 v9, v48;
	v38 =	vadd.f32 v54, v53;
	v54 =	vld [tilespmem:$0x1FCC0]  }
0x98: {  	v39 =	vmul.f32 v8, v30;
	v30 =	vld [tilespmem:$0x1FD90];
	v33 =	vadd.f32 v37, v45;
	v37 =	vmul.f32 v8, v57  }
0x99: {  	v45 =	vmul.f32 v9, v58;
	v15 =	vadd.f32 v17, v15;
	v17 =	vmul.f32 v8, v51  }
0x9a: {  	v35 =	vadd.f32 v36, v35;
	v36 =	vmul.f32 v8, v42;
	v8 =	vmul.f32 v8, v50  }
0x9b: {  	v50 =	vmul.f32 v40, v52;
	v37 =	vadd.f32 v45, v37;
	v45 =	vmul.f32 v9, v49  }
0x9c: {  	v17 =	vadd.f32 v56, v17;
	v9 =	vmul.f32 v9, v43;
	v43 =	vmul.f32 v40, v3  }
0x9d: {  	v36 =	vadd.f32 v63, v36;
	v63 =	vld [tilespmem:$0x1FCD0];
	v41 =	vbroadcast v54, $0x2;
	v49 =	vmul.f32 v40, v30  }
0x9e: {  	v39 =	vadd.f32 v45, v39;
	v45 =	vmul.f32 v40, v44;
	v16 =	vadd.f32 v16, v43;
	v43 =	vld [tilespmem:$0x1FDD0]  }
0x9f: {  	v0 =	vmovc v52;
	v8 =	vadd.f32 v9, v8;
	v9 =	vmul.f32 v40, v60;
	v52 =	vmul.f32 v41, v44  }
0xa0: {  	v24 =	vadd.f32 v24, v50;
	v50 =	vmul.f32 v41, v60;
	v53 =	vmul.f32 v41, v0  }
0xa1: {  	v13 =	vadd.f32 v13, v49;
	v49 =	vmul.f32 v41, v30;
	v19 =	vadd.f32 v19, v45;
	v45 =	vld [tilespmem:$0x1FE10]  }
0xa2: {  	v9 =	vadd.f32 v21, v9;
	v21 =	vmul.f32 v41, v3;
	v42 =	vbroadcast v63, $0x2  }
0xa3: {  	v26 =	vadd.f32 v26, v52;
	v23 =	vadd.f32 v23, v50;
	v51 =	vmul.f32 v40, v43  }
0xa4: {  	v18 =	vadd.f32 v18, v21;
	v21 =	vmul.f32 v42, v44;
	v52 =	vmul.f32 v42, v60  }
0xa5: {  	v12 =	vadd.f32 v12, v53;
	v50 =	vmul.f32 v42, v0;
	v53 =	vmul.f32 v42, v30  }
0xa6: {  	v25 =	vadd.f32 v25, v49;
	v49 =	vmul.f32 v42, v43;
	v56 =	vmul.f32 v40, v45  }
0xa7: {  	v40 =	vmul.f32 v40, v47;
	v20 =	vadd.f32 v20, v51;
	v51 =	vmul.f32 v41, v43  }
0xa8: {  	v48 =	vmul.f32 v41, v45;
	v41 =	vmul.f32 v41, v47  }
0xa9: {  	v21 =	vadd.f32 v31, v21;
	v31 =	vmul.f32 v7, v0;
	v32 =	vadd.f32 v32, v52  }
0xaa: {  	v33 =	vadd.f32 v33, v49;
	v49 =	vbroadcast v54, $0x3;
	v22 =	vadd.f32 v22, v56  }
0xab: {  	v11 =	vadd.f32 v11, v40;
	v56 =	vmul.f32 v42, v3;
	v27 =	vadd.f32 v27, v51  }
0xac: {  	v51 =	vmul.f32 v42, v45;
	v42 =	vmul.f32 v42, v47;
	v28 =	vadd.f32 v28, v48  }
0xad: {  	v0 =	vld [tilespmem:$0x1FD30];
	v48 =	vmul.f32 v7, v3;
	v10 =	vadd.f32 v10, v41;
	v41 =	vmul.f32 v7, v44  }
0xae: {  	v47 =	vmul.f32 v7, v43;
	v3 =	vld [tilespmem:$0x1FFC0];
	v17 =	vadd.f32 v17, v31;
	v29 =	vadd.f32 v29, v56  }
0xaf: {  	v43 =	vld [tilespmem:$0x1FDE0];
	v56 =	vmul.f32 v7, v60;
	v60 =	vmul.f32 v7, v30;
	v30 =	vadd.f32 v2, v53  }
0xb0: {  	v44 =	vld [tilespmem:$0x1FE20];
	v53 =	vbroadcast v4, $0x3;
	v7 =	vmul.f32 v7, v45;
	v34 =	vadd.f32 v34, v51  }
0xb1: {  	v51 =	vbroadcast v63, $0x3;
	v15 =	vadd.f32 v15, v42;
	v35 =	vadd.f32 v35, v48  }
0xb2: {  	v37 =	vadd.f32 v37, v41;
	v2 =	vld [tilespmem:$0x1FDA0];
	v39 =	vadd.f32 v39, v47;
	v48 =	vmul.f32 v53, v1  }
0xb3: {  	v41 =	vmul.f32 v53, v0;
	v38 =	vadd.f32 v38, v56;
	v36 =	vadd.f32 v36, v60  }
0xb4: {  	v7 =	vadd.f32 v8, v7;
	v42 =	vmul.f32 v53, v3;
	v56 =	vmul.f32 v53, v43  }
0xb5: {  	v60 =	vmul.f32 v53, v44;
	v52 =	vmul.f32 v49, v44;
	v19 =	vadd.f32 v19, v48  }
0xb6: {  	v61 =	vmovc v1;
	v1 =	vld [tilespmem:$0x1FD60];
	v48 =	vmul.f32 v49, v0;
	v9 =	vadd.f32 v9, v41;
	v41 =	vbroadcast v63, $0x4  }
0xb7: {  	v31 =	vmul.f32 v53, v2;
	v8 =	vadd.f32 v16, v42;
	v16 =	vmul.f32 v49, v3  }
0xb8: {  	v42 =	vmul.f32 v49, v61;
	v47 =	vmul.f32 v49, v2;
	v20 =	vadd.f32 v20, v56  }
0xb9: {  	v22 =	vadd.f32 v22, v60;
	v56 =	vmul.f32 v51, v3;
	v60 =	vmul.f32 v51, v61  }
0xba: {  	v28 =	vadd.f32 v28, v52;
	v52 =	vmul.f32 v6, v61;
	v61 =	vbroadcast v4, $0x4  }
0xbb: {  	v23 =	vadd.f32 v23, v48;
	v48 =	vmul.f32 v51, v2;
	v40 =	vmul.f32 v53, v1  }
0xbc: {  	v14 =	vadd.f32 v14, v50;
	v53 =	vmul.f32 v53, v46;
	v45 =	vmul.f32 v49, v1  }
0xbd: {  	v13 =	vadd.f32 v13, v31;
	v31 =	vmul.f32 v49, v43;
	v49 =	vmul.f32 v49, v46  }
0xbe: {  	v16 =	vadd.f32 v18, v16;
	v18 =	vmul.f32 v51, v0;
	v26 =	vadd.f32 v26, v42  }
0xbf: {  	v42 =	vmul.f32 v51, v1;
	v25 =	vadd.f32 v25, v47;
	v29 =	vadd.f32 v29, v56  }
0xc0: {  	v47 =	vmul.f32 v51, v44;
	v21 =	vadd.f32 v21, v60;
	v37 =	vadd.f32 v37, v52  }
0xc1: {  	v56 =	vmul.f32 v6, v1;
	v1 =	vld [tilespmem:$0x1FD70];
	v30 =	vadd.f32 v30, v48;
	v24 =	vadd.f32 v24, v40  }
0xc2: {  	v60 =	vmul.f32 v6, v2;
	v2 =	vld [tilespmem:$0x1FDB0];
	v11 =	vadd.f32 v11, v53;
	v12 =	vadd.f32 v12, v45  }
0xc3: {  	v45 =	vmul.f32 v51, v43;
	v51 =	vmul.f32 v51, v46;
	v27 =	vadd.f32 v27, v31;
	v46 =	vld [tilespmem:$0x1FFA0]  }
0xc4: {  	v31 =	vmul.f32 v6, v3;
	v10 =	vadd.f32 v10, v49;
	v49 =	vmul.f32 v6, v0;
	v0 =	vld [tilespmem:$0x1FD40]  }
0xc5: {  	v18 =	vadd.f32 v32, v18;
	v32 =	vmul.f32 v6, v43;
	v14 =	vadd.f32 v14, v42;
	v43 =	vld [tilespmem:$0x1FDF0]  }
0xc6: {  	v6 =	vmul.f32 v6, v44;
	v34 =	vadd.f32 v34, v47;
	v17 =	vadd.f32 v17, v56;
	v44 =	vld [tilespmem:$0x1FE30]  }
0xc7: {  	v4 =	vbroadcast v4, $0x5;
	v36 =	vadd.f32 v36, v60;
	v3 =	vld [tilespmem:$0x1FE50];
	v33 =	vadd.f32 v33, v45  }
0xc8: {  	v48 =	vbroadcast v54, $0x4;
	v15 =	vadd.f32 v15, v51;
	v31 =	vadd.f32 v35, v31  }
0xc9: {  	v45 =	vld [tilespmem:$0x1FF90];
	v38 =	vadd.f32 v38, v49;
	v52 =	vmul.f32 v61, v1;
	v49 =	vmul.f32 v61, v2  }
0xca: {  	v32 =	vadd.f32 v39, v32;
	v47 =	vmul.f32 v48, v2;
	v51 =	vmul.f32 v61, v46  }
0xcb: {  	v6 =	vadd.f32 v7, v6;
	v35 =	vmul.f32 v61, v0;
	v56 =	vmul.f32 v61, v43  }
0xcc: {  	v60 =	vmul.f32 v61, v44;
	v42 =	vmul.f32 v61, v3;
	v24 =	vadd.f32 v24, v52  }
0xcd: {  	v52 =	vmul.f32 v48, v43;
	v13 =	vadd.f32 v13, v49;
	v49 =	vmul.f32 v48, v44  }
0xce: {  	v53 =	vmul.f32 v41, v46;
	v25 =	vadd.f32 v25, v47;
	v40 =	vmul.f32 v61, v45  }
0xcf: {  	v61 =	vmul.f32 v48, v45;
	v19 =	vadd.f32 v19, v51;
	v51 =	vmul.f32 v48, v1  }
0xd0: {  	v9 =	vadd.f32 v9, v35;
	v20 =	vadd.f32 v20, v56;
	v56 =	vmul.f32 v41, v45  }
0xd1: {  	v22 =	vadd.f32 v22, v60;
	v11 =	vadd.f32 v11, v42;
	v60 =	vmul.f32 v41, v0  }
0xd2: {  	v47 =	vmul.f32 v5, v45;
	v27 =	vadd.f32 v27, v52;
	v52 =	vmul.f32 v5, v46  }
0xd3: {  	v28 =	vadd.f32 v28, v49;
	v49 =	vmul.f32 v5, v0;
	v21 =	vadd.f32 v21, v53  }
0xd4: {  	v53 =	vmul.f32 v5, v43;
	v42 =	vmul.f32 v4, v62;
	v35 =	vld [tilespmem:s24+$0xFFFFFF20];
	v7 =	vadd.f32 v8, v40  }
0xd5: {  	v8 =	vmul.f32 v48, v46;
	v40 =	vmul.f32 v48, v0;
	v16 =	vadd.f32 v16, v61;
	v0 =	vld [tilespmem:$0x1FD50]  }
0xd6: {  	v48 =	vmul.f32 v48, v3;
	v12 =	vadd.f32 v12, v51;
	v29 =	vadd.f32 v29, v56;
	v46 =	vld [tilespmem:$0x1FD80]  }
0xd7: {  	v61 =	vmul.f32 v41, v1;
	v18 =	vadd.f32 v18, v60;
	v38 =	vadd.f32 v38, v49;
	v49 =	vld [tilespmem:s24+$0xFFFFFF30]  }
0xd8: {  	v56 =	vmul.f32 v5, v2;
	v31 =	vadd.f32 v31, v47;
	v37 =	vadd.f32 v37, v52;
	v47 =	vld [tilespmem:$0x1FDC0]  }
0xd9: {  	v51 =	vmul.f32 v41, v44;
	v32 =	vadd.f32 v32, v53;
	v14 =	vadd.f32 v14, v61;
	v61 =	vld [tilespmem:$0x1FD10]  }
0xda: {  	v8 =	vadd.f32 v26, v8;
	v26 =	vmul.f32 v41, v2;
	v36 =	vadd.f32 v36, v56;
	v56 =	vld [tilespmem:$0x1FE00]  }
0xdb: {  	v23 =	vadd.f32 v23, v40;
	v40 =	vmul.f32 v41, v43;
	v60 =	vadd.f32 v34, v51;
	v34 =	vld [tilespmem:$0x1FE40]  }
0xdc: {  	v41 =	vmul.f32 v41, v3;
	v10 =	vadd.f32 v10, v48;
	v48 =	vmul.f32 v5, v1;
	v2 =	vld [tilespmem:$0x1FEF0]  }
0xdd: {  	v5 =	vmul.f32 v5, v44;
	v3 =	vbroadcast v54, $0x5;
	v7 =	vadd.f32 v7, v42;
	v42 =	vld [tilespmem:s24+$0xFFFFFF60]  }
0xde: {  	v54 =	vld [tilespmem:s24+$0xFFFFFFB0];
	v1 =	vbroadcast v63, $0x5;
	v26 =	vadd.f32 v30, v26;
	v33 =	vadd.f32 v33, v40  }
0xdf: {  	v43 =	vld [tilespmem:s24+$0x20];
	v15 =	vadd.f32 v15, v41;
	v51 =	vmul.f32 v4, v0;
	v41 =	vmul.f32 v4, v46  }
0xe0: {  	v30 =	vld [tilespmem:s24+$0xFFFFFF00];
	v45 =	vadd.f32 v17, v48;
	v52 =	vmul.f32 v4, v47;
	v39 =	vmul.f32 v4, v61  }
0xe1: {  	v40 =	vld [tilespmem:s24+$0xFFFFFF10];
	v5 =	vadd.f32 v6, v5;
	v50 =	vmul.f32 v4, v56;
	v53 =	vmul.f32 v4, v34  }
0xe2: {  	v48 =	vld [tilespmem:s24+$0xFFFFFF40];
	v4 =	vmul.f32 v4, v2;
	v9 =	vadd.f32 v9, v51;
	v24 =	vadd.f32 v24, v41  }
0xe3: {  	v6 =	vld [tilespmem:s24+$0xFFFFFF50];
	v44 =	vmul.f32 v3, v61;
	v13 =	vadd.f32 v13, v52;
	v63 =	vmul.f32 v3, v34  }
0xe4: {  	v51 =	vld [tilespmem:s24+$0xFFFFFF70];
	v19 =	vadd.f32 v19, v39;
	v39 =	vmul.f32 v3, v62;
	v20 =	vadd.f32 v20, v50  }
0xe5: {  	v52 =	vld [tilespmem:s24+$0xFFFFFF80];
	v50 =	vmul.f32 v3, v0;
	v22 =	vadd.f32 v22, v53;
	v4 =	vadd.f32 v11, v4  }
0xe6: {  	v41 =	vld [tilespmem:s24+$0x10];
	v11 =	vmul.f32 v3, v46;
	v8 =	vadd.f32 v8, v44;
	v44 =	vmul.f32 v3, v47  }
0xe7: {  	v53 =	vld [tilespmem:s24+$0xFFFFFF90];
	v7 =	vmul.f32 v7, v30;
	v28 =	vadd.f32 v28, v63;
	v9 =	vmul.f32 v9, v35  }
0xe8: {  	v30 =	vld [tilespmem:s24+$0xFFFFFFC0];
	v24 =	vmul.f32 v49, v24;
	v63 =	vmul.f32 v1, v61;
	v16 =	vadd.f32 v16, v39  }
0xe9: {  	v35 =	vld [tilespmem:s24+$0x0];
	v13 =	vmul.f32 v48, v13;
	v23 =	vadd.f32 v23, v50;
	v11 =	vadd.f32 v12, v11  }
0xea: {  	v39 =	vld [tilespmem:s24+$0xFFFFFFA0];
	v12 =	vmul.f32 v3, v56;
	v25 =	vadd.f32 v25, v44;
	v19 =	vmul.f32 v19, v40  }
0xeb: {  	v3 =	vmul.f32 v3, v2;
	v44 =	vmul.f32 v1, v62;
	v50 =	vmov v2;
	v2 =	vld [tilespmem:$0x1FCE0];
	[tilespmem:s24+$0xFFFFFF00] =	vst v7  }
0xec: {  	v40 =	vld [tilespmem:s24+$0xFFFFFFE0];
	v6 =	vmul.f32 v6, v20;
	v20 =	vmul.f32 v1, v46;
	[tilespmem:s24+$0xFFFFFF10] =	vst v19  }
0xed: {  	v12 =	vadd.f32 v27, v12;
	v27 =	vld [tilespmem:s24+$0xFFFFFFD0];
	v29 =	vadd.f32 v29, v44;
	v44 =	vmul.f32 v1, v0;
	[tilespmem:s24+$0xFFFFFF20] =	vst v9  }
0xee: {  	v4 =	vmul.f32 v51, v4;
	v3 =	vadd.f32 v10, v3;
	v10 =	vld [tilespmem:s24+$0xFFFFFFF0];
	v7 =	vmul.f32 v1, v47;
	[tilespmem:s24+$0xFFFFFF30] =	vst v24  }
0xef: {  	v9 =	vmul.f32 v1, v34;
	[tilespmem:s24+$0xFFFFFF40] =	vst v13;
	v11 =	vmul.f32 v54, v11;
	v17 =	vadd.f32 v18, v44;
	v44 =	vld [tilespmem:s24+$0x30]  }
0xf0: {  	v8 =	vmul.f32 v8, v53;
	v13 =	vmul.f32 v23, v39;
	[tilespmem:s24+$0xF0] =	vst v2;
	v2 =	vadd.f32 v21, v63;
	v63 =	vld [tilespmem:s24+$0x40]  }
0xf1: {  	v21 =	vmul.f32 v42, v22;
	v42 =	vadd.f32 v14, v20;
	v14 =	vmul.f32 v1, v56;
	v23 =	vld [tilespmem:$0x1FCF0];
	[tilespmem:s24+$0xFFFFFF50] =	vst v6  }
0xf2: {  	v18 =	vld [tilespmem:s24+$0x60];
	v22 =	vmul.f32 v16, v52;
	v1 =	vmul.f32 v1, v50;
	[tilespmem:s24+$0xFFFFFF70] =	vst v4  }
0xf3: {  	v26 =	vadd.f32 v26, v7;
	v16 =	vld [tilespmem:s24+$0x50];
	v10 =	vmul.f32 v10, v3;
	v4 =	vmul.f32 v40, v28;
	[tilespmem:s24+$0xFFFFFF90] =	vst v8  }
0xf4: {  	v28 =	vld [tilespmem:s24+$0xB0];
	[tilespmem:s24+$0xFFFFFFA0] =	vst v13;
	v8 =	vmul.f32 v29, v35;
	v7 =	vadd.f32 v33, v14;
	v14 =	vadd.f32 v60, v9  }
0xf5: {  	[tilespmem:s24+$0xFFFFFFB0] =	vst v11;
	v11 =	vld [tilespmem:s24+$0xD0];
	v9 =	vadd.f32 v15, v1;
	v15 =	vmul.f32 v30, v25;
	v25 =	vmul.f32 v27, v12  }
0xf6: {  	v33 =	vld [tilespmem:s24+$0x70];
	[tilespmem:s24+$0xFFFFFF60] =	vst v21;
	v12 =	vmul.f32 v2, v41;
	v2 =	vmul.f32 v63, v26  }
0xf7: {  	v30 =	vld [tilespmem:s24+$0x90];
	[tilespmem:s24+$0xFFFFFF80] =	vst v22;
	v19 =	vmul.f32 v23, v62;
	v1 =	vmul.f32 v23, v61  }
0xf8: {  	[tilespmem:s24+$0xFFFFFFC0] =	vst v15;
	v15 =	vld [tilespmem:s24+$0xE0];
	v6 =	vmul.f32 v23, v0;
	v3 =	vmul.f32 v23, v56;
	v0 =	vmov v23  }
0xf9: {  	v63 =	vld [tilespmem:$0x1FE50];
	v0 =	vmul.f32 v0, v34;
	v19 =	vadd.f32 v31, v19;
	v20 =	vadd.f32 v37, v1  }
0xfa: {  	v31 =	vld [tilespmem:s24+$0x80];
	v1 =	vmul.f32 v23, v46;
	v21 =	vadd.f32 v38, v6;
	v6 =	vmul.f32 v23, v47  }
0xfb: {  	v37 =	vld [tilespmem:s24+$0xA0];
	v24 =	vadd.f32 v32, v3;
	v3 =	vmul.f32 v17, v43;
	v0 =	vadd.f32 v5, v0  }
0xfc: {  	s18 =	simm.s32 $0x0;
	s19 =	simm.s32 $0x8024;
	s17 =	simm.s32 $0x100;
	v5 =	vmul.f32 v44, v42;
	v22 =	vadd.f32 v45, v1;
	v23 =	vadd.f32 v36, v6;
	v6 =	vld [tilespmem:s24+$0xC0]  }
.LBB2_3:
0xfd: {  	_ =	sdelay $0x2  }
0xfe: {  	[tilespmem:s24+$0xFFFFFFD0] =	vst v25  }
0xff: {  	v16 =	vmul.f32 v16, v7;
	v7 =	vld [tilespmem:s19+$0xFFFFFFFA];
	[tilespmem:s24+$0xFFFFFFE0] =	vst v4  }
0x100: {  	v13 =	vld [tilespmem:s19+$0x6];
	[tilespmem:s24+$0xFFFFFFF0] =	vst v10  }
0x101: {  	v4 =	vmul.f32 v33, v9;
	v9 =	vld [tilespmem:s19+$0x0];
	[tilespmem:s24+$0x0] =	vst v8  }
0x102: {  	v44 =	vld [tilespmem:$0x1FEB0];
	[tilespmem:s24+$0x10] =	vst v12  }
0x103: {  	v45 =	vld [tilespmem:$0x1FEC0];
	v17 =	vmul.f32 v18, v14;
	[tilespmem:s24+$0x20] =	vst v3  }
0x104: {  	v18 =	vmul.f32 v19, v31;
	v10 =	vmul.f32 v20, v30;
	[tilespmem:s24+$0x30] =	vst v5  }
0x105: {  	v8 =	vmul.f32 v28, v22;
	v0 =	vmul.f32 v15, v0;
	[tilespmem:s24+$0x40] =	vst v2;
	v33 =	vld [tilespmem:$0x1FED0]  }
0x106: {  	v22 =	vbroadcast v13, $0x0;
	v15 =	vbroadcast v13, $0x1;
	[tilespmem:s24+$0x50] =	vst v16  }
0x107: {  	v25 =	vmul.f32 v21, v37;
	v21 =	vbroadcast v13, $0x2;
	[tilespmem:s24+$0x60] =	vst v17  }
0x108: {  	[tilespmem:s24+$0x70] =	vst v4;
	v1 =	vmul.f32 v22, v44;
	v3 =	vmul.f32 v15, v45  }
0x109: {  	[tilespmem:s24+$0x80] =	vst v18  }
0x10a: {  	v23 =	vmul.f32 v6, v23;
	[tilespmem:s24+$0x90] =	vst v10;
	v3 =	vadd.f32 v3, v1;
	v6 =	vmul.f32 v21, v33  }
0x10b: {  	s24 =	sadd.s32 $0x200, s24;
	[tilespmem:$0x1FA90] =	vst v7;
	v12 =	vbroadcast v7, $0x0;
	v16 =	vbroadcast v7, $0x1;
	v7 =	vmov v9  }
0x10c: {  	v3 =	vadd.f32 v3, v6;
	v6 =	vbroadcast v7, $0x1;
	v7 =	vld [tilespmem:s24+$0xFFFFFF00];
	_ =	sdelay $0x4  }
0x10d: {  	[tilespmem:$0x1FAD0] =	vst v7;
	v7 =	vld [tilespmem:s24+$0xFFFFFF10];
	_ =	sdelay $0x3  }
0x10e: {  	[tilespmem:$0x1FAA0] =	vst v9;
	v1 =	vbroadcast v9, $0x0;
	v9 =	vld [tilespmem:$0x1FEE0]  }
0x10f: {  	[tilespmem:$0x1FAE0] =	vst v7;
	v7 =	vld [tilespmem:s24+$0xFFFFFF20];
	_ =	sdelay $0x2  }
0x110: {  	v20 =	vbroadcast v13, $0x3  }
0x111: {  	v14 =	vld [tilespmem:s19+$0xFFFFFFF4]  }
0x112: {  	v19 =	vbroadcast v13, $0x4;
	v4 =	vmul.f32 v20, v9;
	[tilespmem:$0x1FAF0] =	vst v7;
	v7 =	vld [tilespmem:s24+$0xFFFFFF40]  }
0x113: {  	v53 =	vld [tilespmem:$0x1FF00]  }
0x114: {  	v62 =	vld [tilespmem:$0x1FF10];
	v3 =	vadd.f32 v3, v4;
	v4 =	vmul.f32 v19, v63  }
0x115: {  	v18 =	vld [tilespmem:s24+$0xF0]  }
0x116: {  	v3 =	vadd.f32 v3, v4;
	v4 =	vld [tilespmem:$0x1FEF0]  }
0x117: {  	v2 =	vbroadcast v14, $0x0;
	[tilespmem:$0x1FB20] =	vst v7;
	v7 =	vld [tilespmem:s24+$0xFFFFFF50]  }
0x118: {  	[tilespmem:s17+$0xE0] =	vst v0;
	v0 =	vld [tilespmem:s24+$0xFFFFFF30]  }
0x119: {  	v47 =	vmov v55;
	v51 =	vbroadcast v13, $0x5;
	v17 =	vmul.f32 v2, v55;
	v55 =	vld [tilespmem:$0x1FF60]  }
0x11a: {  	v27 =	vmovc v59;
	v59 =	vmov v58;
	v58 =	vmov v57;
	v13 =	vmul.f32 v2, v57;
	v57 =	vld [tilespmem:$0x1FF80]  }
0x11b: {  	v32 =	vld [tilespmem:$0x1FF30];
	v5 =	vbroadcast v14, $0x1;
	v4 =	vmul.f32 v51, v4  }
0x11c: {  	v11 =	vmul.f32 v11, v24;
	[tilespmem:$0x1FB40] =	vst v7;
	v7 =	vld [tilespmem:$0x1FF50]  }
0x11d: {  	[tilespmem:$0x1FB00] =	vst v0;
	v0 =	vmul.f32 v2, v53;
	v3 =	vadd.f32 v3, v4;
	v4 =	vmul.f32 v5, v62;
	_ =	sdelay $0x1  }
0x11e: {  	[tilespmem:s17+$0xD0] =	vst v11;
	v11 =	vmul.f32 v2, v55;
	v26 =	vmul.f32 v5, v57;
	v0 =	vadd.f32 v4, v0;
	_ =	sdelay $0x1  }
0x11f: {  	v26 =	vadd.f32 v26, v11;
	[tilespmem:$0x1FAB0] =	vst v0;
	v0 =	vmul.f32 v5, v32;
	v11 =	vmul.f32 v2, v7;
	_ =	sdelay $0x1  }
0x120: {  	v29 =	vadd.f32 v0, v11;
	v0 =	vld [tilespmem:s24+$0xFFFFFF80]  }
0x121: {  	v46 =	vld [tilespmem:$0x1FD00]  }
0x122: {  	v56 =	vld [tilespmem:$0x1FD20]  }
0x123: {  	v60 =	vld [tilespmem:$0x1FF40]  }
0x124: {  	v63 =	vld [tilespmem:$0x1FF20]  }
0x125: {  	[tilespmem:$0x1FBA0] =	vst v0;
	v0 =	vld [tilespmem:s24+$0xFFFFFF90]  }
0x126: {  	v10 =	vmul.f32 v5, v46  }
0x127: {  	[tilespmem:s17+$0xB0] =	vst v8;
	v8 =	vmul.f32 v5, v59  }
0x128: {  	[tilespmem:s17+$0xC0] =	vst v23;
	v23 =	vadd.f32 v10, v17;
	v10 =	vmul.f32 v2, v27;
	v17 =	vmul.f32 v5, v56  }
0x129: {  	[tilespmem:s17+$0xA0] =	vst v25;
	v24 =	vadd.f32 v8, v13;
	v3 =	vmul.f32 v18, v3  }
0x12a: {  	v25 =	vadd.f32 v17, v10;
	v10 =	vmul.f32 v5, v60;
	v8 =	vmul.f32 v2, v63;
	[tilespmem:$0x1FBD0] =	vst v0;
	v0 =	vld [tilespmem:s24+$0xFFFFFFA0]  }
0x12b: {  	[tilespmem:s24+$0xF0] =	vst v3;
	v3 =	vmul.f32 v5, v45;
	v2 =	vmul.f32 v2, v44  }
0x12c: {  	v28 =	vadd.f32 v10, v8  }
0x12d: {  	v8 =	vmul.f32 v12, v58;
	v30 =	vadd.f32 v3, v2;
	v3 =	vmul.f32 v16, v59;
	_ =	sdelay $0x1  }
0x12e: {  	[tilespmem:$0x1FBE0] =	vst v0;
	v0 =	vadd.f32 v3, v8;
	_ =	sdelay $0x1  }
0x12f: {  	[tilespmem:$0x1FAC0] =	vst v0;
	v0 =	vld [tilespmem:s24+$0xFFFFFFB0];
	_ =	sdelay $0x4  }
0x130: {  	[tilespmem:$0x1FBF0] =	vst v0;
	v0 =	vld [tilespmem:s24+$0xFFFFFFC0];
	_ =	sdelay $0x4  }
0x131: {  	[tilespmem:$0x1FC00] =	vst v0;
	v0 =	vld [tilespmem:s24+$0xFFFFFFD0];
	_ =	sdelay $0x4  }
0x132: {  	[tilespmem:$0x1FC10] =	vst v0;
	v0 =	vld [tilespmem:s24+$0xFFFFFFE0];
	_ =	sdelay $0x4  }
0x133: {  	[tilespmem:$0x1FC20] =	vst v0;
	v0 =	vld [tilespmem:s24+$0xFFFFFFF0];
	_ =	sdelay $0x4  }
0x134: {  	[tilespmem:$0x1FC40] =	vst v0;
	v0 =	vld [tilespmem:s24+$0x0];
	_ =	sdelay $0x4  }
0x135: {  	[tilespmem:$0x1FC50] =	vst v0;
	v0 =	vld [tilespmem:s24+$0x10];
	_ =	sdelay $0x4  }
0x136: {  	[tilespmem:$0x1FC60] =	vst v0;
	v0 =	vld [tilespmem:s24+$0x20];
	_ =	sdelay $0x4  }
0x137: {  	[tilespmem:$0x1FC70] =	vst v0;
	v0 =	vld [tilespmem:s24+$0x30];
	_ =	sdelay $0x4  }
0x138: {  	[tilespmem:$0x1FCA0] =	vst v0;
	v0 =	vld [tilespmem:s24+$0x40];
	_ =	sdelay $0x4  }
0x139: {  	[tilespmem:$0x1FCB0] =	vst v0;
	v0 =	vld [tilespmem:s24+$0x50];
	_ =	sdelay $0x4  }
0x13a: {  	[tilespmem:$0x1FC80] =	vst v0;
	v0 =	vld [tilespmem:s24+$0x60]  }
0x13b: {  	v4 =	vld [tilespmem:s24+$0xFFFFFF60];
	_ =	sdelay $0x3  }
0x13c: {  	[tilespmem:$0x1FBB0] =	vst v0;
	v0 =	vld [tilespmem:s24+$0x70]  }
0x13d: {  	[tilespmem:$0x1FB70] =	vst v4;
	v4 =	vld [tilespmem:s24+$0xFFFFFF70];
	_ =	sdelay $0x2  }
0x13e: {  	v61 =	vmul.f32 v22, v47;
	v38 =	vmul.f32 v12, v44  }
0x13f: {  	v41 =	vmul.f32 v1, v27;
	v49 =	vmul.f32 v1, v53;
	[tilespmem:$0x1FB10] =	vst v0;
	v0 =	vld [tilespmem:s24+$0x80]  }
0x140: {  	v5 =	vmul.f32 v16, v46;
	[tilespmem:$0x1FB80] =	vst v4;
	v4 =	vmul.f32 v12, v47  }
0x141: {  	v52 =	vmul.f32 v6, v60;
	v17 =	vmul.f32 v16, v60  }
0x142: {  	v10 =	vmul.f32 v12, v27;
	v31 =	vadd.f32 v5, v4;
	v4 =	vmul.f32 v16, v56  }
0x143: {  	v42 =	vmul.f32 v1, v55;
	v48 =	vmul.f32 v6, v57  }
0x144: {  	v11 =	vmul.f32 v12, v53;
	v3 =	vadd.f32 v4, v10;
	v10 =	vmul.f32 v16, v62;
	[tilespmem:$0x1FB30] =	vst v0;
	v0 =	vld [tilespmem:s24+$0x90]  }
0x145: {  	v13 =	vmul.f32 v12, v63;
	v50 =	vmul.f32 v1, v63  }
0x146: {  	v18 =	vmul.f32 v12, v7;
	v35 =	vadd.f32 v10, v11;
	v11 =	vmul.f32 v16, v32  }
0x147: {  	v36 =	vadd.f32 v17, v13;
	v13 =	vmul.f32 v16, v45;
	v8 =	vmul.f32 v16, v57  }
0x148: {  	v16 =	vmul.f32 v1, v47;
	v37 =	vadd.f32 v11, v18;
	v11 =	vmul.f32 v6, v46  }
0x149: {  	v42 =	vadd.f32 v48, v42;
	v17 =	vmul.f32 v1, v58;
	v58 =	vmul.f32 v22, v58;
	[tilespmem:$0x1FB50] =	vst v0;
	v0 =	vld [tilespmem:s24+$0xA0]  }
0x14a: {  	v5 =	vmul.f32 v12, v55;
	v2 =	vld [tilespmem:$0x1FFF0];
	v39 =	vadd.f32 v11, v16;
	v11 =	vmul.f32 v6, v56  }
0x14b: {  	v54 =	vmul.f32 v1, v7;
	v1 =	vmul.f32 v1, v44;
	v44 =	vadd.f32 v52, v50  }
0x14c: {  	v50 =	vmul.f32 v15, v60;
	v41 =	vadd.f32 v11, v41;
	v11 =	vmul.f32 v6, v62  }
0x14d: {  	v38 =	vadd.f32 v13, v38;
	v60 =	vbroadcast v14, $0x2;
	v18 =	vmul.f32 v6, v59  }
0x14e: {  	v43 =	vadd.f32 v11, v49;
	v11 =	vmul.f32 v6, v32;
	v6 =	vmul.f32 v6, v45;
	[tilespmem:$0x1FB60] =	vst v0;
	v0 =	vld [tilespmem:s24+$0xB0]  }
0x14f: {  	v13 =	vld [tilespmem:$0x1FAA0];
	v34 =	vadd.f32 v8, v5;
	v52 =	vmul.f32 v60, v2;
	v40 =	vadd.f32 v18, v17  }
0x150: {  	v12 =	vld [tilespmem:$0x1FA90];
	v49 =	vmul.f32 v15, v57;
	v47 =	vadd.f32 v6, v1;
	v1 =	vmul.f32 v15, v59  }
0x151: {  	v4 =	vld [tilespmem:$0x1FFD0];
	v32 =	vmul.f32 v15, v32;
	v45 =	vadd.f32 v11, v54;
	v11 =	vmul.f32 v15, v46  }
0x152: {  	v6 =	vmul.f32 v22, v27;
	v59 =	vmul.f32 v22, v63;
	v46 =	vadd.f32 v1, v58;
	v1 =	vld [tilespmem:$0x1FFB0]  }
0x153: {  	v5 =	vadd.f32 v11, v61;
	v11 =	vmul.f32 v15, v56;
	v61 =	vmul.f32 v22, v55;
	[tilespmem:$0x1FC30] =	vst v0;
	v0 =	vld [tilespmem:s24+$0xC0]  }
0x154: {  	v25 =	vadd.f32 v25, v52;
	v56 =	vmul.f32 v22, v53;
	v22 =	vmul.f32 v22, v7;
	v7 =	vld [tilespmem:$0x1FD90]  }
0x155: {  	v58 =	vmul.f32 v15, v62;
	v53 =	vbroadcast v12, $0x2;
	v57 =	vadd.f32 v11, v6;
	v6 =	vld [tilespmem:$0x1FF70]  }
0x156: {  	v62 =	vbroadcast v13, $0x2;
	v55 =	vadd.f32 v50, v59;
	v50 =	vmul.f32 v60, v4;
	v11 =	vld [tilespmem:$0x1FDD0]  }
0x157: {  	v8 =	vld [tilespmem:$0x1FAB0];
	v15 =	vbroadcast v14, $0x3;
	v48 =	vadd.f32 v49, v61;
	v18 =	vmul.f32 v53, v4  }
0x158: {  	v56 =	vadd.f32 v58, v56;
	v52 =	vmul.f32 v62, v4;
	v49 =	vmul.f32 v60, v1;
	[tilespmem:$0x1FC90] =	vst v0;
	v0 =	vld [tilespmem:s24+$0xD0]  }
0x159: {  	v22 =	vadd.f32 v32, v22;
	v54 =	vmul.f32 v60, v7;
	v58 =	vmul.f32 v53, v1  }
0x15a: {  	v24 =	vadd.f32 v24, v50;
	v59 =	vmul.f32 v53, v7;
	v63 =	vmul.f32 v62, v1  }
0x15b: {  	v16 =	vmul.f32 v60, v6;
	v23 =	vadd.f32 v23, v49;
	v17 =	vmul.f32 v60, v11  }
0x15c: {  	v49 =	vmul.f32 v53, v6;
	v27 =	vadd.f32 v8, v54;
	v50 =	vmul.f32 v53, v11  }
0x15d: {  	v54 =	vmul.f32 v62, v6;
	v31 =	vadd.f32 v31, v58;
	v58 =	vmul.f32 v62, v7;
	[tilespmem:$0x1FBC0] =	vst v0;
	v0 =	vld [tilespmem:s24+$0xE0]  }
0x15e: {  	v40 =	vadd.f32 v40, v52;
	v61 =	vmul.f32 v62, v11;
	v8 =	vld [tilespmem:$0x1FAC0];
	v6 =	vmul.f32 v21, v6  }
0x15f: {  	v35 =	vadd.f32 v35, v59;
	v59 =	vmul.f32 v21, v7;
	v39 =	vadd.f32 v39, v63;
	v63 =	vld [tilespmem:$0x1FD60]  }
0x160: {  	v11 =	vmul.f32 v21, v11;
	v7 =	vld [tilespmem:$0x1FD30];
	v16 =	vadd.f32 v26, v16;
	v17 =	vadd.f32 v28, v17  }
0x161: {  	v26 =	vmul.f32 v53, v2;
	v34 =	vadd.f32 v34, v49;
	v44 =	vadd.f32 v44, v61;
	v61 =	vld [tilespmem:$0x1FE20]  }
0x162: {  	v49 =	vmul.f32 v21, v2;
	v36 =	vadd.f32 v36, v50;
	v42 =	vadd.f32 v42, v54;
	[tilespmem:$0x1FB90] =	vst v0;
	v0 =	vld [tilespmem:$0x1FE10]  }
0x163: {  	v50 =	vbroadcast v12, $0x3;
	v43 =	vadd.f32 v43, v58;
	v6 =	vadd.f32 v48, v6  }
0x164: {  	v48 =	vadd.f32 v56, v59;
	v11 =	vadd.f32 v55, v11;
	v54 =	vmul.f32 v15, v63  }
0x165: {  	v26 =	vadd.f32 v3, v26;
	v18 =	vadd.f32 v8, v18;
	v52 =	vmul.f32 v15, v7  }
0x166: {  	v55 =	vmul.f32 v50, v63;
	v16 =	vadd.f32 v16, v54;
	v54 =	vmul.f32 v50, v61  }
0x167: {  	v25 =	vadd.f32 v25, v52;
	v32 =	vmul.f32 v60, v0;
	v60 =	vmul.f32 v60, v33  }
0x168: {  	v34 =	vadd.f32 v34, v55;
	v55 =	vbroadcast v12, $0x4;
	v28 =	vmul.f32 v53, v0  }
0x169: {  	v3 =	vld [tilespmem:$0x1FFC0];
	v53 =	vmul.f32 v53, v33;
	v30 =	vadd.f32 v30, v60;
	v60 =	vmul.f32 v62, v2  }
0x16a: {  	v29 =	vadd.f32 v29, v32;
	v32 =	vmul.f32 v62, v0;
	v62 =	vmul.f32 v62, v33  }
0x16b: {  	v33 =	vmul.f32 v21, v1;
	v1 =	vmul.f32 v21, v4;
	v28 =	vadd.f32 v37, v28  }
0x16c: {  	v21 =	vmul.f32 v21, v0;
	v38 =	vadd.f32 v38, v53;
	v2 =	vld [tilespmem:$0x1FFE0];
	v41 =	vadd.f32 v41, v60  }
0x16d: {  	v37 =	vbroadcast v13, $0x3;
	v32 =	vadd.f32 v45, v32;
	v60 =	vld [tilespmem:$0x1FDA0];
	v47 =	vadd.f32 v47, v62  }
0x16e: {  	v0 =	vmul.f32 v15, v3;
	v5 =	vadd.f32 v5, v33;
	v62 =	vld [tilespmem:$0x1FDE0];
	v4 =	vadd.f32 v46, v1  }
0x16f: {  	v46 =	vadd.f32 v57, v49;
	v21 =	vadd.f32 v22, v21;
	v22 =	vmul.f32 v50, v3  }
0x170: {  	v49 =	vmul.f32 v15, v61;
	v8 =	vadd.f32 v23, v0;
	v58 =	vmul.f32 v37, v63  }
0x171: {  	v22 =	vadd.f32 v31, v22;
	v31 =	vmul.f32 v20, v3;
	v53 =	vmul.f32 v15, v2  }
0x172: {  	v28 =	vadd.f32 v28, v54;
	v23 =	vmul.f32 v50, v2;
	v57 =	vmul.f32 v37, v2  }
0x173: {  	v29 =	vadd.f32 v29, v49;
	v45 =	vmul.f32 v15, v60;
	v33 =	vmul.f32 v15, v62  }
0x174: {  	v15 =	vmul.f32 v15, v9;
	v24 =	vadd.f32 v24, v53;
	v53 =	vmul.f32 v50, v7  }
0x175: {  	v42 =	vadd.f32 v42, v58;
	v52 =	vmul.f32 v50, v60;
	v56 =	vmul.f32 v50, v62  }
0x176: {  	v10 =	vadd.f32 v5, v31;
	v50 =	vmul.f32 v50, v9;
	v49 =	vmul.f32 v37, v60  }
0x177: {  	v0 =	vmul.f32 v37, v62;
	v18 =	vadd.f32 v18, v23;
	v23 =	vmul.f32 v20, v7  }
0x178: {  	v27 =	vadd.f32 v27, v45;
	v45 =	vmul.f32 v37, v3;
	v17 =	vadd.f32 v17, v33  }
0x179: {  	v33 =	vmul.f32 v37, v7;
	v15 =	vadd.f32 v30, v15;
	v30 =	vmul.f32 v37, v61  }
0x17a: {  	v59 =	vld [tilespmem:$0x1FF90];
	v40 =	vadd.f32 v40, v57;
	v37 =	vmul.f32 v37, v9;
	v9 =	vmul.f32 v20, v2  }
0x17b: {  	v1 =	vld [tilespmem:$0x1FFA0];
	v7 =	vmul.f32 v20, v63;
	v26 =	vadd.f32 v26, v53;
	v53 =	vmul.f32 v20, v60  }
0x17c: {  	v3 =	vmul.f32 v20, v62;
	v63 =	vbroadcast v14, $0x4;
	v35 =	vadd.f32 v35, v52;
	v60 =	vld [tilespmem:$0x1FD40]  }
0x17d: {  	v20 =	vmul.f32 v20, v61;
	v36 =	vadd.f32 v36, v56;
	v38 =	vadd.f32 v38, v50;
	v61 =	vld [tilespmem:$0x1FD70]  }
0x17e: {  	v52 =	vbroadcast v13, $0x4;
	v43 =	vadd.f32 v43, v49;
	v50 =	vld [tilespmem:$0x1FDB0];
	v44 =	vadd.f32 v44, v0  }
0x17f: {  	v0 =	vld [tilespmem:$0x1FDF0];
	v23 =	vadd.f32 v46, v23;
	v14 =	vbroadcast v14, $0x5;
	v2 =	vmul.f32 v63, v59  }
0x180: {  	v56 =	vld [tilespmem:$0x1FE30];
	v54 =	vmul.f32 v63, v1;
	v39 =	vadd.f32 v39, v45;
	v33 =	vadd.f32 v41, v33  }
0x181: {  	v62 =	vld [tilespmem:$0x1FE50];
	v37 =	vadd.f32 v47, v37;
	v47 =	vadd.f32 v48, v53;
	v48 =	vmul.f32 v55, v59  }
0x182: {  	v6 =	vadd.f32 v6, v7;
	v11 =	vadd.f32 v11, v3;
	v3 =	vmul.f32 v55, v1  }
0x183: {  	v7 =	vbroadcast v12, $0x5;
	v22 =	vadd.f32 v22, v48;
	v48 =	vmul.f32 v19, v1  }
0x184: {  	v30 =	vadd.f32 v32, v30;
	v45 =	vmul.f32 v63, v60;
	v41 =	vmul.f32 v63, v61  }
0x185: {  	v5 =	vadd.f32 v4, v9;
	v49 =	vmul.f32 v63, v50;
	v32 =	vmul.f32 v63, v0  }
0x186: {  	v4 =	vld [tilespmem:$0x1FE50];
	v20 =	vadd.f32 v21, v20;
	v31 =	vmul.f32 v63, v56;
	v46 =	vmul.f32 v63, v62  }
0x187: {  	v2 =	vadd.f32 v8, v2;
	v21 =	vmul.f32 v55, v60;
	v9 =	vmul.f32 v55, v61  }
0x188: {  	v24 =	vadd.f32 v24, v54;
	v63 =	vmul.f32 v55, v50;
	v54 =	vmul.f32 v55, v56  }
0x189: {  	v3 =	vadd.f32 v18, v3;
	v8 =	vmul.f32 v52, v60;
	v57 =	vmul.f32 v52, v50  }
0x18a: {  	v58 =	vmul.f32 v52, v56;
	v18 =	vmul.f32 v19, v61;
	v25 =	vadd.f32 v25, v45  }
0x18b: {  	v45 =	vmul.f32 v55, v0;
	v16 =	vadd.f32 v16, v41;
	v41 =	vmul.f32 v55, v4  }
0x18c: {  	v55 =	vmul.f32 v52, v59;
	v27 =	vadd.f32 v27, v49;
	v49 =	vmul.f32 v52, v1  }
0x18d: {  	v62 =	vld [tilespmem:$0x1FE70];
	v17 =	vadd.f32 v17, v32;
	v32 =	vmul.f32 v52, v61;
	v29 =	vadd.f32 v29, v31  }
0x18e: {  	v31 =	vmul.f32 v52, v0;
	v15 =	vadd.f32 v15, v46;
	v46 =	vmul.f32 v52, v4;
	v61 =	vld [tilespmem:$0x1FD50]  }
0x18f: {  	v52 =	vmul.f32 v19, v59;
	v59 =	vmul.f32 v19, v60;
	v35 =	vadd.f32 v35, v63;
	v63 =	vld [tilespmem:$0x1FD80]  }
0x190: {  	v60 =	vmul.f32 v19, v50;
	v21 =	vadd.f32 v26, v21;
	v26 =	vmul.f32 v19, v0;
	v50 =	vld [tilespmem:$0x1FDC0]  }
0x191: {  	v19 =	vmul.f32 v19, v56;
	v34 =	vadd.f32 v34, v9;
	v28 =	vadd.f32 v28, v54  }
0x192: {  	v9 =	vbroadcast v13, $0x5;
	v1 =	vadd.f32 v5, v48;
	v36 =	vadd.f32 v36, v45  }
0x193: {  	v39 =	vadd.f32 v39, v55;
	v31 =	vadd.f32 v44, v31;
	v45 =	vmul.f32 v14, v62  }
0x194: {  	v11 =	vadd.f32 v11, v26;
	v26 =	vmul.f32 v7, v62;
	v54 =	vmul.f32 v14, v61  }
0x195: {  	v5 =	vadd.f32 v20, v19;
	v55 =	vmul.f32 v14, v63;
	v44 =	vmul.f32 v14, v50  }
0x196: {  	v0 =	vadd.f32 v2, v45;
	v19 =	vmul.f32 v7, v61;
	v20 =	vmul.f32 v7, v63  }
0x197: {  	v2 =	vmul.f32 v9, v63;
	v26 =	vadd.f32 v22, v26;
	v22 =	vmul.f32 v51, v61  }
0x198: {  	v27 =	vadd.f32 v27, v44;
	v44 =	vmul.f32 v9, v61;
	v61 =	vmul.f32 v51, v63;
	v63 =	vmovc v4;
	v4 =	vld [tilespmem:$0x1FAD0];
	_ =	sdelay $0x4  }
0x199: {  	v0 =	vmul.f32 v0, v4;
	_ =	sdelay $0x1  }
0x19a: {  	[tilespmem:s24+$0xFFFFFF00] =	vst v0;
	v0 =	vld [tilespmem:$0x1FAF0];
	_ =	sdelay $0x2  }
0x19b: {  	v25 =	vadd.f32 v25, v54;
	_ =	sdelay $0x1  }
0x19c: {  	v0 =	vmul.f32 v25, v0;
	_ =	sdelay $0x1  }
0x19d: {  	[tilespmem:s24+$0xFFFFFF20] =	vst v0;
	v0 =	vld [tilespmem:$0x1FB20];
	_ =	sdelay $0x2  }
0x19e: {  	v43 =	vadd.f32 v43, v57;
	v57 =	vld [tilespmem:$0x1FE40];
	_ =	sdelay $0x1  }
0x19f: {  	v0 =	vmul.f32 v0, v27;
	_ =	sdelay $0x1  }
0x1a0: {  	[tilespmem:s24+$0xFFFFFF40] =	vst v0;
	v0 =	vld [tilespmem:$0x1FB70]  }
0x1a1: {  	v48 =	vmul.f32 v14, v57  }
0x1a2: {  	v30 =	vadd.f32 v30, v58;
	v58 =	vld [tilespmem:$0x1FE00]  }
0x1a3: {  	v53 =	vld [tilespmem:$0x1FD10];
	v29 =	vadd.f32 v29, v48  }
0x1a4: {  	v32 =	vadd.f32 v42, v32  }
0x1a5: {  	v33 =	vadd.f32 v33, v8;
	v8 =	vadd.f32 v10, v52;
	v10 =	vld [tilespmem:$0x1FEF0];
	v0 =	vmul.f32 v0, v29  }
0x1a6: {  	v32 =	vadd.f32 v32, v2;
	v2 =	vld [tilespmem:$0x1FB40]  }
0x1a7: {  	v37 =	vadd.f32 v37, v46;
	v46 =	vmul.f32 v14, v58;
	[tilespmem:s24+$0xFFFFFF60] =	vst v0;
	v0 =	vld [tilespmem:$0x1FBA0]  }
0x1a8: {  	v56 =	vmul.f32 v51, v53  }
0x1a9: {  	v17 =	vadd.f32 v17, v46  }
0x1aa: {  	v34 =	vadd.f32 v34, v20;
	v20 =	vadd.f32 v1, v56;
	v1 =	vld [tilespmem:$0x1FB80]  }
0x1ab: {  	v38 =	vadd.f32 v38, v41;
	v41 =	vmul.f32 v14, v53;
	v14 =	vmul.f32 v14, v10  }
0x1ac: {  	v6 =	vadd.f32 v6, v18;
	v17 =	vmul.f32 v2, v17;
	v2 =	vmul.f32 v26, v0;
	v0 =	vld [tilespmem:$0x1FBD0]  }
0x1ad: {  	v18 =	vadd.f32 v47, v60;
	v47 =	vmul.f32 v7, v53;
	v15 =	vadd.f32 v15, v14;
	v4 =	vld [tilespmem:$0x1FAE0];
	_ =	sdelay $0x1  }
0x1ae: {  	v3 =	vadd.f32 v3, v47;
	v1 =	vmul.f32 v1, v15  }
0x1af: {  	v24 =	vadd.f32 v24, v41  }
0x1b0: {  	[tilespmem:s24+$0xFFFFFF70] =	vst v1;
	v1 =	vmul.f32 v3, v0  }
0x1b1: {  	v14 =	vmul.f32 v24, v4;
	v4 =	vld [tilespmem:$0x1FB00]  }
0x1b2: {  	[tilespmem:s24+$0xFFFFFF90] =	vst v1;
	v1 =	vld [tilespmem:$0x1FC10]  }
0x1b3: {  	v45 =	vmul.f32 v7, v58  }
0x1b4: {  	v16 =	vadd.f32 v16, v55  }
0x1b5: {  	v36 =	vadd.f32 v36, v45  }
0x1b6: {  	[tilespmem:s24+$0xFFFFFF10] =	vst v14;
	v14 =	vmul.f32 v4, v16;
	v4 =	vld [tilespmem:$0x1FC00]  }
0x1b7: {  	v25 =	vmul.f32 v1, v36;
	v1 =	vld [tilespmem:$0x1FC20]  }
0x1b8: {  	v40 =	vadd.f32 v40, v49;
	v41 =	vmul.f32 v7, v50;
	v49 =	vmul.f32 v7, v57  }
0x1b9: {  	v23 =	vadd.f32 v23, v59  }
0x1ba: {  	v35 =	vadd.f32 v35, v41;
	v28 =	vadd.f32 v28, v49  }
0x1bb: {  	v60 =	vadd.f32 v21, v19;
	v21 =	vadd.f32 v23, v22  }
0x1bc: {  	v22 =	vadd.f32 v6, v61;
	v6 =	vmul.f32 v4, v35;
	v4 =	vmul.f32 v1, v28;
	v1 =	vld [tilespmem:$0x1FC40]  }
0x1bd: {  	v7 =	vmul.f32 v7, v10  }
0x1be: {  	v52 =	vmul.f32 v9, v53  }
0x1bf: {  	v42 =	vmul.f32 v9, v62;
	v46 =	vmul.f32 v9, v50;
	v38 =	vadd.f32 v38, v7  }
0x1c0: {  	v54 =	vmul.f32 v9, v58;
	v48 =	vmul.f32 v9, v57  }
0x1c1: {  	v9 =	vmul.f32 v9, v10;
	v10 =	vmul.f32 v1, v38;
	v1 =	vld [tilespmem:$0x1FC50];
	_ =	sdelay $0x2  }
0x1c2: {  	v39 =	vadd.f32 v39, v42;
	v55 =	vmul.f32 v51, v62;
	_ =	sdelay $0x1  }
0x1c3: {  	v19 =	vadd.f32 v8, v55;
	v8 =	vmul.f32 v39, v1;
	v1 =	vld [tilespmem:$0x1FC60];
	_ =	sdelay $0x1  }
0x1c4: {  	v59 =	vld [tilespmem:$0x1FEA0]  }
0x1c5: {  	v40 =	vadd.f32 v40, v52;
	v47 =	vmul.f32 v51, v50;
	v0 =	vld [tilespmem:$0x1FBE0]  }
0x1c6: {  	v58 =	vmul.f32 v51, v58;
	v51 =	vmul.f32 v51, v57;
	v57 =	vld [tilespmem:$0x1FE80]  }
0x1c7: {  	v12 =	vmul.f32 v40, v1;
	v1 =	vld [tilespmem:$0x1FC70]  }
0x1c8: {  	v23 =	vadd.f32 v18, v47;
	v18 =	vld [tilespmem:$0x1FBB0]  }
0x1c9: {  	v7 =	vadd.f32 v31, v54;
	v31 =	vld [tilespmem:$0x1FB30]  }
0x1ca: {  	v9 =	vadd.f32 v37, v9;
	v37 =	vld [tilespmem:$0x1FB60];
	v16 =	vadd.f32 v33, v44;
	v3 =	vmul.f32 v60, v0  }
0x1cb: {  	v55 =	vld [tilespmem:$0x1FE60]  }
0x1cc: {  	[tilespmem:s24+$0xFFFFFFA0] =	vst v3;
	v3 =	vmul.f32 v16, v1;
	v1 =	vld [tilespmem:$0x1FCA0]  }
0x1cd: {  	v15 =	vld [tilespmem:$0x1FB90]  }
0x1ce: {  	v24 =	vadd.f32 v11, v58;
	v11 =	vld [tilespmem:$0x1FBC0]  }
0x1cf: {  	[tilespmem:s24+$0xFFFFFF80] =	vst v2;
	v2 =	vld [tilespmem:$0x1FBF0]  }
0x1d0: {  	s18 =	sadd.s32 $0x4, s18;
	v58 =	vld [tilespmem:$0x1FE90]  }
0x1d1: {  	p1 =	slt.u32 s18, $0x7C;
	v0 =	vadd.f32 v5, v51;
	v5 =	vmul.f32 v1, v32;
	v1 =	vld [tilespmem:$0x1FCB0]  }
.Ltmp2:
0x1d2: {  	v33 =	vld [tilespmem:$0x1FB10];
	(pc) =	sbr.rel @p1 .LBB2_3-.Ltmp2, $4  }
0x1d3: {  	[tilespmem:s24+$0xFFFFFF30] =	vst v14;
	v14 =	vadd.f32 v30, v48;
	v30 =	vld [tilespmem:$0x1FB50]  }
0x1d4: {  	v27 =	vadd.f32 v43, v46;
	[tilespmem:s24+$0xFFFFFFC0] =	vst v6;
	v6 =	vld [tilespmem:$0x1FC90];
	v2 =	vmul.f32 v2, v34  }
0x1d5: {  	[tilespmem:s24+$0xFFFFFF50] =	vst v17;
	v28 =	vld [tilespmem:$0x1FC30]  }
0x1d6: {  	s19 =	sadd.s32 $0x18, s19;
	s17 =	smov.u32 s24;
	[tilespmem:s24+$0xFFFFFFB0] =	vst v2;
	v16 =	vld [tilespmem:$0x1FC80];
	v2 =	vmul.f32 v1, v27  }
0x1d7: {  	[tilespmem:s24+$0xFFFFFFD0] =	vst v25  }
0x1d8: {  	[tilespmem:s24+$0xFFFFFFE0] =	vst v4  }
0x1d9: {  	[tilespmem:s24+$0xFFFFFFF0] =	vst v10  }
0x1da: {  	[tilespmem:s24+$0x0] =	vst v8  }
0x1db: {  	[tilespmem:s24+$0x10] =	vst v12  }
0x1dc: {  	[tilespmem:s24+$0x20] =	vst v3  }
0x1dd: {  	[tilespmem:s24+$0x30] =	vst v5;
	v3 =	vmul.f32 v18, v14  }
0x1de: {  	[tilespmem:s24+$0x40] =	vst v2;
	v2 =	vmul.f32 v33, v9  }
0x1df: {  	[tilespmem:s24+$0x60] =	vst v3;
	v1 =	vmul.f32 v16, v7  }
0x1e0: {  	v3 =	vmul.f32 v20, v30;
	[tilespmem:s24+$0x70] =	vst v2  }
0x1e1: {  	[tilespmem:s24+$0x50] =	vst v1;
	v1 =	vmul.f32 v19, v31  }
0x1e2: {  	v2 =	vmul.f32 v21, v37;
	[tilespmem:s24+$0x90] =	vst v3  }
0x1e3: {  	v3 =	vmul.f32 v6, v23;
	[tilespmem:s24+$0x80] =	vst v1  }
0x1e4: {  	v0 =	vmul.f32 v15, v0;
	[tilespmem:s17+$0xA0] =	vst v2  }
0x1e5: {  	v1 =	vmul.f32 v28, v22;
	[tilespmem:s17+$0xC0] =	vst v3  }
0x1e6: {  	s24 =	sshll.u32 s5, $0x1;
	v2 =	vmul.f32 v11, v24;
	[tilespmem:s17+$0xE0] =	vst v0  }
0x1e7: {  	p1 =	seq.s32 s5, $0x26;
	s24 =	sadd.s32 s9, s24;
	[tilespmem:s17+$0xB0] =	vst v1  }
0x1e8: {  	[tilespmem:s17+$0xD0] =	vst v2;
	s17 =	sadd.s32 @!p1 $0x2, s24  }
0x1e9: {  	[spmem:s6] =	stream.indirect.scatter.add.f32 [tilespmem:s7], [sflag:$0x3], $0x80, s26, s3, $0xb8;
	[tilespmem:$0x1CB00] =	vst v63  }
0x1ea: {  	s19 =	simm.s32 @!p1 $0x0;
	s18 =	sshll.u32 @!p1 s17, $0xB;
	_ =	swait.ge [sflag:s23], $0x4000  }
0x1eb: {  	s25 =	smul.u32 @!p1 $0x60, s17;
	s18 =	sand.u32 @!p1 $0x1FFFF000, s18;
	[sflag:s23] =	ssyncset.done $0x0  }
0x1ec: {  	s17 =	sshll.u32 @!p1 s17, $0x4;
	s18 =	sadd.s32 @!p1 s0, s18;
	[sflag:s23] =	ssyncadd.s32 $0xFFFFC000  }
0x1ed: {  	[tilespmem:s19], [sflag:$0x1] =	stream.linear.gather @!p1 [hbm4b:s18+s19], $0x4000, $0x38;
	[tilespmem:$0x1CB00] =	vst v63  }
0x1ee: {  	s17 =	sand.u32 @!p1 $0x1FFFFFE0, s17;
	s18 =	sadd.s32 @!p1 s8, s25;
	s25 =	simm.s32 @!p1 $0x8000  }
0x1ef: {  	[tilespmem:s25], [sflag:$0x1] =	stream.linear.gather @!p1 [hbm4b:s18+s19], $0x300, $0x38;
	[tilespmem:$0x1CB00] =	vst v63  }
0x1f0: {  	s17 =	sadd.s32 @!p1 s1, s17;
	s18 =	simm.s32 @!p1 $0x8A00  }
0x1f1: {  	[tilespmem:s18], [sflag:$0x1] =	stream.linear.gather @!p1 [hbm4b:s17+s19], $0x80, $0x38;
	[tilespmem:$0x1CB00] =	vst v63  }
0x1f2: {  	_ =	swait.ge [sflag:s4], $0x4000  }
0x1f3: {  	[sflag:s4] =	ssyncset.done $0x0  }
0x1f4: {  	[sflag:s4] =	ssyncadd.s32 $0xFFFFC000  }
0x1f5: {  	_ =	swait.ge [sflag:s4], $0x300  }
0x1f6: {  	[sflag:s4] =	ssyncset.done $0x0  }
0x1f7: {  	[sflag:s4] =	ssyncadd.s32 $0xFFFFFD00  }
0x1f8: {  	_ =	swait.ge [sflag:s4], $0x80  }
0x1f9: {  	[sflag:s4] =	ssyncset.done $0x0  }
0x1fa: {  	s25 =	simm.s32 $0x838C;
	v39 =	vld [tilespmem:$0x1FEB0];
	[sflag:s4] =	ssyncadd.s32 $0xFFFFFF80  }
0x1fb: {  	v0 =	vld [tilespmem:s25+$0x6]  }
0x1fc: {  	v3 =	vld [tilespmem:s25+$0xFFFFFFFA]  }
0x1fd: {  	v4 =	vld [tilespmem:s25+$0xFFFFFFF4]  }
0x1fe: {  	v40 =	vld [tilespmem:$0x1FEC0]  }
0x1ff: {  	v61 =	vld [tilespmem:s25+$0x0]  }
0x200: {  	v49 =	vld [tilespmem:$0x1FED0];
	v8 =	vbroadcast v0, $0x0;
	v9 =	vbroadcast v0, $0x1  }
0x201: {  	v41 =	vld [tilespmem:$0x1FD00];
	v10 =	vbroadcast v3, $0x0;
	v7 =	vbroadcast v0, $0x2  }
0x202: {  	v46 =	vld [tilespmem:$0x1FD20];
	v11 =	vbroadcast v4, $0x0;
	v12 =	vbroadcast v4, $0x1  }
0x203: {  	v60 =	vmov v53;
	v53 =	vld [tilespmem:$0x1FF60];
	v6 =	vbroadcast v0, $0x3;
	v14 =	vbroadcast v3, $0x1  }
0x204: {  	v1 =	vld [tilespmem:$0x1FF80];
	v15 =	vbroadcast v61, $0x0;
	v17 =	vbroadcast v61, $0x1  }
0x205: {  	v43 =	vld [tilespmem:$0x1FF10];
	v52 =	vbroadcast v0, $0x5;
	v2 =	vmul.f32 v8, v39  }
0x206: {  	v44 =	vld [tilespmem:$0x1FF20];
	v5 =	vmul.f32 v9, v40;
	v13 =	vmul.f32 v7, v49  }
0x207: {  	v47 =	vld [tilespmem:$0x1FF40];
	v16 =	vmul.f32 v11, v55;
	v18 =	vmul.f32 v12, v41  }
0x208: {  	v48 =	vld [tilespmem:$0x1FF50];
	v19 =	vmul.f32 v11, v57;
	v21 =	vmul.f32 v12, v58  }
0x209: {  	v45 =	vld [tilespmem:$0x1FF30];
	v22 =	vmul.f32 v11, v59;
	v23 =	vmul.f32 v12, v46  }
0x20a: {  	v24 =	vmul.f32 v11, v53;
	v25 =	vmul.f32 v12, v1  }
0x20b: {  	v26 =	vmul.f32 v11, v44;
	v27 =	vmul.f32 v14, v58  }
0x20c: {  	v50 =	vld [tilespmem:$0x1FEE0];
	v54 =	vmul.f32 v14, v46;
	v29 =	vmul.f32 v14, v1  }
0x20d: {  	v56 =	vmul.f32 v14, v43;
	v36 =	vmul.f32 v14, v47  }
0x20e: {  	v37 =	vmul.f32 v10, v48;
	v32 =	vmul.f32 v14, v45  }
0x20f: {  	v38 =	vmul.f32 v15, v55;
	v51 =	vmul.f32 v17, v58;
	v2 =	vadd.f32 v5, v2  }
0x210: {  	v34 =	vmul.f32 v17, v46;
	v5 =	vbroadcast v0, $0x4;
	v0 =	vld [tilespmem:$0x1FEF0]  }
0x211: {  	v35 =	vmul.f32 v17, v1;
	v2 =	vadd.f32 v2, v13;
	v13 =	vmul.f32 v6, v50  }
0x212: {  	v16 =	vadd.f32 v18, v16;
	v18 =	vmul.f32 v12, v43;
	v19 =	vadd.f32 v21, v19  }
0x213: {  	s17 =	simm.s32 $0x41F0;
	v42 =	vld [tilespmem:$0x1FF00];
	v21 =	vadd.f32 v23, v22;
	v2 =	vadd.f32 v2, v13;
	v13 =	vmul.f32 v5, v63  }
0x214: {  	v20 =	vld [tilespmem:s17+$0x0];
	v22 =	vmul.f32 v11, v48;
	v23 =	vmul.f32 v12, v45;
	v24 =	vadd.f32 v25, v24  }
0x215: {  	v25 =	vmul.f32 v14, v41;
	v2 =	vadd.f32 v2, v13;
	v13 =	vmul.f32 v52, v0  }
0x216: {  	v14 =	vmul.f32 v14, v40;
	v28 =	vadd.f32 v32, v37;
	v32 =	vmul.f32 v15, v59  }
0x217: {  	v22 =	vadd.f32 v23, v22;
	v23 =	vmul.f32 v10, v59;
	v2 =	vadd.f32 v2, v13  }
0x218: {  	v32 =	vadd.f32 v34, v32;
	v34 =	vmul.f32 v15, v48;
	v13 =	vmul.f32 v11, v42  }
0x219: {  	v2 =	vmul.f32 v20, v2;
	v20 =	vmul.f32 v12, v47  }
0x21a: {  	v23 =	vadd.f32 v54, v23;
	v11 =	vmul.f32 v11, v39;
	v12 =	vmul.f32 v12, v40  }
0x21b: {  	v13 =	vadd.f32 v18, v13;
	v18 =	vmul.f32 v10, v55;
	v20 =	vadd.f32 v20, v26  }
0x21c: {  	v26 =	vmul.f32 v10, v57;
	v11 =	vadd.f32 v12, v11;
	v12 =	vmul.f32 v10, v53  }
0x21d: {  	v54 =	vmul.f32 v17, v41;
	v18 =	vadd.f32 v25, v18;
	v25 =	vmul.f32 v10, v42  }
0x21e: {  	v26 =	vadd.f32 v27, v26;
	v27 =	vmul.f32 v10, v44;
	v12 =	vadd.f32 v29, v12  }
0x21f: {  	v10 =	vmul.f32 v10, v39;
	v25 =	vadd.f32 v56, v25;
	v56 =	vmul.f32 v15, v57  }
0x220: {  	v29 =	vadd.f32 v54, v38;
	v54 =	vmul.f32 v15, v42;
	v38 =	vmul.f32 v17, v45  }
0x221: {  	v27 =	vadd.f32 v36, v27;
	v10 =	vadd.f32 v14, v10;
	v14 =	vmul.f32 v15, v53  }
0x222: {  	v36 =	vmul.f32 v17, v43;
	v31 =	vadd.f32 v51, v56;
	v56 =	vmul.f32 v15, v44  }
0x223: {  	v51 =	vmul.f32 v17, v47;
	v15 =	vmul.f32 v15, v39  }
0x224: {  	v17 =	vmul.f32 v17, v40;
	v34 =	vadd.f32 v38, v34;
	v38 =	vmul.f32 v8, v59  }
0x225: {  	v40 =	vmul.f32 v9, v46;
	v46 =	vmul.f32 v9, v1;
	v14 =	vadd.f32 v35, v14  }
0x226: {  	v30 =	vadd.f32 v36, v54;
	v35 =	vmul.f32 v8, v55;
	v54 =	vmul.f32 v9, v41  }
0x227: {  	v33 =	vadd.f32 v51, v56;
	v51 =	vmul.f32 v8, v57;
	v56 =	vmul.f32 v9, v58  }
0x228: {  	v0 =	vld [tilespmem:$0x1FFB0];
	v15 =	vadd.f32 v17, v15;
	v17 =	vmul.f32 v8, v53;
	v53 =	vmul.f32 v8, v42  }
0x229: {  	v1 =	vld [tilespmem:$0x1FFD0];
	v37 =	vadd.f32 v56, v51;
	v56 =	vmul.f32 v8, v44;
	v51 =	vmul.f32 v9, v47  }
0x22a: {  	[tilespmem:$0x1FA80] =	vst v2;
	v2 =	vmovc v61;
	v38 =	vadd.f32 v40, v38;
	v40 =	vbroadcast v4, $0x2;
	v42 =	vbroadcast v61, $0x2;
	v61 =	vld [tilespmem:$0x1FF70]  }
0x22b: {  	v35 =	vadd.f32 v54, v35;
	v54 =	vmul.f32 v9, v43;
	v39 =	vadd.f32 v51, v56;
	v56 =	vld [tilespmem:$0x1FFF0]  }
0x22c: {  	v51 =	vld [tilespmem:$0x1FD90]  }
0x22d: {  	v41 =	vbroadcast v3, $0x2;
	v36 =	vadd.f32 v54, v53;
	v53 =	vmul.f32 v40, v0;
	v54 =	vld [tilespmem:$0x1FE10]  }
0x22e: {  	v8 =	vmul.f32 v8, v48;
	v9 =	vmul.f32 v9, v45  }
0x22f: {  	v17 =	vadd.f32 v46, v17;
	v43 =	vmul.f32 v40, v1;
	v16 =	vadd.f32 v16, v53;
	v53 =	vld [tilespmem:$0x1FDD0]  }
0x230: {  	v47 =	vmul.f32 v41, v1;
	v8 =	vadd.f32 v9, v8;
	v45 =	vmul.f32 v40, v61  }
0x231: {  	v19 =	vadd.f32 v19, v43;
	v48 =	vmul.f32 v41, v61;
	v9 =	vmul.f32 v40, v56  }
0x232: {  	v26 =	vadd.f32 v26, v47;
	v44 =	vmul.f32 v40, v51;
	v43 =	vmul.f32 v40, v54  }
0x233: {  	v24 =	vadd.f32 v24, v45;
	v45 =	vmul.f32 v41, v56;
	v47 =	vmul.f32 v42, v56  }
0x234: {  	v12 =	vadd.f32 v12, v48;
	v48 =	vmul.f32 v42, v51;
	v46 =	vmul.f32 v40, v53  }
0x235: {  	v40 =	vmul.f32 v40, v49;
	v9 =	vadd.f32 v21, v9;
	v21 =	vmul.f32 v41, v0  }
0x236: {  	v13 =	vadd.f32 v13, v44;
	v44 =	vmul.f32 v41, v51;
	v22 =	vadd.f32 v22, v43  }
0x237: {  	v43 =	vmul.f32 v41, v54;
	v23 =	vadd.f32 v23, v45;
	v45 =	vmul.f32 v42, v61  }
0x238: {  	v32 =	vadd.f32 v32, v47;
	v47 =	vmul.f32 v7, v51;
	v20 =	vadd.f32 v20, v46  }
0x239: {  	v46 =	vmul.f32 v41, v53;
	v41 =	vmul.f32 v41, v49;
	v11 =	vadd.f32 v11, v40  }
0x23a: {  	v40 =	vmul.f32 v42, v0;
	v18 =	vadd.f32 v18, v21;
	v21 =	vmul.f32 v42, v1  }
0x23b: {  	v25 =	vadd.f32 v25, v44;
	v44 =	vmul.f32 v42, v53;
	v28 =	vadd.f32 v28, v43  }
0x23c: {  	v51 =	vld [tilespmem:$0x1FDE0];
	v43 =	vmul.f32 v7, v0;
	v14 =	vadd.f32 v14, v45;
	v45 =	vmul.f32 v7, v53  }
0x23d: {  	v0 =	vld [tilespmem:$0x1FD30];
	v27 =	vadd.f32 v27, v46;
	v46 =	vmul.f32 v42, v54;
	v10 =	vadd.f32 v10, v41  }
0x23e: {  	v53 =	vld [tilespmem:$0x1FE20];
	v41 =	vmul.f32 v7, v1;
	v29 =	vadd.f32 v29, v40;
	v40 =	vmul.f32 v7, v56  }
0x23f: {  	v21 =	vadd.f32 v31, v21;
	v31 =	vmul.f32 v7, v61;
	v7 =	vmul.f32 v7, v54;
	v54 =	vld [tilespmem:$0x1FFC0]  }
0x240: {  	v30 =	vadd.f32 v30, v48;
	v48 =	vbroadcast v4, $0x3;
	v36 =	vadd.f32 v36, v47;
	v56 =	vld [tilespmem:$0x1FFE0]  }
0x241: {  	v42 =	vmul.f32 v42, v49;
	v33 =	vadd.f32 v33, v44;
	v44 =	vbroadcast v3, $0x3;
	v1 =	vld [tilespmem:$0x1FD60]  }
0x242: {  	v35 =	vadd.f32 v35, v43;
	v49 =	vld [tilespmem:$0x1FDA0];
	v39 =	vadd.f32 v39, v45;
	v47 =	vmul.f32 v48, v51  }
0x243: {  	v34 =	vadd.f32 v34, v46;
	v46 =	vbroadcast v2, $0x3;
	v15 =	vadd.f32 v15, v42  }
0x244: {  	v37 =	vadd.f32 v37, v41;
	v38 =	vadd.f32 v38, v40;
	v41 =	vmul.f32 v48, v0  }
0x245: {  	v45 =	vmul.f32 v48, v53;
	v20 =	vadd.f32 v20, v47;
	v47 =	vmul.f32 v44, v53  }
0x246: {  	v17 =	vadd.f32 v17, v31;
	v42 =	vmul.f32 v48, v54;
	v43 =	vmul.f32 v48, v56  }
0x247: {  	v7 =	vadd.f32 v8, v7;
	v40 =	vmul.f32 v48, v1;
	v31 =	vmul.f32 v48, v49  }
0x248: {  	v48 =	vmul.f32 v48, v50;
	v9 =	vadd.f32 v9, v41;
	v41 =	vmul.f32 v44, v1  }
0x249: {  	v22 =	vadd.f32 v22, v45;
	v45 =	vmul.f32 v46, v54;
	v28 =	vadd.f32 v28, v47  }
0x24a: {  	v47 =	vmul.f32 v6, v56;
	v8 =	vadd.f32 v16, v42;
	v16 =	vmul.f32 v44, v54  }
0x24b: {  	v42 =	vmul.f32 v44, v56;
	v19 =	vadd.f32 v19, v43;
	v43 =	vmul.f32 v44, v0  }
0x24c: {  	v24 =	vadd.f32 v24, v40;
	v40 =	vmul.f32 v44, v49;
	v13 =	vadd.f32 v13, v31  }
0x24d: {  	v31 =	vmul.f32 v44, v51;
	v44 =	vmul.f32 v44, v50;
	v11 =	vadd.f32 v11, v48  }
0x24e: {  	v48 =	vmul.f32 v46, v56;
	v12 =	vadd.f32 v12, v41;
	v41 =	vmul.f32 v46, v51  }
0x24f: {  	v29 =	vadd.f32 v29, v45;
	v45 =	vmul.f32 v6, v1;
	v37 =	vadd.f32 v37, v47  }
0x250: {  	v16 =	vadd.f32 v18, v16;
	v18 =	vmul.f32 v46, v0;
	v26 =	vadd.f32 v26, v42  }
0x251: {  	v42 =	vmul.f32 v46, v1;
	v27 =	vadd.f32 v27, v31;
	v31 =	vmul.f32 v6, v54;
	v54 =	vld [tilespmem:$0x1FFA0]  }
0x252: {  	v23 =	vadd.f32 v23, v43;
	v10 =	vadd.f32 v10, v44;
	v44 =	vmul.f32 v6, v0;
	v0 =	vld [tilespmem:$0x1FD40]  }
0x253: {  	v43 =	vmul.f32 v46, v49;
	v25 =	vadd.f32 v25, v40;
	v40 =	vmul.f32 v46, v53;
	v1 =	vld [tilespmem:$0x1FD70]  }
0x254: {  	v46 =	vmul.f32 v46, v50;
	v21 =	vadd.f32 v21, v48;
	v48 =	vmul.f32 v6, v49;
	v49 =	vld [tilespmem:$0x1FDB0]  }
0x255: {  	v33 =	vadd.f32 v33, v41;
	v41 =	vbroadcast v2, $0x4;
	v17 =	vadd.f32 v17, v45;
	v50 =	vld [tilespmem:$0x1FDF0]  }
0x256: {  	v18 =	vadd.f32 v32, v18;
	v32 =	vmul.f32 v6, v51;
	v6 =	vmul.f32 v6, v53;
	v53 =	vld [tilespmem:$0x1FF90]  }
0x257: {  	v14 =	vadd.f32 v14, v42;
	v42 =	vbroadcast v4, $0x4;
	v30 =	vadd.f32 v30, v43;
	v51 =	vld [tilespmem:$0x1FE30]  }
0x258: {  	v43 =	vbroadcast v3, $0x4;
	v34 =	vadd.f32 v34, v40;
	v15 =	vadd.f32 v15, v46  }
0x259: {  	v31 =	vadd.f32 v35, v31;
	v38 =	vadd.f32 v38, v44;
	v46 =	vmul.f32 v42, v54  }
0x25a: {  	v36 =	vadd.f32 v36, v48;
	v35 =	vmul.f32 v42, v0;
	v47 =	vmul.f32 v42, v1  }
0x25b: {  	v32 =	vadd.f32 v39, v32;
	v44 =	vmul.f32 v42, v49;
	v56 =	vmul.f32 v42, v50  }
0x25c: {  	v6 =	vadd.f32 v7, v6;
	v40 =	vmul.f32 v42, v53;
	v48 =	vmul.f32 v42, v51  }
0x25d: {  	v42 =	vmul.f32 v42, v63;
	v39 =	vmul.f32 v43, v53;
	v19 =	vadd.f32 v19, v46  }
0x25e: {  	v46 =	vmul.f32 v43, v1;
	v9 =	vadd.f32 v9, v35;
	v35 =	vmul.f32 v43, v49  }
0x25f: {  	v24 =	vadd.f32 v24, v47;
	v47 =	vmul.f32 v43, v50;
	v13 =	vadd.f32 v13, v44  }
0x260: {  	v44 =	vmul.f32 v43, v51;
	v20 =	vadd.f32 v20, v56;
	v56 =	vmul.f32 v41, v53  }
0x261: {  	v7 =	vadd.f32 v8, v40;
	v8 =	vmul.f32 v43, v54;
	v40 =	vmul.f32 v43, v0  }
0x262: {  	v43 =	vmul.f32 v43, v63;
	v22 =	vadd.f32 v22, v48;
	v48 =	vmul.f32 v41, v54  }
0x263: {  	v11 =	vadd.f32 v11, v42;
	v42 =	vmul.f32 v41, v0;
	v16 =	vadd.f32 v16, v39  }
0x264: {  	v39 =	vmul.f32 v41, v1;
	v12 =	vadd.f32 v12, v46;
	v46 =	vmul.f32 v41, v51  }
0x265: {  	v25 =	vadd.f32 v25, v35;
	v27 =	vadd.f32 v27, v47;
	v47 =	vmul.f32 v5, v54  }
0x266: {  	v28 =	vadd.f32 v28, v44;
	v54 =	vmul.f32 v5, v1;
	v29 =	vadd.f32 v29, v56  }
0x267: {  	v56 =	vmul.f32 v5, v49;
	v35 =	vld [tilespmem:s17+$0xFFFFFE30];
	v1 =	vbroadcast v2, $0x5;
	v8 =	vadd.f32 v26, v8  }
0x268: {  	v44 =	vld [tilespmem:s17+$0xFFFFFE40];
	v26 =	vmul.f32 v41, v49;
	v23 =	vadd.f32 v23, v40;
	v40 =	vmul.f32 v41, v50  }
0x269: {  	v2 =	vld [tilespmem:$0x1FA80];
	v41 =	vmul.f32 v41, v63;
	v63 =	vmul.f32 v5, v53;
	v10 =	vadd.f32 v10, v43  }
0x26a: {  	v53 =	vmul.f32 v5, v0;
	v21 =	vadd.f32 v21, v48;
	v18 =	vadd.f32 v18, v42;
	v0 =	vld [tilespmem:$0x1FD50]  }
0x26b: {  	v4 =	vbroadcast v4, $0x5;
	v14 =	vadd.f32 v14, v39;
	v34 =	vadd.f32 v34, v46;
	v49 =	vld [tilespmem:$0x1FD80]  }
0x26c: {  	v48 =	vmul.f32 v5, v50;
	v37 =	vadd.f32 v37, v47;
	v50 =	vld [tilespmem:$0x1FDC0];
	v36 =	vadd.f32 v36, v56  }
0x26d: {  	v3 =	vbroadcast v3, $0x5;
	v56 =	vld [tilespmem:$0x1FEF0];
	v26 =	vadd.f32 v30, v26;
	v33 =	vadd.f32 v33, v40  }
0x26e: {  	v5 =	vmul.f32 v5, v51;
	v38 =	vadd.f32 v38, v53;
	v53 =	vadd.f32 v17, v54;
	v54 =	vld [tilespmem:$0x1FE00]  }
0x26f: {  	v39 =	vmul.f32 v4, v60;
	v15 =	vadd.f32 v15, v41;
	v32 =	vadd.f32 v32, v48;
	v48 =	vld [tilespmem:$0x1FE40]  }
0x270: {  	v42 =	vmul.f32 v4, v62;
	v30 =	vld [tilespmem:s17+$0xFFFFFE10];
	v31 =	vadd.f32 v31, v63;
	v51 =	vadd.f32 v6, v5  }
0x271: {  	v40 =	vld [tilespmem:s17+$0xFFFFFE20];
	v19 =	vadd.f32 v19, v39;
	v39 =	vmul.f32 v3, v62;
	v41 =	vmul.f32 v1, v60  }
0x272: {  	v43 =	vld [tilespmem:s17+$0xFFFFFE50];
	v7 =	vadd.f32 v7, v42;
	v46 =	vmul.f32 v4, v0;
	v63 =	vmul.f32 v4, v49  }
0x273: {  	v5 =	vld [tilespmem:s17+$0xFFFFFE60];
	v16 =	vadd.f32 v16, v39;
	v47 =	vmul.f32 v4, v50;
	v45 =	vmul.f32 v4, v54  }
0x274: {  	v42 =	vld [tilespmem:s17+$0xFFFFFE70];
	[tilespmem:s17+$0x0] =	vst v2;
	v2 =	vadd.f32 v21, v41;
	v6 =	vmul.f32 v4, v48;
	v4 =	vmul.f32 v4, v56  }
0x275: {  	v39 =	vld [tilespmem:s17+$0xFFFFFEB0];
	v9 =	vadd.f32 v9, v46;
	v24 =	vadd.f32 v24, v63;
	v63 =	vmul.f32 v3, v60  }
0x276: {  	v41 =	vld [tilespmem:s17+$0xFFFFFF20];
	v13 =	vadd.f32 v13, v47;
	v7 =	vmul.f32 v7, v30;
	v19 =	vmul.f32 v19, v40  }
0x277: {  	v46 =	vld [tilespmem:s17+$0xFFFFFE80];
	v20 =	vadd.f32 v20, v45;
	v45 =	vmul.f32 v3, v0;
	v4 =	vadd.f32 v11, v4  }
0x278: {  	v47 =	vld [tilespmem:s17+$0xFFFFFE90];
	v11 =	vmul.f32 v3, v49;
	v8 =	vadd.f32 v8, v63;
	v63 =	vmul.f32 v3, v50  }
0x279: {  	v30 =	vld [tilespmem:s17+$0xFFFFFED0];
	v9 =	vmul.f32 v9, v35;
	v24 =	vmul.f32 v44, v24  }
0x27a: {  	v40 =	vld [tilespmem:s17+$0xFFFFFEF0];
	v6 =	vadd.f32 v22, v6;
	v13 =	vmul.f32 v43, v13;
	[tilespmem:s17+$0xFFFFFE10] =	vst v7;
	v7 =	vmul.f32 v1, v50  }
0x27b: {  	v22 =	vld [tilespmem:s17+$0xFFFFFEA0];
	[tilespmem:s17+$0xFFFFFE20] =	vst v19;
	v19 =	vmul.f32 v52, v62;
	v11 =	vadd.f32 v12, v11;
	v12 =	vmul.f32 v3, v54  }
0x27c: {  	v35 =	vld [tilespmem:s17+$0xFFFFFF10];
	v25 =	vadd.f32 v25, v63;
	v63 =	vmul.f32 v3, v48;
	v3 =	vmul.f32 v3, v56  }
0x27d: {  	v43 =	vld [tilespmem:s17+$0xFFFFFF30];
	v5 =	vmul.f32 v5, v20;
	v20 =	vmul.f32 v1, v49  }
0x27e: {  	v44 =	vld [tilespmem:s17+$0xFFFFFF40];
	v23 =	vadd.f32 v23, v45;
	v6 =	vmul.f32 v42, v6;
	[tilespmem:s17+$0xFFFFFE30] =	vst v9;
	v9 =	vmul.f32 v1, v48  }
0x27f: {  	v45 =	vld [tilespmem:s17+$0xFFFFFEC0];
	v4 =	vmul.f32 v46, v4;
	v47 =	vmul.f32 v16, v47;
	v12 =	vadd.f32 v27, v12  }
0x280: {  	v27 =	vld [tilespmem:s17+$0xFFFFFEE0];
	v28 =	vadd.f32 v28, v63;
	v63 =	vmul.f32 v1, v62;
	v3 =	vadd.f32 v10, v3  }
0x281: {  	[tilespmem:s17+$0xFFFFFE50] =	vst v13;
	v10 =	vld [tilespmem:s17+$0xFFFFFF00];
	v42 =	vadd.f32 v14, v20;
	v14 =	vmul.f32 v1, v54;
	v13 =	vmul.f32 v23, v39  }
0x282: {  	v26 =	vadd.f32 v26, v7;
	[tilespmem:s17+$0xFFFFFE60] =	vst v5;
	v39 =	vld [tilespmem:s17+$0xFFFFFF80];
	v5 =	vmul.f32 v52, v0;
	v8 =	vmul.f32 v8, v22  }
0x283: {  	[tilespmem:s17+$0xFFFFFE80] =	vst v4;
	v4 =	vmul.f32 v52, v50;
	v7 =	vadd.f32 v33, v14;
	v14 =	vadd.f32 v34, v9;
	v34 =	vld [tilespmem:s17+$0xFFFFFF70]  }
0x284: {  	v29 =	vadd.f32 v29, v63;
	v63 =	vmul.f32 v1, v0;
	v21 =	vadd.f32 v38, v5;
	v38 =	vld [tilespmem:s17+$0xFFFFFFB0]  }
0x285: {  	[tilespmem:s17+$0xFFFFFE40] =	vst v24;
	v1 =	vmul.f32 v1, v56;
	v5 =	vmul.f32 v40, v28;
	v40 =	vld [tilespmem:s17+$0xFFFFFFC0]  }
0x286: {  	v11 =	vmul.f32 v45, v11;
	v45 =	vld [tilespmem:s17+$0xFFFFFF90];
	[tilespmem:s17+$0xFFFFFEA0] =	vst v8;
	v8 =	vmul.f32 v52, v48;
	v17 =	vadd.f32 v18, v63  }
0x287: {  	[tilespmem:s17+$0xFFFFFE70] =	vst v6;
	v63 =	vld [tilespmem:s17+$0xFFFFFF50];
	v9 =	vadd.f32 v15, v1;
	v1 =	vmul.f32 v52, v60;
	v15 =	vmul.f32 v30, v25  }
0x288: {  	[tilespmem:s17+$0xFFFFFE90] =	vst v47;
	v23 =	vadd.f32 v36, v4;
	v36 =	vld [tilespmem:s17+$0xFFFFFFE0];
	v24 =	vmul.f32 v27, v12;
	v25 =	vmul.f32 v10, v3  }
0x289: {  	v19 =	vadd.f32 v31, v19;
	[tilespmem:s17+$0xFFFFFEB0] =	vst v13;
	v18 =	vld [tilespmem:s17+$0xFFFFFF60];
	v3 =	vmul.f32 v52, v54;
	v10 =	vmul.f32 v29, v35  }
0x28a: {  	v35 =	vld [tilespmem:s17+$0xFFFFFFD0];
	[tilespmem:s17+$0xFFFFFEC0] =	vst v11;
	v12 =	vmul.f32 v2, v41;
	v20 =	vadd.f32 v37, v1;
	v1 =	vmul.f32 v52, v49  }
0x28b: {  	v2 =	vadd.f32 v51, v8;
	v8 =	vmul.f32 v44, v42;
	v41 =	vld [tilespmem:s17+$0xFFFFFFF0];
	v4 =	vmul.f32 v17, v43;
	[tilespmem:s17+$0xFFFFFED0] =	vst v15  }
0x28c: {  	s19 =	simm.s32 $0x0;
	s18 =	simm.s32 $0x41F0;
	s25 =	simm.s32 $0x83A4;
	v37 =	vld [tilespmem:s17+$0xFFFFFFA0];
	v52 =	vmovc v61;
	v0 =	vadd.f32 v32, v3;
	v22 =	vadd.f32 v53, v1;
	v3 =	vmul.f32 v63, v26  }
.LBB2_5:
0x28d: {  	v13 =	vld [tilespmem:s25+$0x6]  }
0x28e: {  	[tilespmem:s17+$0xFFFFFEE0] =	vst v24;
	v47 =	vld [tilespmem:$0x1FEB0]  }
0x28f: {  	v16 =	vmul.f32 v18, v7;
	v7 =	vld [tilespmem:s25+$0xFFFFFFFA]  }
0x290: {  	v48 =	vld [tilespmem:$0x1FEC0];
	[tilespmem:s17+$0xFFFFFEF0] =	vst v5  }
0x291: {  	v33 =	vld [tilespmem:$0x1FED0];
	v5 =	vmul.f32 v39, v9;
	[tilespmem:s17+$0xFFFFFF00] =	vst v25;
	v25 =	vmul.f32 v21, v38  }
0x292: {  	v9 =	vld [tilespmem:s25+$0x0];
	[tilespmem:s17+$0xFFFFFF10] =	vst v10;
	v10 =	vmul.f32 v40, v22;
	v22 =	vbroadcast v13, $0x0  }
0x293: {  	[tilespmem:s17+$0xFFFFFF20] =	vst v12;
	v15 =	vbroadcast v13, $0x1;
	v21 =	vbroadcast v13, $0x2  }
0x294: {  	[tilespmem:$0x1F880] =	vst v7;
	v11 =	vbroadcast v7, $0x0;
	v12 =	vbroadcast v7, $0x1;
	v7 =	vld [tilespmem:$0x1FEE0]  }
0x295: {  	[tilespmem:s17+$0xFFFFFF30] =	vst v4;
	v1 =	vmul.f32 v22, v47;
	v4 =	vmul.f32 v15, v48  }
0x296: {  	v24 =	vmul.f32 v20, v37  }
0x297: {  	v20 =	vbroadcast v13, $0x3;
	v6 =	vmul.f32 v21, v33;
	v4 =	vadd.f32 v4, v1  }
0x298: {  	v17 =	vmul.f32 v34, v14;
	v14 =	vld [tilespmem:s25+$0xFFFFFFF4]  }
0x299: {  	[tilespmem:s17+$0xFFFFFF80] =	vst v5;
	v4 =	vadd.f32 v4, v6;
	v5 =	vmul.f32 v20, v7  }
0x29a: {  	v60 =	vld [tilespmem:$0x1FD00];
	[tilespmem:s17+$0xFFFFFF40] =	vst v8  }
0x29b: {  	[tilespmem:s17+$0xFFFFFF50] =	vst v3;
	v4 =	vadd.f32 v4, v5;
	v5 =	vld [tilespmem:$0x1FE50]  }
0x29c: {  	v18 =	vmul.f32 v19, v45;
	v23 =	vmul.f32 v35, v23;
	[tilespmem:s17+$0xFFFFFF60] =	vst v16  }
0x29d: {  	[tilespmem:s17+$0xFFFFFF70] =	vst v17;
	v3 =	vbroadcast v14, $0x0;
	v8 =	vbroadcast v14, $0x1  }
0x29e: {  	v56 =	vld [tilespmem:$0x1FD20];
	v19 =	vbroadcast v13, $0x4;
	v51 =	vbroadcast v13, $0x5;
	[tilespmem:s17+$0xFFFFFF90] =	vst v18  }
0x29f: {  	v49 =	vld [tilespmem:$0x1FF00];
	[tilespmem:s17+$0xFFFFFFA0] =	vst v24;
	s17 =	sadd.s32 $0x200, s17;
	v16 =	vmul.f32 v3, v55;
	v13 =	vmul.f32 v8, v60  }
0x2a0: {  	v18 =	vld [tilespmem:s17+$0x0];
	v5 =	vmul.f32 v19, v5  }
0x2a1: {  	v2 =	vmul.f32 v41, v2;
	[tilespmem:s18+$0xFFFFFFD0] =	vst v23;
	v23 =	vadd.f32 v13, v16;
	v13 =	vld [tilespmem:s17+$0xFFFFFE20]  }
0x2a2: {  	v4 =	vadd.f32 v4, v5;
	v5 =	vld [tilespmem:$0x1FEF0]  }
0x2a3: {  	[tilespmem:s18+$0xFFFFFFF0] =	vst v2;
	v2 =	vld [tilespmem:s17+$0xFFFFFE40]  }
0x2a4: {  	v50 =	vld [tilespmem:$0x1FF10];
	_ =	sdelay $0x1  }
0x2a5: {  	v16 =	vmul.f32 v8, v56  }
0x2a6: {  	v62 =	vld [tilespmem:$0x1FF50];
	[tilespmem:$0x1F8B0] =	vst v13;
	v13 =	vmul.f32 v3, v59;
	v5 =	vmul.f32 v51, v5  }
0x2a7: {  	v54 =	vld [tilespmem:$0x1FF30];
	[tilespmem:$0x1F8D0] =	vst v2;
	v2 =	vmul.f32 v3, v49  }
0x2a8: {  	[tilespmem:s18+$0xFFFFFFB0] =	vst v25;
	v25 =	vadd.f32 v16, v13;
	v13 =	vld [tilespmem:s17+$0xFFFFFE60];
	v4 =	vadd.f32 v4, v5;
	v5 =	vmul.f32 v8, v50;
	_ =	sdelay $0x1  }
0x2a9: {  	v27 =	vadd.f32 v5, v2;
	v5 =	vld [tilespmem:s17+$0xFFFFFE70];
	_ =	sdelay $0x2  }
0x2aa: {  	[tilespmem:$0x1F910] =	vst v13;
	v13 =	vmul.f32 v3, v62;
	v2 =	vmul.f32 v8, v54;
	_ =	sdelay $0x1  }
0x2ab: {  	v29 =	vadd.f32 v2, v13;
	v2 =	vmul.f32 v12, v60;
	[tilespmem:$0x1F920] =	vst v5;
	v5 =	vmul.f32 v11, v55;
	_ =	sdelay $0x1  }
0x2ac: {  	v31 =	vadd.f32 v2, v5;
	v2 =	vld [tilespmem:s17+$0xFFFFFED0];
	_ =	sdelay $0x4  }
0x2ad: {  	[tilespmem:$0x1F9A0] =	vst v2;
	v2 =	vld [tilespmem:s17+$0xFFFFFEE0];
	_ =	sdelay $0x4  }
0x2ae: {  	[tilespmem:$0x1F9C0] =	vst v2;
	v2 =	vld [tilespmem:s17+$0xFFFFFEF0];
	_ =	sdelay $0x4  }
0x2af: {  	[tilespmem:$0x1F9E0] =	vst v2;
	v2 =	vld [tilespmem:s17+$0xFFFFFF00];
	_ =	sdelay $0x3  }
0x2b0: {  	[tilespmem:s18+$0xFFFFFFC0] =	vst v10;
	v10 =	vld [tilespmem:s17+$0xFFFFFE10]  }
0x2b1: {  	[tilespmem:$0x1F9F0] =	vst v2;
	v2 =	vld [tilespmem:s17+$0xFFFFFF10]  }
0x2b2: {  	v63 =	vld [tilespmem:$0x1FF60];
	v0 =	vmul.f32 v36, v0  }
0x2b3: {  	v53 =	vld [tilespmem:$0x1FF20]  }
0x2b4: {  	v34 =	vmov v52;
	v52 =	vld [tilespmem:$0x1FF80];
	[tilespmem:s18+$0xFFFFFFE0] =	vst v0  }
0x2b5: {  	v0 =	vld [tilespmem:s17+$0xFFFFFE30];
	[tilespmem:$0x1F8A0] =	vst v10  }
0x2b6: {  	v17 =	vmul.f32 v3, v57;
	v10 =	vmul.f32 v8, v58;
	[tilespmem:$0x1FA10] =	vst v2;
	v2 =	vld [tilespmem:s17+$0xFFFFFF20]  }
0x2b7: {  	v61 =	vld [tilespmem:$0x1FF40]  }
0x2b8: {  	v24 =	vadd.f32 v10, v17;
	v10 =	vld [tilespmem:s17+$0xFFFFFE50];
	_ =	sdelay $0x1  }
0x2b9: {  	[tilespmem:$0x1F8C0] =	vst v0  }
0x2ba: {  	v26 =	vmul.f32 v8, v52;
	v0 =	vmul.f32 v3, v63;
	[tilespmem:$0x1FA30] =	vst v2;
	v2 =	vld [tilespmem:s17+$0xFFFFFF30];
	_ =	sdelay $0x1  }
0x2bb: {  	v26 =	vadd.f32 v26, v0;
	v0 =	vmul.f32 v8, v61;
	[tilespmem:$0x1F8F0] =	vst v10;
	v10 =	vmul.f32 v3, v53;
	_ =	sdelay $0x1  }
0x2bc: {  	v28 =	vadd.f32 v0, v10;
	v0 =	vld [tilespmem:s17+$0xFFFFFE80]  }
0x2bd: {  	[tilespmem:$0x1FA50] =	vst v2;
	v2 =	vld [tilespmem:s17+$0xFFFFFF40];
	_ =	sdelay $0x3  }
0x2be: {  	[tilespmem:$0x1F930] =	vst v0;
	v0 =	vld [tilespmem:s17+$0xFFFFFE90]  }
0x2bf: {  	v1 =	vbroadcast v9, $0x0;
	[tilespmem:$0x1FA60] =	vst v2;
	v2 =	vld [tilespmem:s17+$0xFFFFFF50]  }
0x2c0: {  	v6 =	vbroadcast v9, $0x1  }
0x2c1: {  	v45 =	vmul.f32 v1, v57;
	v46 =	vmul.f32 v1, v59  }
0x2c2: {  	v42 =	vmul.f32 v1, v63;
	v43 =	vmul.f32 v1, v49  }
0x2c3: {  	v44 =	vmul.f32 v6, v50;
	v17 =	vmul.f32 v11, v53;
	[tilespmem:$0x1F940] =	vst v0;
	v0 =	vld [tilespmem:s17+$0xFFFFFEA0]  }
0x2c4: {  	v16 =	vmul.f32 v12, v50;
	v4 =	vmul.f32 v18, v4;
	[tilespmem:$0x1FA70] =	vst v2;
	v2 =	vld [tilespmem:s17+$0xFFFFFF60]  }
0x2c5: {  	v10 =	vmul.f32 v11, v63;
	v3 =	vmul.f32 v3, v47  }
0x2c6: {  	v18 =	vmul.f32 v11, v62;
	[tilespmem:s17+$0x0] =	vst v4;
	v4 =	vmul.f32 v8, v48  }
0x2c7: {  	v43 =	vadd.f32 v44, v43;
	v8 =	vmul.f32 v11, v57;
	v13 =	vmul.f32 v11, v49  }
0x2c8: {  	v30 =	vadd.f32 v4, v3;
	v3 =	vmul.f32 v12, v58;
	[tilespmem:$0x1F960] =	vst v0;
	v4 =	vmul.f32 v11, v59;
	v0 =	vld [tilespmem:s17+$0xFFFFFEB0]  }
0x2c9: {  	v35 =	vadd.f32 v16, v13;
	v16 =	vmul.f32 v12, v48;
	v11 =	vmul.f32 v11, v47;
	[tilespmem:$0x1F950] =	vst v2;
	v2 =	vld [tilespmem:s17+$0xFFFFFF70]  }
0x2ca: {  	v44 =	vmul.f32 v6, v54;
	v32 =	vadd.f32 v3, v8;
	v8 =	vmul.f32 v12, v52  }
0x2cb: {  	v13 =	vmul.f32 v12, v54;
	v38 =	vadd.f32 v16, v11;
	v11 =	vmul.f32 v6, v58  }
0x2cc: {  	v57 =	vmul.f32 v22, v57;
	v3 =	vld [tilespmem:s17+$0xFFFFFFA0];
	v8 =	vadd.f32 v8, v10;
	v10 =	vmul.f32 v12, v61  }
0x2cd: {  	v37 =	vadd.f32 v13, v18;
	[tilespmem:$0x1F970] =	vst v0;
	v0 =	vld [tilespmem:s17+$0xFFFFFEC0];
	v40 =	vadd.f32 v11, v45;
	v11 =	vmul.f32 v6, v52  }
0x2ce: {  	v18 =	vmul.f32 v6, v60;
	v36 =	vadd.f32 v10, v17;
	v17 =	vmul.f32 v1, v55;
	[tilespmem:$0x1F990] =	vst v2;
	v2 =	vld [tilespmem:s17+$0xFFFFFF80]  }
0x2cf: {  	v45 =	vmul.f32 v1, v53;
	v42 =	vadd.f32 v11, v42;
	v11 =	vmul.f32 v6, v61  }
0x2d0: {  	v13 =	vld [tilespmem:$0x1FE10];
	v5 =	vmul.f32 v12, v56;
	v39 =	vadd.f32 v18, v17;
	v18 =	vmul.f32 v6, v56  }
0x2d1: {  	[tilespmem:$0x1F900] =	vst v3;
	v3 =	vld [tilespmem:s17+$0xFFFFFFB0];
	v45 =	vadd.f32 v11, v45;
	v11 =	vmul.f32 v22, v55;
	v55 =	vmul.f32 v15, v60  }
0x2d2: {  	v60 =	vmul.f32 v22, v63;
	v63 =	vmul.f32 v15, v52;
	[tilespmem:$0x1F980] =	vst v0;
	v0 =	vadd.f32 v5, v4;
	v4 =	vld [tilespmem:$0x1FFB0]  }
0x2d3: {  	v6 =	vmul.f32 v6, v48;
	v41 =	vadd.f32 v18, v46;
	v46 =	vmul.f32 v1, v62;
	[tilespmem:$0x1FA20] =	vst v2;
	v2 =	vld [tilespmem:s17+$0xFFFFFF90]  }
0x2d4: {  	v1 =	vmul.f32 v1, v47;
	v48 =	vadd.f32 v63, v60;
	v60 =	vbroadcast v14, $0x2  }
0x2d5: {  	[tilespmem:$0x1F890] =	vst v9;
	v9 =	vld [tilespmem:$0x1F880];
	v44 =	vadd.f32 v44, v46;
	v46 =	vadd.f32 v55, v11;
	v11 =	vmul.f32 v15, v56  }
0x2d6: {  	v10 =	vld [tilespmem:$0x1F890];
	v56 =	vmul.f32 v22, v49;
	v16 =	vmul.f32 v60, v34  }
0x2d7: {  	v5 =	vld [tilespmem:$0x1FFD0];
	[tilespmem:$0x1FA00] =	vst v3;
	v63 =	vmul.f32 v60, v13;
	v49 =	vmul.f32 v60, v4  }
0x2d8: {  	v3 =	vld [tilespmem:$0x1FD90];
	[tilespmem:$0x1F8E0] =	vst v2;
	v2 =	vadd.f32 v6, v1;
	v1 =	vmul.f32 v15, v58;
	v6 =	vmul.f32 v22, v59  }
0x2d9: {  	v58 =	vmul.f32 v15, v50;
	v59 =	vmul.f32 v22, v53  }
0x2da: {  	v16 =	vadd.f32 v26, v16;
	v50 =	vmul.f32 v15, v61;
	v22 =	vmul.f32 v22, v62  }
0x2db: {  	v23 =	vadd.f32 v23, v49;
	v53 =	vbroadcast v9, $0x2;
	v62 =	vbroadcast v10, $0x2  }
0x2dc: {  	v47 =	vadd.f32 v1, v57;
	v56 =	vadd.f32 v58, v56;
	v58 =	vmul.f32 v15, v54  }
0x2dd: {  	v1 =	vld [tilespmem:s17+$0xFFFFFFC0];
	v55 =	vadd.f32 v50, v59;
	v50 =	vmul.f32 v60, v5;
	v54 =	vmul.f32 v60, v3  }
0x2de: {  	v57 =	vadd.f32 v11, v6;
	v6 =	vld [tilespmem:$0x1FFF0];
	v18 =	vmul.f32 v53, v5;
	v49 =	vmul.f32 v53, v34  }
0x2df: {  	v29 =	vadd.f32 v29, v63;
	v11 =	vld [tilespmem:$0x1FDD0];
	v59 =	vmul.f32 v53, v3;
	v63 =	vmul.f32 v62, v4  }
0x2e0: {  	v15 =	vbroadcast v14, $0x3;
	v22 =	vadd.f32 v58, v22;
	v24 =	vadd.f32 v24, v50  }
0x2e1: {  	v58 =	vmul.f32 v53, v4;
	v27 =	vadd.f32 v27, v54;
	v18 =	vadd.f32 v32, v18  }
0x2e2: {  	v32 =	vmul.f32 v62, v13;
	v35 =	vadd.f32 v35, v59;
	v59 =	vmul.f32 v21, v3;
	[tilespmem:$0x1FA40] =	vst v1;
	v1 =	vld [tilespmem:s17+$0xFFFFFFD0]  }
0x2e3: {  	v31 =	vadd.f32 v31, v58;
	v58 =	vmul.f32 v62, v3;
	v52 =	vmul.f32 v60, v6  }
0x2e4: {  	v34 =	vadd.f32 v8, v49;
	v17 =	vmul.f32 v60, v11;
	v60 =	vmul.f32 v60, v33  }
0x2e5: {  	v8 =	vld [tilespmem:$0x1FFC0];
	v39 =	vadd.f32 v39, v63;
	v26 =	vmul.f32 v53, v6;
	v50 =	vmul.f32 v53, v11  }
0x2e6: {  	v63 =	vld [tilespmem:$0x1FD60];
	v32 =	vadd.f32 v44, v32;
	v61 =	vmul.f32 v62, v11;
	v49 =	vmul.f32 v21, v6  }
0x2e7: {  	v43 =	vadd.f32 v43, v58;
	v30 =	vadd.f32 v30, v60;
	v60 =	vmul.f32 v62, v6;
	[tilespmem:$0x1F9B0] =	vst v1;
	v1 =	vld [tilespmem:s17+$0xFFFFFFE0]  }
0x2e8: {  	v11 =	vmul.f32 v21, v11;
	v25 =	vadd.f32 v25, v52;
	v26 =	vadd.f32 v0, v26;
	v0 =	vld [tilespmem:$0x1FF70]  }
0x2e9: {  	v17 =	vadd.f32 v28, v17;
	v28 =	vmul.f32 v53, v13;
	v41 =	vadd.f32 v41, v60;
	v60 =	vld [tilespmem:$0x1FDA0]  }
0x2ea: {  	v53 =	vmul.f32 v53, v33;
	v36 =	vadd.f32 v36, v50;
	v50 =	vbroadcast v9, $0x3  }
0x2eb: {  	v52 =	vmul.f32 v62, v5;
	v45 =	vadd.f32 v45, v61;
	v11 =	vadd.f32 v55, v11  }
0x2ec: {  	v28 =	vadd.f32 v37, v28;
	v37 =	vbroadcast v10, $0x3;
	v55 =	vmul.f32 v50, v63;
	[tilespmem:$0x1F9D0] =	vst v1;
	v1 =	vld [tilespmem:$0x1FF70]  }
0x2ed: {  	v38 =	vadd.f32 v38, v53;
	v6 =	vmul.f32 v21, v0;
	v0 =	vmul.f32 v15, v8  }
0x2ee: {  	v40 =	vadd.f32 v40, v52;
	v34 =	vadd.f32 v34, v55;
	v44 =	vmul.f32 v15, v60  }
0x2ef: {  	v61 =	vld [tilespmem:$0x1FE20];
	v55 =	vbroadcast v9, $0x4;
	v6 =	vadd.f32 v48, v6;
	v3 =	vadd.f32 v23, v0  }
0x2f0: {  	v0 =	vmul.f32 v37, v63;
	v27 =	vadd.f32 v27, v44;
	v44 =	vmul.f32 v37, v8  }
0x2f1: {  	v48 =	vadd.f32 v56, v59;
	v54 =	vmul.f32 v62, v1;
	v62 =	vmul.f32 v62, v33  }
0x2f2: {  	v39 =	vadd.f32 v39, v44;
	v33 =	vmul.f32 v21, v4;
	v4 =	vmul.f32 v21, v5;
	v1 =	vld [tilespmem:$0x1FFE0]  }
0x2f3: {  	v21 =	vmul.f32 v21, v13;
	v13 =	vld [tilespmem:$0x1FD30];
	v42 =	vadd.f32 v42, v54;
	v54 =	vmul.f32 v15, v63  }
0x2f4: {  	v4 =	vadd.f32 v47, v4;
	v47 =	vadd.f32 v57, v49;
	v49 =	vmul.f32 v15, v61  }
0x2f5: {  	v5 =	vadd.f32 v2, v62;
	v21 =	vadd.f32 v22, v21;
	v22 =	vmul.f32 v50, v8  }
0x2f6: {  	v62 =	vld [tilespmem:$0x1FDE0];
	v16 =	vadd.f32 v16, v54;
	v54 =	vmul.f32 v50, v61;
	v29 =	vadd.f32 v29, v49  }
0x2f7: {  	v49 =	vmul.f32 v37, v60;
	v22 =	vadd.f32 v31, v22;
	v31 =	vmul.f32 v20, v8  }
0x2f8: {  	v33 =	vadd.f32 v46, v33;
	v53 =	vmul.f32 v15, v1;
	v52 =	vmul.f32 v15, v13  }
0x2f9: {  	v42 =	vadd.f32 v42, v0;
	v23 =	vmul.f32 v50, v1;
	v57 =	vmul.f32 v37, v1  }
0x2fa: {  	v8 =	vmul.f32 v20, v1;
	v28 =	vadd.f32 v28, v54;
	v43 =	vadd.f32 v43, v49  }
0x2fb: {  	v46 =	vmul.f32 v15, v62;
	v15 =	vmul.f32 v15, v7;
	v24 =	vadd.f32 v24, v53  }
0x2fc: {  	v53 =	vmul.f32 v50, v13;
	v25 =	vadd.f32 v25, v52;
	v52 =	vmul.f32 v50, v60  }
0x2fd: {  	v31 =	vadd.f32 v33, v31;
	v56 =	vmul.f32 v50, v62;
	v50 =	vmul.f32 v50, v7  }
0x2fe: {  	v59 =	vmul.f32 v37, v62;
	v18 =	vadd.f32 v18, v23;
	v23 =	vmul.f32 v20, v13  }
0x2ff: {  	v58 =	vld [tilespmem:$0x1FF90];
	v2 =	vmul.f32 v20, v62;
	v40 =	vadd.f32 v40, v57;
	v17 =	vadd.f32 v17, v46  }
0x300: {  	v0 =	vld [tilespmem:$0x1FE30];
	v46 =	vmul.f32 v37, v13;
	v15 =	vadd.f32 v30, v15;
	v30 =	vmul.f32 v37, v61  }
0x301: {  	v57 =	vld [tilespmem:$0x1FDF0];
	v4 =	vadd.f32 v4, v8;
	v37 =	vmul.f32 v37, v7;
	v13 =	vmul.f32 v20, v63  }
0x302: {  	v26 =	vadd.f32 v26, v53;
	v53 =	vmul.f32 v20, v60;
	v63 =	vbroadcast v14, $0x4;
	v7 =	vld [tilespmem:$0x1FFA0]  }
0x303: {  	v20 =	vmul.f32 v20, v61;
	v35 =	vadd.f32 v35, v52;
	v36 =	vadd.f32 v36, v56;
	v60 =	vld [tilespmem:$0x1FD40]  }
0x304: {  	v52 =	vbroadcast v10, $0x4;
	v38 =	vadd.f32 v38, v50;
	v61 =	vld [tilespmem:$0x1FD70];
	v45 =	vadd.f32 v45, v59  }
0x305: {  	v56 =	vld [tilespmem:$0x1FDB0];
	v23 =	vadd.f32 v47, v23;
	v11 =	vadd.f32 v11, v2;
	v14 =	vbroadcast v14, $0x5  }
0x306: {  	v50 =	vld [tilespmem:$0x1FE50];
	v1 =	vmul.f32 v63, v58;
	v41 =	vadd.f32 v41, v46;
	v33 =	vmul.f32 v63, v0  }
0x307: {  	v30 =	vadd.f32 v32, v30;
	v47 =	vadd.f32 v48, v53;
	v48 =	vmul.f32 v55, v58  }
0x308: {  	v32 =	vmul.f32 v63, v57;
	v29 =	vadd.f32 v29, v33;
	v33 =	vmul.f32 v52, v57  }
0x309: {  	v8 =	vadd.f32 v3, v1;
	v1 =	vmul.f32 v52, v0;
	v54 =	vmul.f32 v63, v7  }
0x30a: {  	v5 =	vadd.f32 v5, v37;
	v44 =	vmul.f32 v63, v60;
	v46 =	vmul.f32 v63, v61  }
0x30b: {  	v6 =	vadd.f32 v6, v13;
	v49 =	vmul.f32 v63, v56;
	v37 =	vmul.f32 v63, v50  }
0x30c: {  	v20 =	vadd.f32 v21, v20;
	v3 =	vmul.f32 v55, v7;
	v21 =	vmul.f32 v55, v60  }
0x30d: {  	v59 =	vld [tilespmem:$0x1FE50];
	v22 =	vadd.f32 v22, v48;
	v50 =	vmul.f32 v55, v61;
	v53 =	vmul.f32 v55, v56  }
0x30e: {  	v13 =	vmul.f32 v52, v60;
	v17 =	vadd.f32 v17, v32;
	v32 =	vmul.f32 v52, v61  }
0x30f: {  	v2 =	vmul.f32 v52, v56;
	v33 =	vadd.f32 v45, v33;
	v30 =	vadd.f32 v30, v1  }
0x310: {  	v48 =	vmul.f32 v19, v7;
	v24 =	vadd.f32 v24, v54;
	v25 =	vadd.f32 v25, v44  }
0x311: {  	v44 =	vmul.f32 v55, v57;
	v54 =	vmul.f32 v55, v0;
	v16 =	vadd.f32 v16, v46  }
0x312: {  	v46 =	vmul.f32 v55, v59;
	v55 =	vmul.f32 v52, v58;
	v27 =	vadd.f32 v27, v49  }
0x313: {  	v62 =	vld [tilespmem:$0x1FE70];
	v49 =	vmul.f32 v52, v7;
	v15 =	vadd.f32 v15, v37;
	v37 =	vmul.f32 v52, v59  }
0x314: {  	v63 =	vld [tilespmem:$0x1FD10];
	v52 =	vmul.f32 v19, v58;
	v59 =	vmul.f32 v19, v60;
	v3 =	vadd.f32 v18, v3  }
0x315: {  	v18 =	vmul.f32 v19, v61;
	v21 =	vadd.f32 v26, v21;
	v26 =	vmul.f32 v19, v57;
	v57 =	vld [tilespmem:$0x1FD50]  }
0x316: {  	v60 =	vmul.f32 v19, v56;
	v34 =	vadd.f32 v34, v50;
	v41 =	vadd.f32 v41, v13;
	v13 =	vld [tilespmem:$0x1FD80]  }
0x317: {  	v19 =	vmul.f32 v19, v0;
	v35 =	vadd.f32 v35, v53;
	v43 =	vadd.f32 v43, v2;
	v61 =	vld [tilespmem:$0x1FDC0]  }
0x318: {  	v7 =	vbroadcast v9, $0x5;
	v58 =	vld [tilespmem:$0x1FE00];
	v1 =	vadd.f32 v4, v48;
	v36 =	vadd.f32 v36, v44  }
0x319: {  	v9 =	vbroadcast v10, $0x5;
	v4 =	vld [tilespmem:$0x1FE40];
	v28 =	vadd.f32 v28, v54;
	v38 =	vadd.f32 v38, v46  }
0x31a: {  	v44 =	vmul.f32 v14, v62;
	v39 =	vadd.f32 v39, v55;
	v40 =	vadd.f32 v40, v49  }
0x31b: {  	v11 =	vadd.f32 v11, v26;
	v26 =	vmul.f32 v7, v62;
	v53 =	vmul.f32 v14, v63  }
0x31c: {  	v2 =	vadd.f32 v5, v37;
	v54 =	vmul.f32 v14, v57;
	v55 =	vmul.f32 v14, v13  }
0x31d: {  	v6 =	vadd.f32 v6, v18;
	v45 =	vmul.f32 v14, v61;
	v56 =	vmul.f32 v14, v58  }
0x31e: {  	v5 =	vld [tilespmem:$0x1FEF0];
	v50 =	vadd.f32 v20, v19;
	v48 =	vmul.f32 v14, v4;
	v20 =	vmul.f32 v7, v13  }
0x31f: {  	v0 =	vadd.f32 v8, v44;
	v44 =	vmul.f32 v7, v61;
	v46 =	vmul.f32 v7, v58  }
0x320: {  	v18 =	vadd.f32 v47, v60;
	v49 =	vmul.f32 v7, v4;
	v37 =	vmul.f32 v9, v61  }
0x321: {  	v26 =	vadd.f32 v22, v26;
	v22 =	vmul.f32 v51, v57;
	v60 =	vmul.f32 v51, v13  }
0x322: {  	v61 =	vmul.f32 v51, v61;
	v17 =	vadd.f32 v17, v56;
	v56 =	vmul.f32 v51, v63  }
0x323: {  	v14 =	vmul.f32 v14, v5;
	v25 =	vadd.f32 v25, v54;
	v16 =	vadd.f32 v16, v55  }
0x324: {  	v54 =	vmul.f32 v9, v58;
	v34 =	vadd.f32 v34, v20;
	v20 =	vadd.f32 v1, v56;
	v1 =	vld [tilespmem:$0x1F930]  }
0x325: {  	v29 =	vadd.f32 v29, v48;
	v48 =	vmul.f32 v9, v4;
	v55 =	vmul.f32 v51, v62  }
0x326: {  	v58 =	vmul.f32 v51, v58;
	v51 =	vmul.f32 v51, v4;
	v4 =	vld [tilespmem:$0x1F8A0]  }
0x327: {  	v15 =	vadd.f32 v15, v14;
	_ =	sdelay $0x1  }
0x328: {  	v1 =	vmul.f32 v1, v15;
	_ =	sdelay $0x1  }
0x329: {  	v0 =	vmul.f32 v0, v4;
	[tilespmem:s17+$0xFFFFFE80] =	vst v1;
	v1 =	vld [tilespmem:$0x1F960]  }
0x32a: {  	v47 =	vmul.f32 v7, v63  }
0x32b: {  	[tilespmem:s17+$0xFFFFFE10] =	vst v0;
	v0 =	vld [tilespmem:$0x1F8C0]  }
0x32c: {  	v3 =	vadd.f32 v3, v47;
	_ =	sdelay $0x1  }
0x32d: {  	v1 =	vmul.f32 v3, v1  }
0x32e: {  	v4 =	vld [tilespmem:$0x1F8B0]  }
0x32f: {  	v0 =	vmul.f32 v25, v0;
	[tilespmem:s17+$0xFFFFFEA0] =	vst v1;
	v1 =	vld [tilespmem:$0x1F9C0];
	_ =	sdelay $0x1  }
0x330: {  	[tilespmem:s17+$0xFFFFFE30] =	vst v0;
	v0 =	vld [tilespmem:$0x1F8F0]  }
0x331: {  	v24 =	vadd.f32 v24, v53;
	v36 =	vadd.f32 v36, v46;
	_ =	sdelay $0x1  }
0x332: {  	v27 =	vadd.f32 v27, v45;
	v14 =	vmul.f32 v24, v4;
	v24 =	vmul.f32 v1, v36;
	v1 =	vld [tilespmem:$0x1F9E0]  }
0x333: {  	v32 =	vadd.f32 v42, v32;
	v42 =	vmul.f32 v9, v62  }
0x334: {  	v31 =	vadd.f32 v31, v52;
	v52 =	vmul.f32 v9, v63;
	v0 =	vmul.f32 v0, v27  }
0x335: {  	v19 =	vmul.f32 v7, v57;
	v53 =	vmul.f32 v9, v13;
	v28 =	vadd.f32 v28, v49;
	v4 =	vld [tilespmem:$0x1F8D0]  }
0x336: {  	v7 =	vmul.f32 v7, v5;
	v45 =	vmul.f32 v9, v57;
	[tilespmem:s17+$0xFFFFFE50] =	vst v0;
	v0 =	vld [tilespmem:$0x1F920]  }
0x337: {  	v9 =	vmul.f32 v9, v5;
	v5 =	vmul.f32 v1, v28;
	v1 =	vld [tilespmem:$0x1F9F0];
	_ =	sdelay $0x2  }
0x338: {  	v38 =	vadd.f32 v38, v7  }
0x339: {  	[tilespmem:s17+$0xFFFFFE20] =	vst v14;
	v14 =	vmul.f32 v4, v16;
	v4 =	vld [tilespmem:$0x1F910]  }
0x33a: {  	v0 =	vmul.f32 v0, v29;
	v25 =	vmul.f32 v1, v38;
	v1 =	vld [tilespmem:$0x1FA10];
	_ =	sdelay $0x1  }
0x33b: {  	[tilespmem:s17+$0xFFFFFE70] =	vst v0;
	v0 =	vld [tilespmem:$0x1F940]  }
0x33c: {  	v12 =	vld [tilespmem:s17+$0xFFFFFFF0];
	v39 =	vadd.f32 v39, v42  }
0x33d: {  	v17 =	vmul.f32 v4, v17;
	v4 =	vld [tilespmem:$0x1F980]  }
0x33e: {  	v23 =	vadd.f32 v23, v59;
	v10 =	vmul.f32 v39, v1;
	v1 =	vld [tilespmem:$0x1FA30]  }
0x33f: {  	v63 =	vadd.f32 v21, v19  }
0x340: {  	v59 =	vld [tilespmem:$0x1FEA0];
	v21 =	vadd.f32 v23, v22;
	v22 =	vadd.f32 v6, v60;
	v6 =	vmul.f32 v26, v0  }
0x341: {  	v40 =	vadd.f32 v40, v52;
	v52 =	vld [tilespmem:$0x1FF70]  }
0x342: {  	[tilespmem:s17+$0xFFFFFE90] =	vst v6;
	v6 =	vmul.f32 v4, v34;
	v4 =	vld [tilespmem:$0x1F9A0]  }
0x343: {  	v16 =	vadd.f32 v41, v45;
	v41 =	vmov v12;
	v12 =	vmul.f32 v40, v1;
	v1 =	vld [tilespmem:$0x1FA50]  }
0x344: {  	v57 =	vld [tilespmem:$0x1FE80]  }
0x345: {  	v23 =	vadd.f32 v18, v61;
	v18 =	vld [tilespmem:$0x1F950]  }
0x346: {  	v35 =	vadd.f32 v35, v44;
	v19 =	vadd.f32 v31, v55;
	v55 =	vld [tilespmem:$0x1FE60]  }
0x347: {  	v9 =	vadd.f32 v2, v9;
	v2 =	vld [tilespmem:$0x1F970]  }
0x348: {  	v0 =	vadd.f32 v11, v58;
	v11 =	vmul.f32 v4, v35;
	v4 =	vmul.f32 v16, v1;
	v1 =	vld [tilespmem:$0x1FA60]  }
0x349: {  	v45 =	vld [tilespmem:$0x1F8E0]  }
0x34a: {  	v27 =	vadd.f32 v43, v37;
	v37 =	vld [tilespmem:$0x1F900]  }
0x34b: {  	v32 =	vadd.f32 v32, v53;
	v36 =	vld [tilespmem:$0x1F9D0]  }
0x34c: {  	s19 =	sadd.s32 $0x4, s19;
	v3 =	vmul.f32 v63, v2;
	v38 =	vld [tilespmem:$0x1FA00]  }
0x34d: {  	p2 =	slt.u32 s19, $0x7C;
	v8 =	vmul.f32 v1, v32;
	v1 =	vld [tilespmem:$0x1FA70]  }
.Ltmp3:
0x34e: {  	[tilespmem:s17+$0xFFFFFEB0] =	vst v3;
	v58 =	vld [tilespmem:$0x1FE90];
	(pc) =	sbr.rel @p2 .LBB2_5-.Ltmp3, $4  }
0x34f: {  	[tilespmem:s17+$0xFFFFFE40] =	vst v14;
	v34 =	vld [tilespmem:$0x1F990]  }
0x350: {  	[tilespmem:s17+$0xFFFFFE60] =	vst v17;
	v39 =	vld [tilespmem:$0x1FA20]  }
0x351: {  	v7 =	vadd.f32 v33, v54;
	[tilespmem:s17+$0xFFFFFEC0] =	vst v6;
	v35 =	vld [tilespmem:$0x1F9B0]  }
0x352: {  	s25 =	sadd.s32 $0x18, s25;
	s18 =	smov.u32 s17;
	v2 =	vadd.f32 v50, v51;
	v14 =	vadd.f32 v30, v48;
	v40 =	vld [tilespmem:$0x1FA40];
	[tilespmem:s17+$0xFFFFFED0] =	vst v11;
	v3 =	vmul.f32 v1, v27  }
0x353: {  	v27 =	vld [tilespmem:$0x1FEF0]  }
0x354: {  	v16 =	vld [tilespmem:$0x1FEE0]  }
0x355: {  	v47 =	vld [tilespmem:$0x1FED0]  }
0x356: {  	v11 =	vld [tilespmem:$0x1FEC0]  }
0x357: {  	v6 =	vld [tilespmem:$0x1FEB0]  }
0x358: {  	v33 =	vld [tilespmem:$0x1FF30]  }
0x359: {  	v32 =	vld [tilespmem:$0x1FF50]  }
0x35a: {  	v31 =	vld [tilespmem:$0x1FF40]  }
0x35b: {  	v30 =	vld [tilespmem:$0x1FF20]  }
0x35c: {  	v29 =	vld [tilespmem:$0x1FF10]  }
0x35d: {  	v28 =	vld [tilespmem:$0x1FF00]  }
0x35e: {  	v53 =	vld [tilespmem:$0x1FF80]  }
0x35f: {  	v26 =	vld [tilespmem:$0x1FF60]  }
0x360: {  	v60 =	vld [tilespmem:$0x1FFF0]  }
0x361: {  	v51 =	vld [tilespmem:$0x1FFE0]  }
0x362: {  	v46 =	vld [tilespmem:$0x1FFD0]  }
0x363: {  	v50 =	vld [tilespmem:$0x1FF90]  }
0x364: {  	v49 =	vld [tilespmem:$0x1FFC0]  }
0x365: {  	v44 =	vld [tilespmem:$0x1FFB0];
	[tilespmem:s17+$0xFFFFFEE0] =	vst v24  }
0x366: {  	[tilespmem:s17+$0xFFFFFEF0] =	vst v5  }
0x367: {  	[tilespmem:s17+$0xFFFFFF00] =	vst v25  }
0x368: {  	[tilespmem:s17+$0xFFFFFF10] =	vst v10  }
0x369: {  	[tilespmem:s17+$0xFFFFFF20] =	vst v12  }
0x36a: {  	[tilespmem:s17+$0xFFFFFF30] =	vst v4  }
0x36b: {  	v1 =	vmul.f32 v18, v7;
	[tilespmem:s17+$0xFFFFFF40] =	vst v8  }
0x36c: {  	v54 =	vmul.f32 v19, v45;
	[tilespmem:s17+$0xFFFFFF50] =	vst v3  }
0x36d: {  	v4 =	vmul.f32 v34, v14;
	[tilespmem:s17+$0xFFFFFF60] =	vst v1  }
0x36e: {  	v48 =	vmul.f32 v39, v9;
	[tilespmem:s17+$0xFFFFFF90] =	vst v54  }
0x36f: {  	[tilespmem:s17+$0xFFFFFF70] =	vst v4;
	v4 =	vmul.f32 v20, v37  }
0x370: {  	v56 =	vmul.f32 v21, v38;
	[tilespmem:s17+$0xFFFFFF80] =	vst v48  }
0x371: {  	v61 =	vmul.f32 v40, v22;
	[tilespmem:s17+$0xFFFFFFA0] =	vst v4  }
0x372: {  	v0 =	vmul.f32 v36, v0;
	[tilespmem:s18+$0xFFFFFFB0] =	vst v56  }
0x373: {  	v63 =	vmul.f32 v41, v2;
	[tilespmem:s18+$0xFFFFFFC0] =	vst v61  }
0x374: {  	v4 =	vmul.f32 v35, v23;
	[tilespmem:s18+$0xFFFFFFE0] =	vst v0  }
0x375: {  	[tilespmem:s18+$0xFFFFFFF0] =	vst v63  }
.Ltmp4:
0x376: {  	[tilespmem:s18+$0xFFFFFFD0] =	vst v4;
	(pc) =	sbr.rel @p1 .LBB2_8-.Ltmp4, $4  }
0x377: {  	[spmem:s6] =	stream.indirect.scatter.add.f32 [tilespmem:s28], [sflag:$0x3], $0x80, s30, s3, $0xb8;
	[tilespmem:$0x1CB00] =	vst v63  }
0x378: {  	_ =	swait.ge [sflag:s23], $0x4000  }
0x379: {  	[sflag:s23] =	ssyncset.done $0x0  }
0x37a: {  	[sflag:s23] =	ssyncadd.s32 $0xFFFFC000  }
0x37b: {  	s17 =	sadd.s32 $0x3, s24  }
0x37c: {  	s18 =	sshll.u32 s17, $0xB  }
0x37d: {  	s18 =	sand.u32 $0x1FFFF800, s18  }
0x37e: {  	s19 =	smul.u32 $0x60, s17;
	s18 =	sadd.s32 s0, s18  }
0x37f: {  	[tilespmem:s28], [sflag:$0x2] =	stream.linear.gather [hbm4b:s18+s7], $0x4000, $0x38;
	[tilespmem:$0x1CB00] =	vst v63  }
.Ltmp5:
0x380: {  	s17 =	sshll.u32 s17, $0x4;
	(pc) =	sbr.rel .LBB2_2-.Ltmp5, $4  }
0x381: {  	s17 =	sand.u32 $0x1FFFFFF0, s17;
	s25 =	sadd.s32 s8, s19  }
0x382: {  	[tilespmem:s29], [sflag:$0x2] =	stream.linear.gather [hbm4b:s25+s7], $0x300, $0x38;
	[tilespmem:$0x1CB00] =	vst v63  }
0x383: {  	s5 =	sadd.s32 $0x1, s5;
	v3 =	vmovc v44;
	v44 =	vmov v46;
	v1 =	vmov v51;
	v51 =	vmov v26;
	s17 =	sadd.s32 s1, s17  }
0x384: {  	v63 =	vmovc v53;
	v49 =	vmovc v31;
	v50 =	vmov v32;
	v43 =	vmov v33;
	v46 =	vmov v16;
	[tilespmem:s30], [sflag:$0x2] =	stream.linear.gather [hbm4b:s17+s7], $0x80, $0x38;
	[tilespmem:$0x1CB00] =	vst v63  }
.LBB2_8:
.Ltmp6:
0x385: {  	(pc) =	sbr.rel @p0 .LBB2_12-.Ltmp6, $1  }
0x386: {  	_ =	sdelay $0x3  }
0x387: {  	s5 =	rddreg [dreg:$0x7]  }
0x388: {  	[tilespmem:s7], [sflag:$0x1] =	stream.linear.gather [hbm4b:s5+s7], $0x4000, $0x38;
	[tilespmem:$0x1CB00] =	vst v63  }
0x389: {  	s19 =	rddreg [dreg:$0x8];
	s17 =	simm.s32 $0x8000  }
0x38a: {  	[tilespmem:s17], [sflag:$0x1] =	stream.linear.gather [hbm4b:s19+s7], $0x300, $0x38;
	[tilespmem:$0x1CB00] =	vst v63  }
0x38b: {  	s24 =	rddreg [dreg:$0x9]  }
0x38c: {  	[tilespmem:s26], [sflag:$0x1] =	stream.linear.gather [hbm4b:s24+s7], $0x80, $0x38;
	[tilespmem:$0x1CB00] =	vst v63  }
0x38d: {  	_ =	swait.ge [sflag:s31], $0x4000  }
0x38e: {  	[sflag:s31] =	ssyncset.done $0x0  }
0x38f: {  	[sflag:s31] =	ssyncadd.s32 $0xFFFFC000  }
0x390: {  	_ =	swait.ge [sflag:s31], $0x300  }
0x391: {  	[sflag:s31] =	ssyncset.done $0x0  }
0x392: {  	[sflag:s31] =	ssyncadd.s32 $0xFFFFFD00  }
0x393: {  	_ =	swait.ge [sflag:s31], $0x80  }
0x394: {  	[sflag:s31] =	ssyncset.done $0x0  }
0x395: {  	s25 =	simm.s32 $0x800C;
	[sflag:s31] =	ssyncadd.s32 $0xFFFFFF80  }
0x396: {  	v0 =	vld [tilespmem:s25+$0x6]  }
0x397: {  	v3 =	vld [tilespmem:s25+$0xFFFFFFFA]  }
0x398: {  	v4 =	vld [tilespmem:s25+$0xFFFFFFF4]  }
0x399: {  	v60 =	vld [tilespmem:s25+$0x0];
	_ =	sdelay $0x1  }
0x39a: {  	v8 =	vbroadcast v0, $0x0  }
0x39b: {  	v9 =	vbroadcast v0, $0x1;
	v10 =	vbroadcast v3, $0x0  }
0x39c: {  	v7 =	vbroadcast v0, $0x2;
	v12 =	vbroadcast v4, $0x1  }
0x39d: {  	v40 =	vld [tilespmem:$0x1FD20];
	v14 =	vbroadcast v3, $0x1;
	v15 =	vbroadcast v60, $0x0  }
0x39e: {  	v17 =	vbroadcast v60, $0x1;
	v63 =	vbroadcast v0, $0x5  }
0x39f: {  	v2 =	vmul.f32 v8, v6;
	v5 =	vmul.f32 v9, v11  }
0x3a0: {  	v45 =	vmovc v6;
	v46 =	vmov v11;
	v11 =	vbroadcast v4, $0x0;
	v6 =	vbroadcast v0, $0x3  }
0x3a1: {  	v19 =	vmov v16;
	v16 =	vmul.f32 v7, v47;
	v21 =	vmul.f32 v12, v58  }
0x3a2: {  	v27 =	vmul.f32 v63, v27;
	v23 =	vmul.f32 v12, v40  }
0x3a3: {  	v25 =	vmul.f32 v12, v53;
	v34 =	vmul.f32 v14, v53  }
0x3a4: {  	v1 =	vmul.f32 v14, v29;
	v36 =	vmul.f32 v15, v55  }
0x3a5: {  	v37 =	vmul.f32 v15, v57;
	v2 =	vadd.f32 v5, v2;
	v5 =	vbroadcast v0, $0x4;
	v0 =	vld [tilespmem:$0x1FE50]  }
0x3a6: {  	v38 =	vmul.f32 v15, v59;
	v56 =	vmul.f32 v17, v40  }
0x3a7: {  	v39 =	vld [tilespmem:$0x1FD00];
	v35 =	vmul.f32 v17, v53;
	v41 =	vmul.f32 v17, v31  }
0x3a8: {  	v42 =	vmul.f32 v15, v32;
	v18 =	vmul.f32 v6, v19;
	v2 =	vadd.f32 v2, v16  }
0x3a9: {  	v61 =	vmov v19;
	v43 =	vmul.f32 v17, v33;
	v19 =	vmul.f32 v11, v57  }
0x3aa: {  	v24 =	vmul.f32 v11, v26;
	v2 =	vadd.f32 v2, v18;
	v22 =	vmul.f32 v5, v0  }
0x3ab: {  	v52 =	vmovc v47;
	v47 =	vmov v26;
	v26 =	vmul.f32 v11, v30;
	v16 =	vmul.f32 v11, v55  }
0x3ac: {  	s5 =	simm.s32 $0x100;
	v19 =	vadd.f32 v21, v19;
	v18 =	vmul.f32 v12, v39;
	v2 =	vadd.f32 v2, v22  }
0x3ad: {  	v20 =	vld [tilespmem:s5+$0xF0];
	v24 =	vadd.f32 v25, v24;
	v25 =	vmul.f32 v14, v39;
	v22 =	vmul.f32 v11, v59  }
0x3ae: {  	v16 =	vadd.f32 v18, v16;
	v18 =	vmul.f32 v12, v29;
	v2 =	vadd.f32 v2, v27  }
0x3af: {  	v27 =	vmul.f32 v11, v28;
	v21 =	vadd.f32 v23, v22;
	v22 =	vmul.f32 v11, v32  }
0x3b0: {  	v23 =	vmul.f32 v12, v33;
	v11 =	vmul.f32 v11, v45  }
0x3b1: {  	v48 =	vmov v28;
	v28 =	vmul.f32 v14, v40;
	v40 =	vmul.f32 v9, v40  }
0x3b2: {  	v0 =	vmul.f32 v20, v2;
	v20 =	vmul.f32 v12, v31  }
0x3b3: {  	v12 =	vmul.f32 v12, v46;
	v22 =	vadd.f32 v23, v22;
	v23 =	vmul.f32 v10, v59  }
0x3b4: {  	v2 =	vmul.f32 v14, v33;
	[tilespmem:$0x1F870] =	vst v0;
	v0 =	vadd.f32 v18, v27;
	v18 =	vmul.f32 v10, v55  }
0x3b5: {  	v20 =	vadd.f32 v20, v26;
	v26 =	vmul.f32 v10, v57;
	v27 =	vmul.f32 v14, v58  }
0x3b6: {  	v11 =	vadd.f32 v12, v11;
	v12 =	vmul.f32 v10, v47;
	v23 =	vadd.f32 v28, v23  }
0x3b7: {  	v28 =	vmul.f32 v10, v32;
	v18 =	vadd.f32 v25, v18;
	v25 =	vmul.f32 v10, v48  }
0x3b8: {  	[tilespmem:$0x1F840] =	vst v0;
	v26 =	vadd.f32 v27, v26;
	v27 =	vmul.f32 v10, v30;
	v0 =	vmul.f32 v14, v31  }
0x3b9: {  	v12 =	vadd.f32 v34, v12;
	v10 =	vmul.f32 v10, v45;
	v14 =	vmul.f32 v14, v46  }
0x3ba: {  	v34 =	vadd.f32 v43, v42;
	v42 =	vmul.f32 v9, v29;
	v25 =	vadd.f32 v1, v25  }
0x3bb: {  	v1 =	vmul.f32 v17, v39;
	v27 =	vadd.f32 v0, v27;
	v0 =	vmul.f32 v17, v58  }
0x3bc: {  	v43 =	vmul.f32 v9, v31;
	v10 =	vadd.f32 v14, v10;
	v14 =	vmul.f32 v15, v47  }
0x3bd: {  	v1 =	vadd.f32 v1, v36;
	v36 =	vmul.f32 v17, v29;
	v0 =	vadd.f32 v0, v37  }
0x3be: {  	v14 =	vadd.f32 v35, v14;
	v17 =	vmul.f32 v17, v46;
	v35 =	vmul.f32 v8, v55  }
0x3bf: {  	v37 =	vmul.f32 v8, v57;
	[tilespmem:$0x1F850] =	vst v1;
	v1 =	vmul.f32 v15, v48  }
0x3c0: {  	v56 =	vadd.f32 v56, v38;
	[tilespmem:$0x1F860] =	vst v0;
	v0 =	vmul.f32 v15, v30;
	v15 =	vmul.f32 v15, v45  }
0x3c1: {  	v28 =	vadd.f32 v2, v28;
	v46 =	vmul.f32 v8, v59;
	v45 =	vmul.f32 v9, v58  }
0x3c2: {  	v31 =	vld [tilespmem:$0x1FFF0];
	v15 =	vadd.f32 v17, v15;
	v17 =	vmul.f32 v8, v47;
	v47 =	vmul.f32 v8, v48  }
0x3c3: {  	v38 =	vadd.f32 v40, v46;
	v48 =	vmul.f32 v8, v30;
	v8 =	vmul.f32 v8, v32;
	v32 =	vld [tilespmem:$0x1FFD0]  }
0x3c4: {  	v40 =	vbroadcast v4, $0x2;
	v2 =	vadd.f32 v41, v0;
	v41 =	vmul.f32 v9, v53;
	v30 =	vld [tilespmem:$0x1FF70]  }
0x3c5: {  	v54 =	vadd.f32 v36, v1;
	v36 =	vmul.f32 v9, v39;
	v9 =	vmul.f32 v9, v33;
	v33 =	vld [tilespmem:$0x1FD90]  }
0x3c6: {  	v29 =	vmovc v44;
	v37 =	vadd.f32 v45, v37;
	v44 =	vmul.f32 v40, v44;
	v0 =	vld [tilespmem:$0x1FDD0];
	v17 =	vadd.f32 v41, v17  }
0x3c7: {  	v1 =	vld [tilespmem:$0x1FE10];
	v41 =	vbroadcast v3, $0x2;
	v8 =	vadd.f32 v9, v8;
	v9 =	vmul.f32 v40, v31  }
0x3c8: {  	v35 =	vadd.f32 v36, v35;
	v36 =	vadd.f32 v42, v47;
	v42 =	vbroadcast v60, $0x2  }
0x3c9: {  	v9 =	vadd.f32 v21, v9;
	v21 =	vmul.f32 v41, v29;
	v45 =	vmul.f32 v41, v31  }
0x3ca: {  	v13 =	vld [tilespmem:$0x1F840];
	v39 =	vadd.f32 v43, v48;
	v53 =	vmul.f32 v40, v32;
	v48 =	vmul.f32 v40, v30  }
0x3cb: {  	v16 =	vadd.f32 v16, v44;
	v44 =	vmul.f32 v40, v33;
	v46 =	vmul.f32 v40, v0  }
0x3cc: {  	v43 =	vmul.f32 v40, v1;
	v40 =	vmul.f32 v40, v52  }
0x3cd: {  	v18 =	vadd.f32 v18, v21;
	v21 =	vmul.f32 v42, v32;
	v23 =	vadd.f32 v23, v45  }
0x3ce: {  	v45 =	vmul.f32 v42, v30;
	v19 =	vadd.f32 v19, v53;
	v53 =	vmul.f32 v41, v32  }
0x3cf: {  	v24 =	vadd.f32 v24, v48;
	v48 =	vmul.f32 v41, v30;
	v13 =	vadd.f32 v13, v44  }
0x3d0: {  	v44 =	vmul.f32 v41, v33;
	v20 =	vadd.f32 v20, v46;
	v46 =	vmul.f32 v41, v0  }
0x3d1: {  	v22 =	vadd.f32 v22, v43;
	v43 =	vmul.f32 v41, v1;
	v41 =	vmul.f32 v41, v52  }
0x3d2: {  	v11 =	vadd.f32 v11, v40;
	v40 =	vmul.f32 v42, v29;
	v14 =	vadd.f32 v14, v45  }
0x3d3: {  	v26 =	vadd.f32 v26, v53;
	v53 =	vmul.f32 v42, v31;
	v12 =	vadd.f32 v12, v48  }
0x3d4: {  	v48 =	vmul.f32 v42, v33;
	v25 =	vadd.f32 v25, v44;
	v44 =	vmul.f32 v42, v0  }
0x3d5: {  	v27 =	vadd.f32 v27, v46;
	v46 =	vmul.f32 v42, v1;
	v42 =	vmul.f32 v42, v52  }
0x3d6: {  	v28 =	vadd.f32 v28, v43;
	v43 =	vmul.f32 v7, v29;
	v52 =	vmul.f32 v7, v31;
	v31 =	vld [tilespmem:$0x1F860]  }
0x3d7: {  	v10 =	vadd.f32 v10, v41;
	v41 =	vmul.f32 v7, v32;
	v32 =	vadd.f32 v56, v53  }
0x3d8: {  	v29 =	vld [tilespmem:$0x1F850];
	v53 =	vmul.f32 v7, v33;
	v33 =	vadd.f32 v2, v44;
	v34 =	vadd.f32 v34, v46  }
0x3d9: {  	v56 =	vmul.f32 v7, v0;
	v15 =	vadd.f32 v15, v42;
	v35 =	vadd.f32 v35, v43;
	v0 =	vld [tilespmem:$0x1FD30]  }
0x3da: {  	v44 =	vbroadcast v3, $0x3;
	v37 =	vadd.f32 v37, v41;
	v38 =	vadd.f32 v38, v52;
	v2 =	vld [tilespmem:$0x1FDA0]  }
0x3db: {  	v46 =	vbroadcast v60, $0x3;
	v52 =	vld [tilespmem:$0x1FDE0];
	v36 =	vadd.f32 v36, v53;
	v21 =	vadd.f32 v31, v21  }
0x3dc: {  	v31 =	vmul.f32 v7, v30;
	v30 =	vadd.f32 v54, v48;
	v48 =	vbroadcast v4, $0x3  }
0x3dd: {  	v39 =	vadd.f32 v39, v56;
	v53 =	vmul.f32 v46, v49;
	v7 =	vmul.f32 v7, v1;
	v1 =	vld [tilespmem:$0x1FD60]  }
0x3de: {  	v29 =	vadd.f32 v29, v40;
	v54 =	vld [tilespmem:$0x1FE20];
	v42 =	vmul.f32 v48, v49;
	v43 =	vmul.f32 v48, v51  }
0x3df: {  	v41 =	vmul.f32 v48, v0;
	v17 =	vadd.f32 v17, v31;
	v31 =	vmul.f32 v48, v2  }
0x3e0: {  	v47 =	vmul.f32 v48, v52;
	v7 =	vadd.f32 v8, v7;
	v8 =	vadd.f32 v16, v42  }
0x3e1: {  	v16 =	vmul.f32 v44, v49;
	v42 =	vmul.f32 v44, v51;
	v19 =	vadd.f32 v19, v43  }
0x3e2: {  	v43 =	vmul.f32 v44, v0;
	v13 =	vadd.f32 v13, v31;
	v31 =	vmul.f32 v44, v52  }
0x3e3: {  	v29 =	vadd.f32 v29, v53;
	v40 =	vmul.f32 v48, v1;
	v56 =	vmul.f32 v48, v54  }
0x3e4: {  	v9 =	vadd.f32 v9, v41;
	v48 =	vmul.f32 v48, v61;
	v41 =	vmul.f32 v44, v1  }
0x3e5: {  	v20 =	vadd.f32 v20, v47;
	v47 =	vmul.f32 v44, v54;
	v53 =	vmul.f32 v6, v1  }
0x3e6: {  	v16 =	vadd.f32 v18, v16;
	v18 =	vmul.f32 v46, v0;
	v26 =	vadd.f32 v26, v42  }
0x3e7: {  	v42 =	vmul.f32 v46, v1;
	v23 =	vadd.f32 v23, v43;
	v43 =	vmul.f32 v46, v2  }
0x3e8: {  	v27 =	vadd.f32 v27, v31;
	v31 =	vmul.f32 v6, v49;
	v24 =	vadd.f32 v24, v40  }
0x3e9: {  	v40 =	vmul.f32 v44, v2;
	v44 =	vmul.f32 v44, v61;
	v22 =	vadd.f32 v22, v56  }
0x3ea: {  	v11 =	vadd.f32 v11, v48;
	v56 =	vmul.f32 v46, v51;
	v12 =	vadd.f32 v12, v41  }
0x3eb: {  	v41 =	vmul.f32 v46, v52;
	v28 =	vadd.f32 v28, v47;
	v47 =	vmul.f32 v6, v51  }
0x3ec: {  	v17 =	vadd.f32 v17, v53;
	v18 =	vadd.f32 v32, v18;
	v32 =	vmul.f32 v6, v52  }
0x3ed: {  	v14 =	vadd.f32 v14, v42;
	v42 =	vbroadcast v4, $0x4;
	v30 =	vadd.f32 v30, v43  }
0x3ee: {  	v43 =	vbroadcast v3, $0x4;
	v31 =	vadd.f32 v35, v31;
	v4 =	vbroadcast v4, $0x5  }
0x3ef: {  	v1 =	vld [tilespmem:$0x1FD70];
	v25 =	vadd.f32 v25, v40;
	v40 =	vmul.f32 v46, v54;
	v46 =	vmul.f32 v46, v61  }
0x3f0: {  	v49 =	vld [tilespmem:$0x1FDF0];
	v10 =	vadd.f32 v10, v44;
	v44 =	vmul.f32 v6, v0;
	v21 =	vadd.f32 v21, v56  }
0x3f1: {  	v51 =	vld [tilespmem:$0x1FE30];
	v56 =	vmul.f32 v6, v2;
	v6 =	vmul.f32 v6, v54;
	v33 =	vadd.f32 v33, v41  }
0x3f2: {  	v41 =	vbroadcast v60, $0x4;
	v61 =	vld [tilespmem:$0x1FFA0];
	v37 =	vadd.f32 v37, v47;
	v32 =	vadd.f32 v39, v32  }
0x3f3: {  	v0 =	vld [tilespmem:$0x1FD40];
	v39 =	vmul.f32 v43, v50;
	v34 =	vadd.f32 v34, v40;
	v40 =	vmul.f32 v42, v50  }
0x3f4: {  	v2 =	vld [tilespmem:$0x1FDB0];
	v15 =	vadd.f32 v15, v46;
	v47 =	vmul.f32 v42, v1;
	v38 =	vadd.f32 v38, v44  }
0x3f5: {  	v54 =	vld [tilespmem:$0x1FE50];
	v45 =	vmul.f32 v42, v49;
	v36 =	vadd.f32 v36, v56;
	v52 =	vmul.f32 v43, v49  }
0x3f6: {  	v6 =	vadd.f32 v7, v6;
	v48 =	vmul.f32 v42, v51;
	v53 =	vmul.f32 v43, v51  }
0x3f7: {  	v16 =	vadd.f32 v16, v39;
	v39 =	vmul.f32 v41, v1;
	v7 =	vadd.f32 v8, v40  }
0x3f8: {  	v20 =	vadd.f32 v20, v45;
	v45 =	vmul.f32 v41, v50;
	v46 =	vmul.f32 v42, v61  }
0x3f9: {  	v24 =	vadd.f32 v24, v47;
	v35 =	vmul.f32 v42, v0;
	v44 =	vmul.f32 v42, v2  }
0x3fa: {  	v27 =	vadd.f32 v27, v52;
	v42 =	vmul.f32 v42, v54;
	v8 =	vmul.f32 v43, v61  }
0x3fb: {  	v40 =	vmul.f32 v43, v0;
	v22 =	vadd.f32 v22, v48;
	v56 =	vmul.f32 v41, v61  }
0x3fc: {  	v52 =	vmul.f32 v5, v61;
	v28 =	vadd.f32 v28, v53;
	v53 =	vmul.f32 v5, v0  }
0x3fd: {  	v29 =	vadd.f32 v29, v45;
	v45 =	vmul.f32 v5, v2;
	v9 =	vadd.f32 v9, v35  }
0x3fe: {  	v35 =	vmul.f32 v43, v2;
	v11 =	vadd.f32 v11, v42;
	v42 =	vmul.f32 v41, v0  }
0x3ff: {  	v8 =	vadd.f32 v26, v8;
	v26 =	vmul.f32 v41, v2;
	v23 =	vadd.f32 v23, v40;
	v0 =	vld [tilespmem:$0x1FD10]  }
0x400: {  	v40 =	vmul.f32 v41, v49;
	v2 =	vadd.f32 v21, v56;
	v56 =	vmul.f32 v5, v49;
	v49 =	vld [tilespmem:$0x1FD50]  }
0x401: {  	v3 =	vbroadcast v3, $0x5;
	v14 =	vadd.f32 v14, v39;
	v13 =	vadd.f32 v13, v44;
	v44 =	vld [tilespmem:s5+$0xFFFFFF30]  }
0x402: {  	v19 =	vadd.f32 v19, v46;
	v46 =	vmul.f32 v43, v1;
	v37 =	vadd.f32 v37, v52;
	v52 =	vld [tilespmem:$0x1FDC0]  }
0x403: {  	v43 =	vmul.f32 v43, v54;
	v38 =	vadd.f32 v38, v53;
	v21 =	vld [tilespmem:$0x1FE40];
	v36 =	vadd.f32 v36, v45  }
0x404: {  	v12 =	vadd.f32 v12, v46;
	v46 =	vmul.f32 v41, v51;
	v26 =	vadd.f32 v30, v26;
	v30 =	vld [tilespmem:s5+$0xFFFFFF00]  }
0x405: {  	v41 =	vmul.f32 v41, v54;
	v25 =	vadd.f32 v25, v35;
	v33 =	vadd.f32 v33, v40;
	v40 =	vld [tilespmem:s5+$0xFFFFFF10]  }
0x406: {  	v35 =	vmul.f32 v5, v50;
	v10 =	vadd.f32 v10, v43;
	v43 =	vmul.f32 v5, v1;
	v50 =	vld [tilespmem:$0x1FD80]  }
0x407: {  	v5 =	vmul.f32 v5, v51;
	v18 =	vadd.f32 v18, v42;
	v42 =	vmul.f32 v4, v62;
	v51 =	vld [tilespmem:$0x1FE00]  }
0x408: {  	v32 =	vadd.f32 v32, v56;
	v56 =	vld [tilespmem:$0x1FEF0];
	v1 =	vbroadcast v60, $0x5;
	v34 =	vadd.f32 v34, v46  }
0x409: {  	v15 =	vadd.f32 v15, v41;
	v31 =	vadd.f32 v31, v35;
	v35 =	vld [tilespmem:s5+$0xFFFFFF20];
	v39 =	vmul.f32 v4, v0  }
0x40a: {  	v53 =	vadd.f32 v17, v43;
	v43 =	vld [tilespmem:s5+$0xFFFFFF40];
	v46 =	vmul.f32 v4, v49;
	v47 =	vmul.f32 v4, v52  }
0x40b: {  	v48 =	vadd.f32 v6, v5;
	v5 =	vld [tilespmem:s5+$0xFFFFFF50];
	v6 =	vmul.f32 v4, v21;
	v60 =	vmul.f32 v3, v21  }
0x40c: {  	v7 =	vadd.f32 v7, v42;
	v42 =	vld [tilespmem:s5+$0xFFFFFF60];
	v61 =	vmul.f32 v4, v50;
	v45 =	vmul.f32 v4, v51  }
0x40d: {  	v17 =	vld [tilespmem:$0x1F870];
	v4 =	vmul.f32 v4, v56;
	v19 =	vadd.f32 v19, v39;
	v9 =	vadd.f32 v9, v46  }
0x40e: {  	v41 =	vld [tilespmem:s5+$0x10];
	v39 =	vmul.f32 v3, v62;
	v13 =	vadd.f32 v13, v47;
	v6 =	vadd.f32 v22, v6  }
0x40f: {  	v46 =	vld [tilespmem:s5+$0xFFFFFF70];
	v7 =	vmul.f32 v7, v30;
	v28 =	vadd.f32 v28, v60;
	v60 =	vmul.f32 v1, v0  }
0x410: {  	v47 =	vld [tilespmem:s5+$0xFFFFFF80];
	v24 =	vadd.f32 v24, v61;
	v61 =	vmul.f32 v3, v0;
	v20 =	vadd.f32 v20, v45  }
0x411: {  	v22 =	vld [tilespmem:s5+$0xFFFFFF90];
	v45 =	vmul.f32 v3, v49;
	v4 =	vadd.f32 v11, v4;
	v11 =	vmul.f32 v3, v50  }
0x412: {  	v30 =	vld [tilespmem:s5+$0xFFFFFFC0];
	v19 =	vmul.f32 v19, v40;
	v9 =	vmul.f32 v9, v35  }
0x413: {  	v16 =	vadd.f32 v16, v39;
	v39 =	vld [tilespmem:s5+$0xFFFFFFA0];
	v13 =	vmul.f32 v43, v13;
	v6 =	vmul.f32 v42, v6  }
0x414: {  	v40 =	vld [tilespmem:s5+$0xFFFFFFE0];
	[tilespmem:s5+$0xFFFFFF00] =	vst v7;
	v7 =	vmul.f32 v1, v52;
	v8 =	vadd.f32 v8, v61;
	v61 =	vmul.f32 v3, v52  }
0x415: {  	v35 =	vld [tilespmem:s5+$0x0];
	v11 =	vadd.f32 v12, v11;
	v12 =	vmul.f32 v3, v51;
	v3 =	vmul.f32 v3, v56  }
0x416: {  	v2 =	vadd.f32 v2, v60;
	v43 =	vld [tilespmem:s5+$0x20];
	v24 =	vmul.f32 v44, v24;
	v5 =	vmul.f32 v5, v20  }
0x417: {  	v60 =	vld [tilespmem:s5+$0x30];
	v23 =	vadd.f32 v23, v45;
	v20 =	vmul.f32 v1, v50;
	[tilespmem:s5+$0xFFFFFF20] =	vst v9;
	v9 =	vmul.f32 v1, v21  }
0x418: {  	v45 =	vld [tilespmem:s5+$0xFFFFFFB0];
	[tilespmem:s5+$0xFFFFFF10] =	vst v19;
	v26 =	vadd.f32 v26, v7;
	v19 =	vmul.f32 v63, v62;
	v4 =	vmul.f32 v46, v4  }
0x419: {  	[tilespmem:s5+$0xFFFFFF60] =	vst v6;
	v6 =	vld [tilespmem:s5+$0x80];
	v47 =	vmul.f32 v16, v47;
	v25 =	vadd.f32 v25, v61;
	v12 =	vadd.f32 v27, v12  }
0x41a: {  	[tilespmem:s5+$0xFFFFFF40] =	vst v13;
	v27 =	vld [tilespmem:s5+$0xFFFFFFD0];
	v61 =	vmul.f32 v1, v62;
	v42 =	vadd.f32 v14, v20;
	v14 =	vmul.f32 v1, v51  }
0x41b: {  	v3 =	vadd.f32 v10, v3;
	v10 =	vld [tilespmem:s5+$0xFFFFFFF0];
	v8 =	vmul.f32 v8, v22;
	[tilespmem:s5+$0xFFFFFF50] =	vst v5;
	v5 =	vmul.f32 v63, v49  }
0x41c: {  	v13 =	vmul.f32 v23, v39;
	[tilespmem:s5+$0xFFFFFF70] =	vst v4;
	v4 =	vmul.f32 v63, v52;
	v7 =	vadd.f32 v33, v14;
	v33 =	vld [tilespmem:s5+$0x60]  }
0x41d: {  	[tilespmem:s5+$0xF0] =	vst v17;
	v29 =	vadd.f32 v29, v61;
	v61 =	vmul.f32 v1, v49;
	v14 =	vadd.f32 v34, v9;
	v34 =	vld [tilespmem:s5+$0x70]  }
0x41e: {  	v16 =	vmovc v21;
	v1 =	vmul.f32 v1, v56;
	v21 =	vadd.f32 v38, v5;
	v5 =	vmul.f32 v40, v28;
	v28 =	vld [tilespmem:s5+$0xB0]  }
0x41f: {  	[tilespmem:s5+$0xFFFFFF90] =	vst v8;
	v8 =	vmul.f32 v63, v16;
	v11 =	vmul.f32 v45, v11;
	v17 =	vadd.f32 v18, v61;
	v61 =	vld [tilespmem:s5+$0x40]  }
0x420: {  	[tilespmem:s5+$0xFFFFFF30] =	vst v24;
	v18 =	vld [tilespmem:s5+$0x50];
	v9 =	vadd.f32 v15, v1;
	v1 =	vmul.f32 v63, v0;
	v15 =	vmul.f32 v30, v25  }
0x421: {  	v19 =	vadd.f32 v31, v19;
	[tilespmem:s5+$0xFFFFFF80] =	vst v47;
	v30 =	vld [tilespmem:s5+$0x90];
	v24 =	vmul.f32 v27, v12;
	v25 =	vmul.f32 v10, v3  }
0x422: {  	v23 =	vadd.f32 v36, v4;
	[tilespmem:s5+$0xFFFFFFA0] =	vst v13;
	v27 =	vld [tilespmem:s5+$0xA0];
	v3 =	vmul.f32 v63, v51;
	v10 =	vmul.f32 v29, v35  }
0x423: {  	v29 =	vld [tilespmem:s5+$0xC0];
	[tilespmem:s5+$0xFFFFFFB0] =	vst v11;
	v12 =	vmul.f32 v2, v41;
	v20 =	vadd.f32 v37, v1;
	v1 =	vmul.f32 v63, v50  }
0x424: {  	v11 =	vld [tilespmem:s5+$0xD0];
	v2 =	vadd.f32 v48, v8;
	v8 =	vmul.f32 v60, v42;
	v4 =	vmul.f32 v17, v43;
	[tilespmem:s5+$0xFFFFFFC0] =	vst v15  }
0x425: {  	s18 =	simm.s32 $0x0;
	s19 =	simm.s32 $0x8024;
	s17 =	simm.s32 $0x100;
	v15 =	vld [tilespmem:s5+$0xE0];
	v63 =	vmovc v54;
	v0 =	vadd.f32 v32, v3;
	v22 =	vadd.f32 v53, v1;
	v3 =	vmul.f32 v61, v26  }
.LBB2_10:
0x426: {  	v13 =	vld [tilespmem:s19+$0x6];
	[tilespmem:s5+$0xFFFFFFD0] =	vst v24  }
0x427: {  	v16 =	vmul.f32 v18, v7;
	v7 =	vld [tilespmem:s19+$0xFFFFFFFA];
	[tilespmem:s5+$0xFFFFFFE0] =	vst v5  }
0x428: {  	v47 =	vld [tilespmem:$0x1FEB0];
	[tilespmem:s5+$0xFFFFFFF0] =	vst v25  }
0x429: {  	v5 =	vmul.f32 v34, v9;
	v9 =	vld [tilespmem:s19+$0x0];
	[tilespmem:s5+$0x0] =	vst v10  }
0x42a: {  	v49 =	vld [tilespmem:$0x1FEC0];
	[tilespmem:s5+$0x10] =	vst v12  }
0x42b: {  	v17 =	vmul.f32 v33, v14;
	v18 =	vmul.f32 v19, v6;
	[tilespmem:s5+$0x20] =	vst v4  }
0x42c: {  	v10 =	vmul.f32 v28, v22;
	v2 =	vmul.f32 v15, v2;
	[tilespmem:s5+$0x30] =	vst v8;
	v33 =	vld [tilespmem:$0x1FED0]  }
0x42d: {  	[tilespmem:s5+$0x40] =	vst v3;
	v22 =	vbroadcast v13, $0x0;
	v15 =	vbroadcast v13, $0x1  }
0x42e: {  	v25 =	vmul.f32 v21, v27;
	v21 =	vbroadcast v13, $0x2;
	[tilespmem:s5+$0x50] =	vst v16  }
0x42f: {  	[tilespmem:s5+$0x60] =	vst v17;
	v1 =	vmul.f32 v22, v47;
	v4 =	vmul.f32 v15, v49  }
0x430: {  	v24 =	vmul.f32 v20, v30;
	[tilespmem:s5+$0x70] =	vst v5  }
0x431: {  	[tilespmem:s5+$0x80] =	vst v18;
	v4 =	vadd.f32 v4, v1;
	v6 =	vmul.f32 v21, v33  }
0x432: {  	[tilespmem:s5+$0x90] =	vst v24;
	s5 =	sadd.s32 $0x200, s5  }
0x433: {  	[tilespmem:$0x1F640] =	vst v9;
	v1 =	vbroadcast v9, $0x0;
	v4 =	vadd.f32 v4, v6;
	v6 =	vbroadcast v9, $0x1;
	v9 =	vld [tilespmem:s5+$0xFFFFFF00];
	_ =	sdelay $0x2  }
0x434: {  	v14 =	vld [tilespmem:s19+$0xFFFFFFF4];
	_ =	sdelay $0x1  }
0x435: {  	[tilespmem:$0x1F650] =	vst v9;
	v9 =	vld [tilespmem:s5+$0xFFFFFF10]  }
0x436: {  	v50 =	vld [tilespmem:$0x1FF60]  }
0x437: {  	v54 =	vld [tilespmem:$0x1FF20];
	v0 =	vmul.f32 v11, v0  }
0x438: {  	v18 =	vld [tilespmem:s5+$0xF0];
	[tilespmem:s17+$0xB0] =	vst v10;
	v3 =	vbroadcast v14, $0x0;
	v8 =	vbroadcast v14, $0x1  }
0x439: {  	[tilespmem:s17+$0xD0] =	vst v0;
	v0 =	vld [tilespmem:s5+$0xFFFFFF20]  }
0x43a: {  	v17 =	vmul.f32 v3, v57;
	v10 =	vmul.f32 v8, v58;
	[tilespmem:$0x1F660] =	vst v9;
	v9 =	vld [tilespmem:$0x1FF80]  }
0x43b: {  	v61 =	vld [tilespmem:$0x1FF40]  }
0x43c: {  	v24 =	vadd.f32 v10, v17;
	v10 =	vld [tilespmem:s5+$0xFFFFFF40];
	_ =	sdelay $0x2  }
0x43d: {  	[tilespmem:$0x1F670] =	vst v0;
	v0 =	vmul.f32 v3, v50;
	v26 =	vmul.f32 v8, v9;
	_ =	sdelay $0x1  }
0x43e: {  	[tilespmem:$0x1F690] =	vst v10;
	v10 =	vmul.f32 v3, v54;
	v26 =	vadd.f32 v26, v0;
	v0 =	vmul.f32 v8, v61;
	_ =	sdelay $0x1  }
0x43f: {  	v28 =	vadd.f32 v0, v10;
	v0 =	vld [tilespmem:s5+$0xFFFFFF70];
	_ =	sdelay $0x4  }
0x440: {  	[tilespmem:$0x1F6F0] =	vst v0;
	v0 =	vld [tilespmem:s5+$0xFFFFFF80];
	_ =	sdelay $0x4  }
0x441: {  	[tilespmem:$0x1F710] =	vst v0;
	v0 =	vld [tilespmem:s5+$0xFFFFFF90];
	_ =	sdelay $0x4  }
0x442: {  	[tilespmem:$0x1F730] =	vst v0;
	v0 =	vld [tilespmem:s5+$0xFFFFFFA0];
	_ =	sdelay $0x4  }
0x443: {  	[tilespmem:$0x1F740] =	vst v0;
	v0 =	vld [tilespmem:s5+$0xFFFFFFB0];
	_ =	sdelay $0x4  }
0x444: {  	[tilespmem:$0x1F750] =	vst v0;
	v0 =	vld [tilespmem:s5+$0xFFFFFFC0];
	_ =	sdelay $0x4  }
0x445: {  	[tilespmem:$0x1F770] =	vst v0;
	v0 =	vld [tilespmem:s5+$0xFFFFFFD0];
	_ =	sdelay $0x4  }
0x446: {  	[tilespmem:$0x1F780] =	vst v0;
	v0 =	vld [tilespmem:s5+$0xFFFFFFE0];
	_ =	sdelay $0x4  }
0x447: {  	[tilespmem:$0x1F790] =	vst v0;
	v0 =	vld [tilespmem:s5+$0xFFFFFFF0];
	_ =	sdelay $0x4  }
0x448: {  	[tilespmem:$0x1F7B0] =	vst v0;
	v0 =	vld [tilespmem:s5+$0x0];
	_ =	sdelay $0x4  }
0x449: {  	[tilespmem:$0x1F7C0] =	vst v0;
	v0 =	vld [tilespmem:s5+$0x10];
	_ =	sdelay $0x4  }
0x44a: {  	[tilespmem:$0x1F7E0] =	vst v0;
	v0 =	vld [tilespmem:s5+$0x20];
	_ =	sdelay $0x4  }
0x44b: {  	[tilespmem:$0x1F7F0] =	vst v0;
	v0 =	vld [tilespmem:s5+$0x30];
	_ =	sdelay $0x4  }
0x44c: {  	[tilespmem:$0x1F810] =	vst v0;
	v0 =	vld [tilespmem:s5+$0x40];
	_ =	sdelay $0x3  }
0x44d: {  	[tilespmem:$0x1F630] =	vst v7;
	v11 =	vbroadcast v7, $0x0;
	v12 =	vbroadcast v7, $0x1;
	v7 =	vld [tilespmem:$0x1FEE0]  }
0x44e: {  	[tilespmem:$0x1F820] =	vst v0;
	v0 =	vld [tilespmem:s5+$0x50];
	_ =	sdelay $0x1  }
0x44f: {  	v60 =	vld [tilespmem:$0x1FD00]  }
0x450: {  	v48 =	vld [tilespmem:$0x1FD20];
	v20 =	vbroadcast v13, $0x3  }
0x451: {  	v52 =	vld [tilespmem:$0x1FF00]  }
0x452: {  	v19 =	vbroadcast v13, $0x4;
	v5 =	vmul.f32 v20, v7;
	[tilespmem:$0x1F720] =	vst v0;
	v0 =	vld [tilespmem:s5+$0x60]  }
0x453: {  	v53 =	vld [tilespmem:$0x1FF10]  }
0x454: {  	v62 =	vld [tilespmem:$0x1FF50];
	v4 =	vadd.f32 v4, v5;
	v5 =	vmul.f32 v19, v63  }
0x455: {  	v23 =	vmul.f32 v29, v23;
	v51 =	vbroadcast v13, $0x5;
	[tilespmem:s17+$0xE0] =	vst v2;
	v2 =	vld [tilespmem:s5+$0xFFFFFF30]  }
0x456: {  	v16 =	vmul.f32 v3, v55;
	v13 =	vmul.f32 v8, v60;
	v4 =	vadd.f32 v4, v5;
	v5 =	vld [tilespmem:$0x1FEF0]  }
0x457: {  	v40 =	vmul.f32 v1, v57;
	v41 =	vmul.f32 v1, v59;
	[tilespmem:$0x1F6A0] =	vst v0;
	v0 =	vld [tilespmem:s5+$0x70]  }
0x458: {  	[tilespmem:s17+$0xC0] =	vst v23;
	v23 =	vadd.f32 v13, v16;
	v13 =	vmul.f32 v3, v59;
	v16 =	vmul.f32 v8, v48;
	v63 =	vld [tilespmem:$0x1FF30]  }
0x459: {  	v42 =	vmul.f32 v1, v50;
	v43 =	vmul.f32 v1, v52  }
0x45a: {  	[tilespmem:s17+$0xA0] =	vst v25;
	v45 =	vmul.f32 v1, v54;
	v46 =	vmul.f32 v1, v62;
	v25 =	vadd.f32 v16, v13;
	v13 =	vld [tilespmem:s5+$0xFFFFFF50]  }
0x45b: {  	[tilespmem:$0x1F680] =	vst v2;
	v2 =	vmul.f32 v3, v52;
	v17 =	vmul.f32 v11, v54  }
0x45c: {  	v44 =	vmul.f32 v6, v53;
	v5 =	vmul.f32 v51, v5;
	[tilespmem:$0x1F760] =	vst v0;
	v0 =	vld [tilespmem:s5+$0x80]  }
0x45d: {  	v16 =	vmul.f32 v12, v53;
	v56 =	vmul.f32 v6, v63  }
0x45e: {  	v43 =	vadd.f32 v44, v43;
	v4 =	vadd.f32 v4, v5;
	v5 =	vmul.f32 v8, v53  }
0x45f: {  	[tilespmem:$0x1F6B0] =	vst v13;
	v13 =	vmul.f32 v3, v62;
	v3 =	vmul.f32 v3, v47;
	v44 =	vadd.f32 v56, v46  }
0x460: {  	v56 =	vmul.f32 v15, v60;
	v4 =	vmul.f32 v18, v4;
	v27 =	vadd.f32 v5, v2;
	v5 =	vld [tilespmem:s5+$0xFFFFFF60]  }
0x461: {  	v2 =	vmul.f32 v8, v63;
	v18 =	vmul.f32 v11, v62;
	[tilespmem:$0x1F7D0] =	vst v0;
	v0 =	vld [tilespmem:s5+$0x90]  }
0x462: {  	[tilespmem:s5+$0xF0] =	vst v4;
	v4 =	vmul.f32 v8, v49;
	v8 =	vmul.f32 v11, v57  }
0x463: {  	v29 =	vadd.f32 v2, v13;
	v13 =	vmul.f32 v11, v52;
	v10 =	vmul.f32 v11, v50  }
0x464: {  	v30 =	vadd.f32 v4, v3;
	v3 =	vmul.f32 v12, v58;
	v4 =	vmul.f32 v11, v59  }
0x465: {  	v35 =	vadd.f32 v16, v13;
	v13 =	vmul.f32 v12, v63;
	v16 =	vmul.f32 v12, v49;
	[tilespmem:$0x1F6D0] =	vst v5  }
0x466: {  	v5 =	vmul.f32 v11, v55;
	v11 =	vmul.f32 v11, v47;
	[tilespmem:$0x1F6C0] =	vst v0;
	v0 =	vld [tilespmem:s5+$0xA0]  }
0x467: {  	v2 =	vmul.f32 v12, v60;
	v32 =	vadd.f32 v3, v8;
	v8 =	vmul.f32 v12, v9  }
0x468: {  	v37 =	vadd.f32 v13, v18;
	v38 =	vadd.f32 v16, v11;
	v11 =	vmul.f32 v6, v58  }
0x469: {  	v18 =	vmul.f32 v6, v60;
	v34 =	vadd.f32 v8, v10;
	v10 =	vmul.f32 v12, v61  }
0x46a: {  	v31 =	vadd.f32 v2, v5;
	v40 =	vadd.f32 v11, v40;
	v11 =	vmul.f32 v6, v9  }
0x46b: {  	v5 =	vmul.f32 v12, v48;
	v36 =	vadd.f32 v10, v17;
	v17 =	vmul.f32 v1, v55;
	[tilespmem:$0x1F830] =	vst v0;
	v0 =	vld [tilespmem:s5+$0xB0]  }
0x46c: {  	v13 =	vld [tilespmem:$0x1F640];
	v1 =	vmul.f32 v1, v47;
	v42 =	vadd.f32 v11, v42;
	v11 =	vmul.f32 v6, v61  }
0x46d: {  	v3 =	vld [tilespmem:$0x1FF70];
	v39 =	vadd.f32 v18, v17;
	v18 =	vmul.f32 v6, v48;
	v6 =	vmul.f32 v6, v49  }
0x46e: {  	v57 =	vmul.f32 v22, v57;
	v2 =	vld [tilespmem:$0x1FFD0];
	v45 =	vadd.f32 v11, v45;
	v11 =	vmul.f32 v22, v55  }
0x46f: {  	v12 =	vld [tilespmem:$0x1F630];
	v4 =	vadd.f32 v5, v4;
	v5 =	vadd.f32 v6, v1;
	v1 =	vmul.f32 v15, v58  }
0x470: {  	v6 =	vmul.f32 v22, v59;
	v46 =	vadd.f32 v56, v11;
	v11 =	vmul.f32 v15, v48;
	[tilespmem:$0x1F7A0] =	vst v0;
	v0 =	vld [tilespmem:s5+$0xC0]  }
0x471: {  	v60 =	vmul.f32 v22, v50;
	v50 =	vmul.f32 v15, v61;
	v47 =	vadd.f32 v1, v57;
	v1 =	vld [tilespmem:$0x1FFB0]  }
0x472: {  	v58 =	vmul.f32 v15, v53;
	v56 =	vmul.f32 v22, v52;
	v57 =	vadd.f32 v11, v6;
	v6 =	vld [tilespmem:$0x1FFF0]  }
0x473: {  	v49 =	vmul.f32 v15, v9;
	v59 =	vmul.f32 v22, v54;
	v11 =	vld [tilespmem:$0x1FD90]  }
0x474: {  	v53 =	vbroadcast v12, $0x2;
	v56 =	vadd.f32 v58, v56;
	v58 =	vmul.f32 v15, v63;
	v15 =	vld [tilespmem:$0x1FDD0]  }
0x475: {  	v48 =	vadd.f32 v49, v60;
	v22 =	vmul.f32 v22, v62;
	v60 =	vbroadcast v14, $0x2;
	[tilespmem:$0x1F6E0] =	vst v0;
	v0 =	vld [tilespmem:s5+$0xD0]  }
0x476: {  	v41 =	vadd.f32 v18, v41;
	v62 =	vbroadcast v13, $0x2;
	v18 =	vmul.f32 v53, v2  }
0x477: {  	v55 =	vadd.f32 v50, v59;
	v50 =	vmul.f32 v60, v2;
	v16 =	vmul.f32 v60, v3  }
0x478: {  	v22 =	vadd.f32 v58, v22;
	v49 =	vmul.f32 v60, v1;
	v58 =	vmul.f32 v53, v1  }
0x479: {  	v18 =	vadd.f32 v32, v18;
	v52 =	vmul.f32 v60, v6;
	v54 =	vmul.f32 v60, v11  }
0x47a: {  	v16 =	vadd.f32 v26, v16;
	v17 =	vmul.f32 v60, v15;
	v26 =	vmul.f32 v53, v6;
	[tilespmem:$0x1F800] =	vst v0;
	v0 =	vld [tilespmem:s5+$0xE0]  }
0x47b: {  	v24 =	vadd.f32 v24, v50;
	v59 =	vmul.f32 v53, v11;
	v50 =	vmul.f32 v53, v15  }
0x47c: {  	v61 =	vmul.f32 v62, v15;
	v23 =	vadd.f32 v23, v49;
	v49 =	vmul.f32 v53, v3  }
0x47d: {  	v31 =	vadd.f32 v31, v58;
	v58 =	vmul.f32 v62, v11;
	v25 =	vadd.f32 v25, v52  }
0x47e: {  	v27 =	vadd.f32 v27, v54;
	v17 =	vadd.f32 v28, v17;
	v52 =	vmul.f32 v62, v2  }
0x47f: {  	v54 =	vmul.f32 v62, v3;
	v26 =	vadd.f32 v4, v26;
	v2 =	vmul.f32 v21, v2;
	[tilespmem:$0x1F700] =	vst v0;
	v0 =	vld [tilespmem:$0x1FE10]  }
0x480: {  	v35 =	vadd.f32 v35, v59;
	v59 =	vmul.f32 v21, v11;
	v11 =	vmul.f32 v21, v15  }
0x481: {  	v15 =	vbroadcast v14, $0x3;
	v36 =	vadd.f32 v36, v50;
	v45 =	vadd.f32 v45, v61  }
0x482: {  	v50 =	vbroadcast v12, $0x3;
	v34 =	vadd.f32 v34, v49;
	v43 =	vadd.f32 v43, v58  }
0x483: {  	v49 =	vmul.f32 v21, v6;
	v40 =	vadd.f32 v40, v52;
	v42 =	vadd.f32 v42, v54  }
0x484: {  	v8 =	vadd.f32 v47, v2;
	v63 =	vmul.f32 v60, v0;
	v60 =	vmul.f32 v60, v33  }
0x485: {  	v4 =	vld [tilespmem:$0x1FFC0];
	v11 =	vadd.f32 v55, v11;
	v28 =	vmul.f32 v53, v0;
	v53 =	vmul.f32 v53, v33  }
0x486: {  	v61 =	vld [tilespmem:$0x1FDA0];
	v32 =	vmul.f32 v62, v0;
	v29 =	vadd.f32 v29, v63;
	v63 =	vmul.f32 v62, v1  }
0x487: {  	v30 =	vadd.f32 v30, v60;
	v60 =	vmul.f32 v62, v6;
	v62 =	vmul.f32 v62, v33  }
0x488: {  	v47 =	vadd.f32 v57, v49;
	v33 =	vmul.f32 v21, v1;
	v6 =	vmul.f32 v21, v3;
	v1 =	vld [tilespmem:$0x1FD60]  }
0x489: {  	v21 =	vmul.f32 v21, v0;
	v28 =	vadd.f32 v37, v28;
	v37 =	vbroadcast v13, $0x3;
	v0 =	vld [tilespmem:$0x1FE20]  }
0x48a: {  	v3 =	vmul.f32 v15, v4;
	v38 =	vadd.f32 v38, v53;
	v39 =	vadd.f32 v39, v63;
	v63 =	vld [tilespmem:$0x1FFE0]  }
0x48b: {  	v32 =	vadd.f32 v44, v32;
	v44 =	vmul.f32 v15, v61;
	v41 =	vadd.f32 v41, v60;
	v60 =	vld [tilespmem:$0x1FD30]  }
0x48c: {  	v5 =	vadd.f32 v5, v62;
	v62 =	vld [tilespmem:$0x1FDE0];
	v21 =	vadd.f32 v22, v21;
	v22 =	vmul.f32 v50, v4  }
0x48d: {  	v33 =	vadd.f32 v46, v33;
	v27 =	vadd.f32 v27, v44;
	v44 =	vmul.f32 v37, v4  }
0x48e: {  	v22 =	vadd.f32 v31, v22;
	v31 =	vmul.f32 v20, v4;
	v54 =	vmul.f32 v15, v1  }
0x48f: {  	v6 =	vadd.f32 v48, v6;
	v49 =	vmul.f32 v15, v0;
	v55 =	vmul.f32 v50, v1  }
0x490: {  	v48 =	vadd.f32 v56, v59;
	v58 =	vmul.f32 v37, v1;
	v53 =	vmul.f32 v15, v63  }
0x491: {  	v10 =	vadd.f32 v23, v3;
	v52 =	vmul.f32 v15, v60;
	v46 =	vmul.f32 v15, v62  }
0x492: {  	v39 =	vadd.f32 v39, v44;
	v15 =	vmul.f32 v15, v7;
	v23 =	vmul.f32 v50, v63  }
0x493: {  	v56 =	vmul.f32 v50, v62;
	v16 =	vadd.f32 v16, v54;
	v54 =	vmul.f32 v50, v0  }
0x494: {  	v57 =	vmul.f32 v37, v63;
	v29 =	vadd.f32 v29, v49;
	v49 =	vmul.f32 v37, v61  }
0x495: {  	v31 =	vadd.f32 v33, v31;
	v9 =	vmul.f32 v37, v62;
	v4 =	vmul.f32 v20, v63  }
0x496: {  	v62 =	vmul.f32 v20, v62;
	v63 =	vbroadcast v14, $0x4;
	v34 =	vadd.f32 v34, v55  }
0x497: {  	v55 =	vbroadcast v12, $0x4;
	v42 =	vadd.f32 v42, v58;
	v14 =	vbroadcast v14, $0x5  }
0x498: {  	v24 =	vadd.f32 v24, v53;
	v53 =	vmul.f32 v50, v60;
	v25 =	vadd.f32 v25, v52  }
0x499: {  	v59 =	vld [tilespmem:$0x1FFA0];
	v52 =	vmul.f32 v50, v61;
	v50 =	vmul.f32 v50, v7;
	v17 =	vadd.f32 v17, v46  }
0x49a: {  	v46 =	vmul.f32 v37, v60;
	v15 =	vadd.f32 v30, v15;
	v30 =	vmul.f32 v37, v0  }
0x49b: {  	v37 =	vmul.f32 v37, v7;
	v18 =	vadd.f32 v18, v23;
	v36 =	vadd.f32 v36, v56  }
0x49c: {  	v2 =	vld [tilespmem:$0x1FD70];
	v23 =	vmul.f32 v20, v60;
	v28 =	vadd.f32 v28, v54;
	v40 =	vadd.f32 v40, v57  }
0x49d: {  	v7 =	vmul.f32 v20, v1;
	v60 =	vld [tilespmem:$0x1FF90];
	v43 =	vadd.f32 v43, v49;
	v45 =	vadd.f32 v45, v9  }
0x49e: {  	v54 =	vmul.f32 v63, v59;
	v1 =	vld [tilespmem:$0x1FD40];
	v4 =	vadd.f32 v8, v4;
	v11 =	vadd.f32 v11, v62  }
0x49f: {  	v56 =	vld [tilespmem:$0x1FDB0];
	v26 =	vadd.f32 v26, v53;
	v53 =	vmul.f32 v20, v61;
	v20 =	vmul.f32 v20, v0  }
0x4a0: {  	v9 =	vld [tilespmem:$0x1FE30];
	v35 =	vadd.f32 v35, v52;
	v52 =	vbroadcast v13, $0x4;
	v38 =	vadd.f32 v38, v50  }
0x4a1: {  	v41 =	vadd.f32 v41, v46;
	v46 =	vmul.f32 v63, v2;
	v30 =	vadd.f32 v32, v30  }
0x4a2: {  	v5 =	vadd.f32 v5, v37;
	v6 =	vadd.f32 v6, v7;
	v7 =	vbroadcast v12, $0x5  }
0x4a3: {  	v0 =	vld [tilespmem:$0x1FDF0];
	v23 =	vadd.f32 v47, v23;
	v49 =	vmul.f32 v52, v59;
	v32 =	vmul.f32 v52, v2  }
0x4a4: {  	v50 =	vld [tilespmem:$0x1FE50];
	v24 =	vadd.f32 v24, v54;
	v3 =	vmul.f32 v63, v60;
	v44 =	vmul.f32 v63, v1  }
0x4a5: {  	v47 =	vadd.f32 v48, v53;
	v57 =	vmul.f32 v63, v56;
	v33 =	vmul.f32 v63, v9  }
0x4a6: {  	v20 =	vadd.f32 v21, v20;
	v48 =	vmul.f32 v55, v60;
	v21 =	vmul.f32 v55, v1  }
0x4a7: {  	v16 =	vadd.f32 v16, v46;
	v53 =	vmul.f32 v55, v56;
	v54 =	vmul.f32 v55, v9  }
0x4a8: {  	v8 =	vmul.f32 v52, v1;
	v40 =	vadd.f32 v40, v49;
	v58 =	vmul.f32 v63, v0  }
0x4a9: {  	v37 =	vmul.f32 v63, v50;
	v10 =	vadd.f32 v10, v3;
	v3 =	vmul.f32 v55, v59  }
0x4aa: {  	v62 =	vld [tilespmem:$0x1FD10];
	v50 =	vmul.f32 v55, v2;
	v25 =	vadd.f32 v25, v44;
	v44 =	vmul.f32 v55, v0  }
0x4ab: {  	v27 =	vadd.f32 v27, v57;
	v57 =	vmul.f32 v52, v56;
	v29 =	vadd.f32 v29, v33  }
0x4ac: {  	v61 =	vld [tilespmem:$0x1FE70];
	v33 =	vmul.f32 v52, v0;
	v22 =	vadd.f32 v22, v48;
	v48 =	vmul.f32 v19, v59  }
0x4ad: {  	v63 =	vld [tilespmem:$0x1FE50];
	v59 =	vmul.f32 v19, v1;
	v21 =	vadd.f32 v26, v21;
	v35 =	vadd.f32 v35, v53  }
0x4ae: {  	v26 =	vmul.f32 v19, v0;
	v28 =	vadd.f32 v28, v54;
	v54 =	vld [tilespmem:$0x1FD50];
	v17 =	vadd.f32 v17, v58  }
0x4af: {  	v53 =	vmul.f32 v14, v62;
	v15 =	vadd.f32 v15, v37;
	v43 =	vadd.f32 v43, v57;
	v57 =	vld [tilespmem:$0x1FE00]  }
0x4b0: {  	v58 =	vmul.f32 v52, v9;
	v3 =	vadd.f32 v18, v3;
	v1 =	vadd.f32 v4, v48;
	v4 =	vld [tilespmem:$0x1FEF0]  }
0x4b1: {  	v18 =	vmul.f32 v19, v2;
	v36 =	vadd.f32 v36, v44;
	v24 =	vadd.f32 v24, v53;
	v53 =	vld [tilespmem:$0x1FE00]  }
0x4b2: {  	v44 =	vmul.f32 v14, v61;
	v23 =	vadd.f32 v23, v59;
	v59 =	vld [tilespmem:$0x1FE40];
	v46 =	vmul.f32 v55, v63  }
0x4b3: {  	v30 =	vadd.f32 v30, v58;
	v58 =	vld [tilespmem:$0x1FE40];
	v55 =	vmul.f32 v52, v60;
	v37 =	vmul.f32 v52, v63  }
0x4b4: {  	v34 =	vadd.f32 v34, v50;
	v52 =	vmul.f32 v19, v60;
	v60 =	vmul.f32 v19, v56;
	v56 =	vld [tilespmem:$0x1FDC0]  }
0x4b5: {  	v11 =	vadd.f32 v11, v26;
	v19 =	vmul.f32 v19, v9;
	v49 =	vmul.f32 v14, v54;
	v54 =	vld [tilespmem:$0x1FE40]  }
0x4b6: {  	v26 =	vmul.f32 v7, v61;
	v6 =	vadd.f32 v6, v18;
	v39 =	vadd.f32 v39, v55;
	v55 =	vld [tilespmem:$0x1FD80]  }
0x4b7: {  	v9 =	vbroadcast v13, $0x5;
	v38 =	vadd.f32 v38, v46;
	v50 =	vadd.f32 v20, v19;
	v19 =	vld [tilespmem:$0x1FD50]  }
0x4b8: {  	v2 =	vadd.f32 v5, v37;
	v37 =	vmul.f32 v14, v57;
	v31 =	vadd.f32 v31, v52;
	v20 =	vld [tilespmem:$0x1FD80]  }
0x4b9: {  	v18 =	vadd.f32 v47, v60;
	v60 =	vmul.f32 v7, v62;
	v52 =	vld [tilespmem:$0x1FDC0];
	v46 =	vmul.f32 v7, v53  }
0x4ba: {  	v33 =	vadd.f32 v45, v33;
	v57 =	vld [tilespmem:$0x1FDC0];
	v48 =	vmul.f32 v14, v58;
	v45 =	vmul.f32 v14, v56  }
0x4bb: {  	v32 =	vadd.f32 v42, v32;
	v58 =	vld [tilespmem:$0x1FE00];
	v42 =	vmul.f32 v14, v55;
	v14 =	vmul.f32 v14, v4  }
0x4bc: {  	v25 =	vadd.f32 v25, v49;
	v49 =	vmul.f32 v7, v54;
	v56 =	vld [tilespmem:$0x1FD80];
	v29 =	vadd.f32 v29, v48  }
0x4bd: {  	v48 =	vmul.f32 v9, v59;
	v19 =	vmul.f32 v7, v19;
	v15 =	vadd.f32 v15, v14;
	v14 =	vld [tilespmem:$0x1FD50]  }
0x4be: {  	v0 =	vadd.f32 v10, v44;
	v20 =	vmul.f32 v7, v20;
	v44 =	vmul.f32 v7, v52;
	v55 =	vld [tilespmem:$0x1FD50]  }
0x4bf: {  	v17 =	vadd.f32 v17, v37;
	v7 =	vmul.f32 v7, v4;
	v52 =	vmul.f32 v9, v62  }
0x4c0: {  	v37 =	vmul.f32 v9, v57;
	v16 =	vadd.f32 v16, v42;
	v42 =	vmul.f32 v9, v61  }
0x4c1: {  	v54 =	vmul.f32 v9, v58;
	v53 =	vmul.f32 v9, v56  }
0x4c2: {  	v26 =	vadd.f32 v22, v26;
	v56 =	vmul.f32 v51, v62;
	v22 =	vmul.f32 v51, v14;
	v14 =	vld [tilespmem:$0x1FD80]  }
0x4c3: {  	v27 =	vadd.f32 v27, v45;
	v45 =	vmul.f32 v9, v55;
	v9 =	vmul.f32 v9, v4;
	v4 =	vld [tilespmem:$0x1F650]  }
0x4c4: {  	v34 =	vadd.f32 v34, v20;
	v20 =	vadd.f32 v1, v56;
	v1 =	vld [tilespmem:$0x1F6F0];
	_ =	sdelay $0x2  }
0x4c5: {  	v57 =	vmul.f32 v51, v14;
	v14 =	vld [tilespmem:$0x1FDC0]  }
0x4c6: {  	v0 =	vmul.f32 v0, v4  }
0x4c7: {  	v1 =	vmul.f32 v1, v15  }
0x4c8: {  	[tilespmem:s5+$0xFFFFFF00] =	vst v0;
	v0 =	vld [tilespmem:$0x1F670]  }
0x4c9: {  	[tilespmem:s5+$0xFFFFFF70] =	vst v1;
	v1 =	vld [tilespmem:$0x1F730]  }
0x4ca: {  	v3 =	vadd.f32 v3, v60;
	v60 =	vmul.f32 v51, v14;
	v14 =	vld [tilespmem:$0x1FE00];
	_ =	sdelay $0x3  }
0x4cb: {  	v55 =	vmul.f32 v51, v61;
	v4 =	vld [tilespmem:$0x1F660];
	v1 =	vmul.f32 v3, v1  }
0x4cc: {  	v0 =	vmul.f32 v25, v0;
	v61 =	vmul.f32 v51, v14;
	v14 =	vld [tilespmem:$0x1FE40]  }
0x4cd: {  	[tilespmem:s5+$0xFFFFFF90] =	vst v1;
	v1 =	vld [tilespmem:$0x1F780]  }
0x4ce: {  	[tilespmem:s5+$0xFFFFFF20] =	vst v0;
	v0 =	vld [tilespmem:$0x1F690];
	_ =	sdelay $0x1  }
0x4cf: {  	v36 =	vadd.f32 v36, v46  }
0x4d0: {  	v51 =	vmul.f32 v51, v14  }
0x4d1: {  	v14 =	vmul.f32 v24, v4;
	v24 =	vmul.f32 v1, v36;
	v1 =	vld [tilespmem:$0x1F790]  }
0x4d2: {  	v0 =	vmul.f32 v0, v27;
	_ =	sdelay $0x1  }
0x4d3: {  	v28 =	vadd.f32 v28, v49;
	[tilespmem:s5+$0xFFFFFF40] =	vst v0;
	v0 =	vld [tilespmem:$0x1F6D0]  }
0x4d4: {  	v4 =	vld [tilespmem:$0x1F680]  }
0x4d5: {  	v5 =	vmul.f32 v1, v28;
	v1 =	vld [tilespmem:$0x1F7B0];
	_ =	sdelay $0x2  }
0x4d6: {  	v38 =	vadd.f32 v38, v7  }
0x4d7: {  	[tilespmem:s5+$0xFFFFFF10] =	vst v14;
	v14 =	vmul.f32 v4, v16;
	v4 =	vld [tilespmem:$0x1F6B0]  }
0x4d8: {  	v0 =	vmul.f32 v0, v29;
	v25 =	vmul.f32 v1, v38;
	v1 =	vld [tilespmem:$0x1F7C0];
	_ =	sdelay $0x1  }
0x4d9: {  	[tilespmem:s5+$0xFFFFFF60] =	vst v0;
	v0 =	vld [tilespmem:$0x1F710]  }
0x4da: {  	v39 =	vadd.f32 v39, v42  }
0x4db: {  	v17 =	vmul.f32 v4, v17;
	v4 =	vld [tilespmem:$0x1F750]  }
0x4dc: {  	v10 =	vmul.f32 v39, v1;
	v1 =	vld [tilespmem:$0x1F7E0]  }
0x4dd: {  	v62 =	vadd.f32 v21, v19  }
0x4de: {  	v59 =	vld [tilespmem:$0x1FEA0];
	v21 =	vadd.f32 v23, v22;
	v22 =	vadd.f32 v6, v57;
	v6 =	vmul.f32 v26, v0  }
0x4df: {  	v40 =	vadd.f32 v40, v52;
	v58 =	vld [tilespmem:$0x1FE90]  }
0x4e0: {  	[tilespmem:s5+$0xFFFFFF80] =	vst v6;
	v6 =	vmul.f32 v4, v34;
	v4 =	vld [tilespmem:$0x1F770]  }
0x4e1: {  	v12 =	vmul.f32 v40, v1;
	v1 =	vld [tilespmem:$0x1F7F0]  }
0x4e2: {  	v41 =	vadd.f32 v41, v8;
	v7 =	vadd.f32 v33, v54;
	v33 =	vld [tilespmem:$0x1F6A0]  }
0x4e3: {  	v35 =	vadd.f32 v35, v44;
	v19 =	vadd.f32 v31, v55;
	v55 =	vld [tilespmem:$0x1FE60]  }
0x4e4: {  	v9 =	vadd.f32 v2, v9;
	v2 =	vld [tilespmem:$0x1F740];
	v16 =	vadd.f32 v41, v45  }
0x4e5: {  	v15 =	vld [tilespmem:$0x1F700]  }
0x4e6: {  	v0 =	vadd.f32 v11, v61;
	v11 =	vmul.f32 v4, v35;
	v4 =	vmul.f32 v16, v1;
	v1 =	vld [tilespmem:$0x1F810]  }
0x4e7: {  	v57 =	vld [tilespmem:$0x1FE80]  }
0x4e8: {  	v23 =	vadd.f32 v18, v60;
	v18 =	vld [tilespmem:$0x1F720]  }
0x4e9: {  	v32 =	vadd.f32 v32, v53;
	v29 =	vld [tilespmem:$0x1F6E0]  }
0x4ea: {  	s18 =	sadd.s32 $0x4, s18;
	v28 =	vld [tilespmem:$0x1F7A0]  }
0x4eb: {  	p1 =	slt.u32 s18, $0x7C;
	v3 =	vmul.f32 v62, v2;
	v8 =	vmul.f32 v1, v32;
	v1 =	vld [tilespmem:$0x1F820]  }
.Ltmp7:
0x4ec: {  	[tilespmem:s5+$0xFFFFFF30] =	vst v14;
	v14 =	vadd.f32 v30, v48;
	v30 =	vld [tilespmem:$0x1F6C0];
	(pc) =	sbr.rel @p1 .LBB2_10-.Ltmp7, $4  }
0x4ed: {  	[tilespmem:s5+$0xFFFFFFA0] =	vst v3;
	v34 =	vld [tilespmem:$0x1F760]  }
0x4ee: {  	v27 =	vadd.f32 v43, v37;
	[tilespmem:s5+$0xFFFFFFB0] =	vst v6;
	v6 =	vld [tilespmem:$0x1F7D0]  }
0x4ef: {  	[tilespmem:s5+$0xFFFFFFC0] =	vst v11;
	v11 =	vld [tilespmem:$0x1F800]  }
0x4f0: {  	s19 =	sadd.s32 $0x18, s19;
	s17 =	smov.u32 s5;
	v2 =	vadd.f32 v50, v51;
	[tilespmem:s5+$0xFFFFFF50] =	vst v17;
	v3 =	vmul.f32 v1, v27;
	v27 =	vld [tilespmem:$0x1F830]  }
0x4f1: {  	[tilespmem:s5+$0xFFFFFFD0] =	vst v24  }
0x4f2: {  	[tilespmem:s5+$0xFFFFFFE0] =	vst v5  }
0x4f3: {  	[tilespmem:s5+$0xFFFFFFF0] =	vst v25  }
0x4f4: {  	[tilespmem:s5+$0x0] =	vst v10  }
0x4f5: {  	[tilespmem:s5+$0x10] =	vst v12  }
0x4f6: {  	[tilespmem:s5+$0x20] =	vst v4  }
0x4f7: {  	v1 =	vmul.f32 v18, v7;
	[tilespmem:s5+$0x30] =	vst v8  }
0x4f8: {  	v56 =	vmul.f32 v33, v14;
	[tilespmem:s5+$0x40] =	vst v3  }
0x4f9: {  	v59 =	vmul.f32 v20, v30;
	[tilespmem:s5+$0x50] =	vst v1  }
0x4fa: {  	v57 =	vmul.f32 v34, v9;
	[tilespmem:s5+$0x60] =	vst v56  }
0x4fb: {  	v58 =	vmul.f32 v19, v6;
	[tilespmem:s5+$0x90] =	vst v59  }
0x4fc: {  	v61 =	vmul.f32 v28, v22;
	[tilespmem:s5+$0x70] =	vst v57  }
0x4fd: {  	v62 =	vmul.f32 v29, v23;
	[tilespmem:s5+$0x80] =	vst v58  }
0x4fe: {  	v0 =	vmul.f32 v11, v0;
	[tilespmem:s17+$0xB0] =	vst v61  }
0x4ff: {  	v63 =	vmul.f32 v15, v2;
	[tilespmem:s17+$0xC0] =	vst v62  }
0x500: {  	v60 =	vmul.f32 v21, v27;
	[tilespmem:s17+$0xD0] =	vst v0  }
0x501: {  	[tilespmem:s17+$0xE0] =	vst v63  }
.Ltmp8:
0x502: {  	[tilespmem:s17+$0xA0] =	vst v60;
	(pc) =	sbr.rel .LBB2_12-.Ltmp8, $4  }
0x503: {  	[spmem:s6] =	stream.indirect.scatter.add.f32 [tilespmem:s7], [sflag:$0x3], $0x80, s26, s3, $0xb8;
	[tilespmem:$0x1CB00] =	vst v63  }
0x504: {  	_ =	swait.ge [sflag:s23], $0x4000  }
0x505: {  	[sflag:s23] =	ssyncset.done $0x0  }
0x506: {  	[sflag:s23] =	ssyncadd.s32 $0xFFFFC000  }
.LBB2_13:
0x507: {  	_ =	sfence.sel $0x180000  }
0x508: {  	[bflag:$0x0] =	sbarrier.arrive $0xFFFF  }
0x509: {  	_ =	strace $0x90000047  }
0x50a: {  	s0 =	stileid.u32;
	[bflag:$0x2] =	sbarrier.arrive $0xFFFF  }
0x50b: {  	p0 =	sne.s32 s0, $0x0;
	s0 =	rddreg [dreg:$0x6]  }
0x50c: {  	s0 =	sadd.s32 @!p0 $0x100000, s0  }
0x50d: {  	[sflag:s0] =	ssyncadd.tile.s32 @!p0 $0x1;
	_ =	shalt  }
.Lfunc_end2:
_tile_overlayer_lowered:
.L_overlay_start_2:
0x50e: {  	(tag) =	ssettag $0x2  }
0x50f: {  	s0 =	rddreg [dreg:$0x0];
	s2 =	stileid.u32  }
0x510: {  	s1 =	rddreg [dreg:$0x1];
	p0 =	sne.s32 s2, $0x0  }
0x511: {  	s3 =	rddreg [dreg:$0x2];
	[bflag:$0x3] =	sbarrier.arrive $0xFFFF;
	s2 =	simm.s32 @!p0 $0x1C03  }
0x512: {  	[timem:s3], [sflag:s2] =	dma.local @!p0 [hbm:s0], s1  }
0x513: {  	s0 =	simm.s32 @!p0 $0x3  }
0x514: {  	_ =	swait.ge @!p0 [sflag:s0], s1  }
0x515: {  	s1 =	ssub.s32 @!p0 $0x0, s1;
	[sflag:s0] =	ssyncset.done @!p0 $0x0  }
0x516: {  	[sflag:s0] =	ssyncadd.s32 @!p0 s1  }
0x517: {  	[bflag:$0x3] =	sbarrier.arrive $0xFFFF  }
0x518: {  	_ =	shalt  }

</sc_bundles>
